<compile_context>
chip_gen: v7x
topology: tpu7x:2x2x1
jax: 0.10.2.dev20260603
libtpu: 0.0.44.dev20260713+nightly
codegen_flags: <defaults>
</compile_context>

<pallas_src>
import functools

import jax
import jax.numpy as jnp
from jax import lax
from jax.experimental import pallas as pl
from jax.experimental.pallas import tpu as pltpu
from jax.experimental.pallas import tpu_sc as plsc

_BROWS = 4
_NBUF = 4


@functools.lru_cache(maxsize=None)
def _build(batch, fields, d, nc, ns):
    nw = nc * ns
    chunk = _BROWS * fields
    n_chunks = batch // _BROWS
    n_w = n_chunks // nw
    mesh = plsc.VectorSubcoreMesh(
        core_axis_name="c", subcore_axis_name="s",
        num_cores=nc, num_subcores=ns)

    @functools.partial(
        pl.kernel,
        out_type=jax.ShapeDtypeStruct((batch, 32, 128), jnp.float32),
        mesh=mesh,
        compiler_params=pltpu.CompilerParams(
            use_tc_tiling_on_sc=False, needs_layout_passes=False),
        scratch_types=[
            pltpu.VMEM((n_w, chunk), jnp.int32),
            pltpu.VMEM((_NBUF, chunk, d), jnp.float32),
            pltpu.SemaphoreType.DMA,
            pltpu.SemaphoreType.DMA,
        ],
    )
    def gather_kernel(idx_hbm, table_hbm, out_hbm, idx_v, rows_v, gsem, osem):
        wid = lax.axis_index("s") * nc + lax.axis_index("c")
        chunk_base = wid * n_w
        pltpu.sync_copy(idx_hbm.at[pl.ds(chunk_base, n_w)], idx_v)

        def issue(j, b):
            pltpu.async_copy(
                table_hbm.at[idx_v.at[j]], rows_v.at[b], gsem)

        def drain_gather(b):
            pltpu.make_async_copy(
                table_hbm.at[pl.ds(0, chunk)], rows_v.at[b], gsem).wait()

        def store(j, b):
            b0 = (chunk_base + j) * _BROWS
            for i in range(_BROWS):
                pltpu.async_copy(
                    rows_v.at[b].at[pl.ds(i * fields, fields)],
                    out_hbm.at[b0 + i, pl.ds(0, fields), pl.ds(0, d)], osem)

        def drain_store(b):
            for i in range(_BROWS):
                pltpu.make_async_copy(
                    rows_v.at[b].at[pl.ds(i * fields, fields)],
                    out_hbm.at[0, pl.ds(0, fields), pl.ds(0, d)], osem).wait()

        for b in range(_NBUF):
            issue(b, b)

        @pl.loop(0, n_w - _NBUF, step=_NBUF)
        def _(g):
            for b in range(_NBUF):
                j = g + b
                drain_gather(b)
                store(j, b)
                drain_store(b)
                issue(j + _NBUF, b)

        for b in range(_NBUF):
            j = n_w - _NBUF + b
            drain_gather(b)
            store(j, b)
            drain_store(b)

    return gather_kernel


def kernel(x, table):
    batch, fields = x.shape
    vocab, d = table.shape
    idx = (x.astype(jnp.int32) * 2).reshape(batch // _BROWS, _BROWS * fields)
    tablep = jnp.concatenate(
        [table, jnp.zeros((vocab, 128 - d), jnp.float32)], axis=1)
    table2 = tablep.reshape(2 * vocab, d)
    fn = _build(batch, fields, d, 2, 16)
    out = fn(idx, table2)
    return out[:, :fields, :d]

# --- scband reference (transcript-rebuilt; emitter-appended) ---
"""Pipeline reference for scband-embedding-84817014162017 (READ-ONLY COPY).

The authoritative reference and input builder live on the scoring server;
editing this copy changes nothing except your own understanding.
"""

import jax, jax.numpy as jnp
import numpy as np

VOCAB = 1000000
EMBED_DIM = 64
BATCH = 16384
FIELDS = 26

def setup_inputs(seed: int = 0) -> dict:
    key = jax.random.key(seed)
    k_idx, k_tab = jax.random.split(key)
    x = jax.random.randint(k_idx, (BATCH, FIELDS), 0, VOCAB, dtype=jnp.int64 if jax.config.jax_enable_x64 else jnp.int32)
    table = jax.random.normal(k_tab, (VOCAB, EMBED_DIM), dtype=jnp.float32)
    return {"x": x, "table": table}

def reference(x, table):
    # nn.Embedding forward: row gather from the embedding table
    return jnp.take(table, x, axis=0)

if __name__ == "__main__":
    import jax
    _d = setup_inputs()
    print(jax.jit(kernel)(*tuple(_d.values())))

</pallas_src>

<mosaic_0001>
#map = affine_map<(d0, d1) -> (0, 0)>
#map1 = affine_map<(d0, d1) -> (0, 0, 0)>
module attributes {stable_mosaic.version = 14 : i64} {
  func.func @gather_kernel(%arg0: i32, %arg1: i32, %arg2: memref<4096x104xi32, #tpu.memory_space<hbm>>, %arg3: memref<2000000x64xf32, #tpu.memory_space<hbm>>, %arg4: memref<16384x32x128xf32, #tpu.memory_space<hbm>>, %arg5: memref<128x104xi32, #tpu.memory_space<vmem>>, %arg6: memref<4x104x64xf32, #tpu.memory_space<vmem>>, %arg7: memref<!tpu.dma_semaphore, #tpu.memory_space<semaphore_mem>>, %arg8: memref<!tpu.dma_semaphore, #tpu.memory_space<semaphore_mem>>) attributes {dimension_semantics = [#tpu.dimension_semantics<core_parallel>, #tpu.dimension_semantics<subcore_parallel>], iteration_bounds = array<i64: 2, 16>, scalar_prefetch = 0 : i64, scratch_operands = 4 : i64, tpu.core_type = #tpu.core_type<sc_vector_subcore>, window_params = [{transform_indices = #map}, {transform_indices = #map}, {transform_indices = #map1}]} {
    %mul3A = arith.constant 2 : i32
    %mul3A_0 = arith.muli %arg1, %mul3A : i32
    %add3A = arith.addi %mul3A_0, %arg0 : i32
    %mul3A_1 = arith.constant 128 : i32
    %mul3A_2 = arith.muli %add3A, %mul3A_1 : i32
    "tpu.region"() ({
      %run_scoped3A = tpu.sem_alloc : memref<!tpu.dma_semaphore, #tpu.memory_space<semaphore_mem>>
      %dma_start3A_913 = arith.constant 0 : i32
      %dma_start3A_914 = tpu.memref_slice %arg2[%mul3A_2, %dma_start3A_913] : memref<4096x104xi32, #tpu.memory_space<hbm>> -> memref<128x104xi32, #tpu.memory_space<hbm>>
      %dma_start3A_915 = arith.constant 0 : i32
      %dma_start3A_916 = tpu.memref_slice %arg2[%mul3A_2, %dma_start3A_915] : memref<4096x104xi32, #tpu.memory_space<hbm>> -> memref<128x104xi32, #tpu.memory_space<hbm>>
      tpu.enqueue_dma source(%dma_start3A_916 : memref<128x104xi32, #tpu.memory_space<hbm>>) target(%arg5 : memref<128x104xi32, #tpu.memory_space<vmem>>) target_semaphore(%run_scoped3A : memref<!tpu.dma_semaphore, #tpu.memory_space<semaphore_mem>>)
      %dma_wait3A_917 = arith.constant 0 : i32
      %dma_wait3A_918 = tpu.memref_slice %arg2[%mul3A_2, %dma_wait3A_917] : memref<4096x104xi32, #tpu.memory_space<hbm>> -> memref<128x104xi32, #tpu.memory_space<hbm>>
      %dma_wait3A_919 = arith.constant 0 : i32
      %dma_wait3A_920 = tpu.memref_slice %arg2[%mul3A_2, %dma_wait3A_919] : memref<4096x104xi32, #tpu.memory_space<hbm>> -> memref<128x104xi32, #tpu.memory_space<hbm>>
      tpu.wait_dma2 semaphore(%run_scoped3A : memref<!tpu.dma_semaphore, #tpu.memory_space<semaphore_mem>>) src(%dma_wait3A_920 : memref<128x104xi32, #tpu.memory_space<hbm>>) dst(%arg5 : memref<128x104xi32, #tpu.memory_space<vmem>>)
      tpu.yield
    }) : () -> ()
    %dma_start3A = arith.constant 0 : i32
    %dma_start3A_3 = arith.constant 0 : i32
    %dma_start3A_4 = arith.constant 0 : i32
    %dma_start3A_5 = arith.constant 0 : i32
    %dma_start3A_6 = tpu.memref_slice %arg6[%dma_start3A_3, %dma_start3A_4, %dma_start3A_5] : memref<4x104x64xf32, #tpu.memory_space<vmem>> -> memref<1x104x64xf32, #tpu.memory_space<vmem>>
    %dma_start3A_7 = tpu.memref_squeeze %dma_start3A_6 : memref<1x104x64xf32, #tpu.memory_space<vmem>> -> memref<104x64xf32, #tpu.memory_space<vmem>>
    %dma_start3A_8 = arith.constant 0 : i32
    %dma_start3A_9 = tpu.memref_slice %arg5[%dma_start3A, %dma_start3A_8] : memref<128x104xi32, #tpu.memory_space<vmem>> -> memref<1x104xi32, #tpu.memory_space<vmem>>
    %dma_start3A_10 = tpu.memref_squeeze %dma_start3A_9 : memref<1x104xi32, #tpu.memory_space<vmem>> -> memref<104xi32, #tpu.memory_space<vmem>>
    %dma_start3A_11 = arith.constant 0 : i32
    %dma_start3A_12 = arith.constant 0 : i32
    %dma_start3A_13 = tpu.memref_slice %arg3[%dma_start3A_11, %dma_start3A_12] : memref<2000000x64xf32, #tpu.memory_space<hbm>> -> memref<2000000x64xf32, #tpu.memory_space<hbm>>
    tpu.enqueue_indirect_dma source(%dma_start3A_13 : memref<2000000x64xf32, #tpu.memory_space<hbm>>) target(%dma_start3A_7 : memref<104x64xf32, #tpu.memory_space<vmem>>) offsets(%dma_start3A_10 : memref<104xi32, #tpu.memory_space<vmem>>) semaphore(%arg7 : memref<!tpu.dma_semaphore, #tpu.memory_space<semaphore_mem>>)
    %dma_start3A_14 = arith.constant 1 : i32
    %dma_start3A_15 = arith.constant 1 : i32
    %dma_start3A_16 = arith.constant 0 : i32
    %dma_start3A_17 = arith.constant 0 : i32
    %dma_start3A_18 = tpu.memref_slice %arg6[%dma_start3A_15, %dma_start3A_16, %dma_start3A_17] : memref<4x104x64xf32, #tpu.memory_space<vmem>> -> memref<1x104x64xf32, #tpu.memory_space<vmem>>
    %dma_start3A_19 = tpu.memref_squeeze %dma_start3A_18 : memref<1x104x64xf32, #tpu.memory_space<vmem>> -> memref<104x64xf32, #tpu.memory_space<vmem>>
    %dma_start3A_20 = arith.constant 0 : i32
    %dma_start3A_21 = tpu.memref_slice %arg5[%dma_start3A_14, %dma_start3A_20] : memref<128x104xi32, #tpu.memory_space<vmem>> -> memref<1x104xi32, #tpu.memory_space<vmem>>
    %dma_start3A_22 = tpu.memref_squeeze %dma_start3A_21 : memref<1x104xi32, #tpu.memory_space<vmem>> -> memref<104xi32, #tpu.memory_space<vmem>>
    %dma_start3A_23 = arith.constant 0 : i32
    %dma_start3A_24 = arith.constant 0 : i32
    %dma_start3A_25 = tpu.memref_slice %arg3[%dma_start3A_23, %dma_start3A_24] : memref<2000000x64xf32, #tpu.memory_space<hbm>> -> memref<2000000x64xf32, #tpu.memory_space<hbm>>
    tpu.enqueue_indirect_dma source(%dma_start3A_25 : memref<2000000x64xf32, #tpu.memory_space<hbm>>) target(%dma_start3A_19 : memref<104x64xf32, #tpu.memory_space<vmem>>) offsets(%dma_start3A_22 : memref<104xi32, #tpu.memory_space<vmem>>) semaphore(%arg7 : memref<!tpu.dma_semaphore, #tpu.memory_space<semaphore_mem>>)
    %dma_start3A_26 = arith.constant 2 : i32
    %dma_start3A_27 = arith.constant 2 : i32
    %dma_start3A_28 = arith.constant 0 : i32
    %dma_start3A_29 = arith.constant 0 : i32
    %dma_start3A_30 = tpu.memref_slice %arg6[%dma_start3A_27, %dma_start3A_28, %dma_start3A_29] : memref<4x104x64xf32, #tpu.memory_space<vmem>> -> memref<1x104x64xf32, #tpu.memory_space<vmem>>
    %dma_start3A_31 = tpu.memref_squeeze %dma_start3A_30 : memref<1x104x64xf32, #tpu.memory_space<vmem>> -> memref<104x64xf32, #tpu.memory_space<vmem>>
    %dma_start3A_32 = arith.constant 0 : i32
    %dma_start3A_33 = tpu.memref_slice %arg5[%dma_start3A_26, %dma_start3A_32] : memref<128x104xi32, #tpu.memory_space<vmem>> -> memref<1x104xi32, #tpu.memory_space<vmem>>
    %dma_start3A_34 = tpu.memref_squeeze %dma_start3A_33 : memref<1x104xi32, #tpu.memory_space<vmem>> -> memref<104xi32, #tpu.memory_space<vmem>>
    %dma_start3A_35 = arith.constant 0 : i32
    %dma_start3A_36 = arith.constant 0 : i32
    %dma_start3A_37 = tpu.memref_slice %arg3[%dma_start3A_35, %dma_start3A_36] : memref<2000000x64xf32, #tpu.memory_space<hbm>> -> memref<2000000x64xf32, #tpu.memory_space<hbm>>
    tpu.enqueue_indirect_dma source(%dma_start3A_37 : memref<2000000x64xf32, #tpu.memory_space<hbm>>) target(%dma_start3A_31 : memref<104x64xf32, #tpu.memory_space<vmem>>) offsets(%dma_start3A_34 : memref<104xi32, #tpu.memory_space<vmem>>) semaphore(%arg7 : memref<!tpu.dma_semaphore, #tpu.memory_space<semaphore_mem>>)
    %dma_start3A_38 = arith.constant 3 : i32
    %dma_start3A_39 = arith.constant 3 : i32
    %dma_start3A_40 = arith.constant 0 : i32
    %dma_start3A_41 = arith.constant 0 : i32
    %dma_start3A_42 = tpu.memref_slice %arg6[%dma_start3A_39, %dma_start3A_40, %dma_start3A_41] : memref<4x104x64xf32, #tpu.memory_space<vmem>> -> memref<1x104x64xf32, #tpu.memory_space<vmem>>
    %dma_start3A_43 = tpu.memref_squeeze %dma_start3A_42 : memref<1x104x64xf32, #tpu.memory_space<vmem>> -> memref<104x64xf32, #tpu.memory_space<vmem>>
    %dma_start3A_44 = arith.constant 0 : i32
    %dma_start3A_45 = tpu.memref_slice %arg5[%dma_start3A_38, %dma_start3A_44] : memref<128x104xi32, #tpu.memory_space<vmem>> -> memref<1x104xi32, #tpu.memory_space<vmem>>
    %dma_start3A_46 = tpu.memref_squeeze %dma_start3A_45 : memref<1x104xi32, #tpu.memory_space<vmem>> -> memref<104xi32, #tpu.memory_space<vmem>>
    %dma_start3A_47 = arith.constant 0 : i32
    %dma_start3A_48 = arith.constant 0 : i32
    %dma_start3A_49 = tpu.memref_slice %arg3[%dma_start3A_47, %dma_start3A_48] : memref<2000000x64xf32, #tpu.memory_space<hbm>> -> memref<2000000x64xf32, #tpu.memory_space<hbm>>
    tpu.enqueue_indirect_dma source(%dma_start3A_49 : memref<2000000x64xf32, #tpu.memory_space<hbm>>) target(%dma_start3A_43 : memref<104x64xf32, #tpu.memory_space<vmem>>) offsets(%dma_start3A_46 : memref<104xi32, #tpu.memory_space<vmem>>) semaphore(%arg7 : memref<!tpu.dma_semaphore, #tpu.memory_space<semaphore_mem>>)
    %scan3A = arith.constant 0 : i32
    %scan3A_50 = arith.constant 31 : i32
    %scan3A_51 = arith.addi %scan3A, %scan3A_50 : i32
    %scan3A_52 = arith.constant 1 : i32
    scf.for %scan3A_913 = %scan3A to %scan3A_51 step %scan3A_52  : i32 {
      %mul3A_914 = arith.constant 4 : i32
      %mul3A_915 = arith.muli %scan3A_913, %mul3A_914 : i32
      %add3A_916 = arith.constant 0 : i32
      %add3A_917 = arith.addi %add3A_916, %mul3A_915 : i32
      %add3A_918 = arith.constant 0 : i32
      %add3A_919 = arith.addi %add3A_917, %add3A_918 : i32
      %dma_wait3A_920 = arith.constant 0 : i32
      %dma_wait3A_921 = arith.constant 0 : i32
      %dma_wait3A_922 = arith.constant 0 : i32
      %dma_wait3A_923 = tpu.memref_slice %arg6[%dma_wait3A_920, %dma_wait3A_921, %dma_wait3A_922] : memref<4x104x64xf32, #tpu.memory_space<vmem>> -> memref<1x104x64xf32, #tpu.memory_space<vmem>>
      %dma_wait3A_924 = tpu.memref_squeeze %dma_wait3A_923 : memref<1x104x64xf32, #tpu.memory_space<vmem>> -> memref<104x64xf32, #tpu.memory_space<vmem>>
      %dma_wait3A_925 = arith.constant 0 : i32
      %dma_wait3A_926 = arith.constant 0 : i32
      %dma_wait3A_927 = tpu.memref_slice %arg3[%dma_wait3A_925, %dma_wait3A_926] : memref<2000000x64xf32, #tpu.memory_space<hbm>> -> memref<104x64xf32, #tpu.memory_space<hbm>>
      %dma_wait3A_928 = arith.constant 0 : i32
      %dma_wait3A_929 = arith.constant 0 : i32
      %dma_wait3A_930 = tpu.memref_slice %arg6[%dma_wait3A_920, %dma_wait3A_928, %dma_wait3A_929] : memref<4x104x64xf32, #tpu.memory_space<vmem>> -> memref<1x104x64xf32, #tpu.memory_space<vmem>>
      %dma_wait3A_931 = tpu.memref_squeeze %dma_wait3A_930 : memref<1x104x64xf32, #tpu.memory_space<vmem>> -> memref<104x64xf32, #tpu.memory_space<vmem>>
      %dma_wait3A_932 = arith.constant 0 : i32
      %dma_wait3A_933 = arith.constant 0 : i32
      %dma_wait3A_934 = tpu.memref_slice %arg3[%dma_wait3A_932, %dma_wait3A_933] : memref<2000000x64xf32, #tpu.memory_space<hbm>> -> memref<104x64xf32, #tpu.memory_space<hbm>>
      tpu.wait_dma2 semaphore(%arg7 : memref<!tpu.dma_semaphore, #tpu.memory_space<semaphore_mem>>) src(%dma_wait3A_934 : memref<104x64xf32, #tpu.memory_space<hbm>>) dst(%dma_wait3A_931 : memref<104x64xf32, #tpu.memory_space<vmem>>)
      %add3A_935 = arith.addi %mul3A_2, %add3A_919 : i32
      %mul3A_936 = arith.constant 4 : i32
      %mul3A_937 = arith.muli %add3A_935, %mul3A_936 : i32
      %add3A_938 = arith.constant 0 : i32
      %add3A_939 = arith.addi %mul3A_937, %add3A_938 : i32
      %dma_start3A_940 = arith.constant 0 : i32
      %dma_start3A_941 = arith.constant 0 : i32
      %dma_start3A_942 = arith.constant 0 : i32
      %dma_start3A_943 = tpu.memref_slice %arg6[%dma_start3A_940, %dma_start3A_941, %dma_start3A_942] : memref<4x104x64xf32, #tpu.memory_space<vmem>> -> memref<1x104x64xf32, #tpu.memory_space<vmem>>
      %dma_start3A_944 = tpu.memref_squeeze %dma_start3A_943 : memref<1x104x64xf32, #tpu.memory_space<vmem>> -> memref<104x64xf32, #tpu.memory_space<vmem>>
      %dma_start3A_945 = arith.constant 0 : i32
      %dma_start3A_946 = arith.constant 0 : i32
      %dma_start3A_947 = tpu.memref_slice %dma_start3A_944[%dma_start3A_945, %dma_start3A_946] : memref<104x64xf32, #tpu.memory_space<vmem>> -> memref<26x64xf32, #tpu.memory_space<vmem>>
      %dma_start3A_948 = arith.constant 0 : i32
      %dma_start3A_949 = arith.constant 0 : i32
      %dma_start3A_950 = tpu.memref_slice %arg4[%add3A_939, %dma_start3A_948, %dma_start3A_949] : memref<16384x32x128xf32, #tpu.memory_space<hbm>> -> memref<1x26x64xf32, #tpu.memory_space<hbm>>
      %dma_start3A_951 = tpu.memref_squeeze %dma_start3A_950 : memref<1x26x64xf32, #tpu.memory_space<hbm>> -> memref<26x64xf32, #tpu.memory_space<hbm>>
      %dma_start3A_952 = arith.constant 0 : i32
      %dma_start3A_953 = arith.constant 0 : i32
      %dma_start3A_954 = tpu.memref_slice %arg4[%add3A_939, %dma_start3A_952, %dma_start3A_953] : memref<16384x32x128xf32, #tpu.memory_space<hbm>> -> memref<1x26x64xf32, #tpu.memory_space<hbm>>
      %dma_start3A_955 = tpu.memref_squeeze %dma_start3A_954 : memref<1x26x64xf32, #tpu.memory_space<hbm>> -> memref<26x64xf32, #tpu.memory_space<hbm>>
      %dma_start3A_956 = arith.constant 0 : i32
      %dma_start3A_957 = arith.constant 0 : i32
      %dma_start3A_958 = tpu.memref_slice %arg6[%dma_start3A_940, %dma_start3A_956, %dma_start3A_957] : memref<4x104x64xf32, #tpu.memory_space<vmem>> -> memref<1x104x64xf32, #tpu.memory_space<vmem>>
      %dma_start3A_959 = tpu.memref_squeeze %dma_start3A_958 : memref<1x104x64xf32, #tpu.memory_space<vmem>> -> memref<104x64xf32, #tpu.memory_space<vmem>>
      %dma_start3A_960 = arith.constant 0 : i32
      %dma_start3A_961 = arith.constant 0 : i32
      %dma_start3A_962 = tpu.memref_slice %dma_start3A_959[%dma_start3A_960, %dma_start3A_961] : memref<104x64xf32, #tpu.memory_space<vmem>> -> memref<26x64xf32, #tpu.memory_space<vmem>>
      tpu.enqueue_dma source(%dma_start3A_962 : memref<26x64xf32, #tpu.memory_space<vmem>>) target(%dma_start3A_955 : memref<26x64xf32, #tpu.memory_space<hbm>>) target_semaphore(%arg8 : memref<!tpu.dma_semaphore, #tpu.memory_space<semaphore_mem>>)
      %add3A_963 = arith.constant 1 : i32
      %add3A_964 = arith.addi %mul3A_937, %add3A_963 : i32
      %dma_start3A_965 = arith.constant 0 : i32
      %dma_start3A_966 = arith.constant 0 : i32
      %dma_start3A_967 = arith.constant 0 : i32
      %dma_start3A_968 = tpu.memref_slice %arg6[%dma_start3A_965, %dma_start3A_966, %dma_start3A_967] : memref<4x104x64xf32, #tpu.memory_space<vmem>> -> memref<1x104x64xf32, #tpu.memory_space<vmem>>
      %dma_start3A_969 = tpu.memref_squeeze %dma_start3A_968 : memref<1x104x64xf32, #tpu.memory_space<vmem>> -> memref<104x64xf32, #tpu.memory_space<vmem>>
      %dma_start3A_970 = arith.constant 26 : i32
      %dma_start3A_971 = arith.constant 0 : i32
      %dma_start3A_972 = tpu.memref_slice %dma_start3A_969[%dma_start3A_970, %dma_start3A_971] : memref<104x64xf32, #tpu.memory_space<vmem>> -> memref<26x64xf32, #tpu.memory_space<vmem>>
      %dma_start3A_973 = arith.constant 0 : i32
      %dma_start3A_974 = arith.constant 0 : i32
      %dma_start3A_975 = tpu.memref_slice %arg4[%add3A_964, %dma_start3A_973, %dma_start3A_974] : memref<16384x32x128xf32, #tpu.memory_space<hbm>> -> memref<1x26x64xf32, #tpu.memory_space<hbm>>
      %dma_start3A_976 = tpu.memref_squeeze %dma_start3A_975 : memref<1x26x64xf32, #tpu.memory_space<hbm>> -> memref<26x64xf32, #tpu.memory_space<hbm>>
      %dma_start3A_977 = arith.constant 0 : i32
      %dma_start3A_978 = arith.constant 0 : i32
      %dma_start3A_979 = tpu.memref_slice %arg4[%add3A_964, %dma_start3A_977, %dma_start3A_978] : memref<16384x32x128xf32, #tpu.memory_space<hbm>> -> memref<1x26x64xf32, #tpu.memory_space<hbm>>
      %dma_start3A_980 = tpu.memref_squeeze %dma_start3A_979 : memref<1x26x64xf32, #tpu.memory_space<hbm>> -> memref<26x64xf32, #tpu.memory_space<hbm>>
      %dma_start3A_981 = arith.constant 0 : i32
      %dma_start3A_982 = arith.constant 0 : i32
      %dma_start3A_983 = tpu.memref_slice %arg6[%dma_start3A_965, %dma_start3A_981, %dma_start3A_982] : memref<4x104x64xf32, #tpu.memory_space<vmem>> -> memref<1x104x64xf32, #tpu.memory_space<vmem>>
      %dma_start3A_984 = tpu.memref_squeeze %dma_start3A_983 : memref<1x104x64xf32, #tpu.memory_space<vmem>> -> memref<104x64xf32, #tpu.memory_space<vmem>>
      %dma_start3A_985 = arith.constant 26 : i32
      %dma_start3A_986 = arith.constant 0 : i32
      %dma_start3A_987 = tpu.memref_slice %dma_start3A_984[%dma_start3A_985, %dma_start3A_986] : memref<104x64xf32, #tpu.memory_space<vmem>> -> memref<26x64xf32, #tpu.memory_space<vmem>>
      tpu.enqueue_dma source(%dma_start3A_987 : memref<26x64xf32, #tpu.memory_space<vmem>>) target(%dma_start3A_980 : memref<26x64xf32, #tpu.memory_space<hbm>>) target_semaphore(%arg8 : memref<!tpu.dma_semaphore, #tpu.memory_space<semaphore_mem>>)
      %add3A_988 = arith.constant 2 : i32
      %add3A_989 = arith.addi %mul3A_937, %add3A_988 : i32
      %dma_start3A_990 = arith.constant 0 : i32
      %dma_start3A_991 = arith.constant 0 : i32
      %dma_start3A_992 = arith.constant 0 : i32
      %dma_start3A_993 = tpu.memref_slice %arg6[%dma_start3A_990, %dma_start3A_991, %dma_start3A_992] : memref<4x104x64xf32, #tpu.memory_space<vmem>> -> memref<1x104x64xf32, #tpu.memory_space<vmem>>
      %dma_start3A_994 = tpu.memref_squeeze %dma_start3A_993 : memref<1x104x64xf32, #tpu.memory_space<vmem>> -> memref<104x64xf32, #tpu.memory_space<vmem>>
      %dma_start3A_995 = arith.constant 52 : i32
      %dma_start3A_996 = arith.constant 0 : i32
      %dma_start3A_997 = tpu.memref_slice %dma_start3A_994[%dma_start3A_995, %dma_start3A_996] : memref<104x64xf32, #tpu.memory_space<vmem>> -> memref<26x64xf32, #tpu.memory_space<vmem>>
      %dma_start3A_998 = arith.constant 0 : i32
      %dma_start3A_999 = arith.constant 0 : i32
      %dma_start3A_1000 = tpu.memref_slice %arg4[%add3A_989, %dma_start3A_998, %dma_start3A_999] : memref<16384x32x128xf32, #tpu.memory_space<hbm>> -> memref<1x26x64xf32, #tpu.memory_space<hbm>>
      %dma_start3A_1001 = tpu.memref_squeeze %dma_start3A_1000 : memref<1x26x64xf32, #tpu.memory_space<hbm>> -> memref<26x64xf32, #tpu.memory_space<hbm>>
      %dma_start3A_1002 = arith.constant 0 : i32
      %dma_start3A_1003 = arith.constant 0 : i32
      %dma_start3A_1004 = tpu.memref_slice %arg4[%add3A_989, %dma_start3A_1002, %dma_start3A_1003] : memref<16384x32x128xf32, #tpu.memory_space<hbm>> -> memref<1x26x64xf32, #tpu.memory_space<hbm>>
      %dma_start3A_1005 = tpu.memref_squeeze %dma_start3A_1004 : memref<1x26x64xf32, #tpu.memory_space<hbm>> -> memref<26x64xf32, #tpu.memory_space<hbm>>
      %dma_start3A_1006 = arith.constant 0 : i32
      %dma_start3A_1007 = arith.constant 0 : i32
      %dma_start3A_1008 = tpu.memref_slice %arg6[%dma_start3A_990, %dma_start3A_1006, %dma_start3A_1007] : memref<4x104x64xf32, #tpu.memory_space<vmem>> -> memref<1x104x64xf32, #tpu.memory_space<vmem>>
      %dma_start3A_1009 = tpu.memref_squeeze %dma_start3A_1008 : memref<1x104x64xf32, #tpu.memory_space<vmem>> -> memref<104x64xf32, #tpu.memory_space<vmem>>
      %dma_start3A_1010 = arith.constant 52 : i32
      %dma_start3A_1011 = arith.constant 0 : i32
      %dma_start3A_1012 = tpu.memref_slice %dma_start3A_1009[%dma_start3A_1010, %dma_start3A_1011] : memref<104x64xf32, #tpu.memory_space<vmem>> -> memref<26x64xf32, #tpu.memory_space<vmem>>
      tpu.enqueue_dma source(%dma_start3A_1012 : memref<26x64xf32, #tpu.memory_space<vmem>>) target(%dma_start3A_1005 : memref<26x64xf32, #tpu.memory_space<hbm>>) target_semaphore(%arg8 : memref<!tpu.dma_semaphore, #tpu.memory_space<semaphore_mem>>)
      %add3A_1013 = arith.constant 3 : i32
      %add3A_1014 = arith.addi %mul3A_937, %add3A_1013 : i32
      %dma_start3A_1015 = arith.constant 0 : i32
      %dma_start3A_1016 = arith.constant 0 : i32
      %dma_start3A_1017 = arith.constant 0 : i32
      %dma_start3A_1018 = tpu.memref_slice %arg6[%dma_start3A_1015, %dma_start3A_1016, %dma_start3A_1017] : memref<4x104x64xf32, #tpu.memory_space<vmem>> -> memref<1x104x64xf32, #tpu.memory_space<vmem>>
      %dma_start3A_1019 = tpu.memref_squeeze %dma_start3A_1018 : memref<1x104x64xf32, #tpu.memory_space<vmem>> -> memref<104x64xf32, #tpu.memory_space<vmem>>
      %dma_start3A_1020 = arith.constant 78 : i32
      %dma_start3A_1021 = arith.constant 0 : i32
      %dma_start3A_1022 = tpu.memref_slice %dma_start3A_1019[%dma_start3A_1020, %dma_start3A_1021] : memref<104x64xf32, #tpu.memory_space<vmem>> -> memref<26x64xf32, #tpu.memory_space<vmem>>
      %dma_start3A_1023 = arith.constant 0 : i32
      %dma_start3A_1024 = arith.constant 0 : i32
      %dma_start3A_1025 = tpu.memref_slice %arg4[%add3A_1014, %dma_start3A_1023, %dma_start3A_1024] : memref<16384x32x128xf32, #tpu.memory_space<hbm>> -> memref<1x26x64xf32, #tpu.memory_space<hbm>>
      %dma_start3A_1026 = tpu.memref_squeeze %dma_start3A_1025 : memref<1x26x64xf32, #tpu.memory_space<hbm>> -> memref<26x64xf32, #tpu.memory_space<hbm>>
      %dma_start3A_1027 = arith.constant 0 : i32
      %dma_start3A_1028 = arith.constant 0 : i32
      %dma_start3A_1029 = tpu.memref_slice %arg4[%add3A_1014, %dma_start3A_1027, %dma_start3A_1028] : memref<16384x32x128xf32, #tpu.memory_space<hbm>> -> memref<1x26x64xf32, #tpu.memory_space<hbm>>
      %dma_start3A_1030 = tpu.memref_squeeze %dma_start3A_1029 : memref<1x26x64xf32, #tpu.memory_space<hbm>> -> memref<26x64xf32, #tpu.memory_space<hbm>>
      %dma_start3A_1031 = arith.constant 0 : i32
      %dma_start3A_1032 = arith.constant 0 : i32
      %dma_start3A_1033 = tpu.memref_slice %arg6[%dma_start3A_1015, %dma_start3A_1031, %dma_start3A_1032] : memref<4x104x64xf32, #tpu.memory_space<vmem>> -> memref<1x104x64xf32, #tpu.memory_space<vmem>>
      %dma_start3A_1034 = tpu.memref_squeeze %dma_start3A_1033 : memref<1x104x64xf32, #tpu.memory_space<vmem>> -> memref<104x64xf32, #tpu.memory_space<vmem>>
      %dma_start3A_1035 = arith.constant 78 : i32
      %dma_start3A_1036 = arith.constant 0 : i32
      %dma_start3A_1037 = tpu.memref_slice %dma_start3A_1034[%dma_start3A_1035, %dma_start3A_1036] : memref<104x64xf32, #tpu.memory_space<vmem>> -> memref<26x64xf32, #tpu.memory_space<vmem>>
      tpu.enqueue_dma source(%dma_start3A_1037 : memref<26x64xf32, #tpu.memory_space<vmem>>) target(%dma_start3A_1030 : memref<26x64xf32, #tpu.memory_space<hbm>>) target_semaphore(%arg8 : memref<!tpu.dma_semaphore, #tpu.memory_space<semaphore_mem>>)
      %dma_wait3A_1038 = arith.constant 0 : i32
      %dma_wait3A_1039 = arith.constant 0 : i32
      %dma_wait3A_1040 = arith.constant 0 : i32
      %dma_wait3A_1041 = arith.constant 0 : i32
      %dma_wait3A_1042 = tpu.memref_slice %arg6[%dma_wait3A_1038, %dma_wait3A_1040, %dma_wait3A_1041] : memref<4x104x64xf32, #tpu.memory_space<vmem>> -> memref<1x104x64xf32, #tpu.memory_space<vmem>>
      %dma_wait3A_1043 = tpu.memref_squeeze %dma_wait3A_1042 : memref<1x104x64xf32, #tpu.memory_space<vmem>> -> memref<104x64xf32, #tpu.memory_space<vmem>>
      %dma_wait3A_1044 = arith.constant 0 : i32
      %dma_wait3A_1045 = arith.constant 0 : i32
      %dma_wait3A_1046 = tpu.memref_slice %dma_wait3A_1043[%dma_wait3A_1044, %dma_wait3A_1045] : memref<104x64xf32, #tpu.memory_space<vmem>> -> memref<26x64xf32, #tpu.memory_space<vmem>>
      %dma_wait3A_1047 = arith.constant 0 : i32
      %dma_wait3A_1048 = arith.constant 0 : i32
      %dma_wait3A_1049 = tpu.memref_slice %arg4[%dma_wait3A_1039, %dma_wait3A_1047, %dma_wait3A_1048] : memref<16384x32x128xf32, #tpu.memory_space<hbm>> -> memref<1x26x64xf32, #tpu.memory_space<hbm>>
      %dma_wait3A_1050 = tpu.memref_squeeze %dma_wait3A_1049 : memref<1x26x64xf32, #tpu.memory_space<hbm>> -> memref<26x64xf32, #tpu.memory_space<hbm>>
      %dma_wait3A_1051 = arith.constant 0 : i32
      %dma_wait3A_1052 = arith.constant 0 : i32
      %dma_wait3A_1053 = tpu.memref_slice %arg4[%dma_wait3A_1039, %dma_wait3A_1051, %dma_wait3A_1052] : memref<16384x32x128xf32, #tpu.memory_space<hbm>> -> memref<1x26x64xf32, #tpu.memory_space<hbm>>
      %dma_wait3A_1054 = tpu.memref_squeeze %dma_wait3A_1053 : memref<1x26x64xf32, #tpu.memory_space<hbm>> -> memref<26x64xf32, #tpu.memory_space<hbm>>
      %dma_wait3A_1055 = arith.constant 0 : i32
      %dma_wait3A_1056 = arith.constant 0 : i32
      %dma_wait3A_1057 = tpu.memref_slice %arg6[%dma_wait3A_1038, %dma_wait3A_1055, %dma_wait3A_1056] : memref<4x104x64xf32, #tpu.memory_space<vmem>> -> memref<1x104x64xf32, #tpu.memory_space<vmem>>
      %dma_wait3A_1058 = tpu.memref_squeeze %dma_wait3A_1057 : memref<1x104x64xf32, #tpu.memory_space<vmem>> -> memref<104x64xf32, #tpu.memory_space<vmem>>
      %dma_wait3A_1059 = arith.constant 0 : i32
      %dma_wait3A_1060 = arith.constant 0 : i32
      %dma_wait3A_1061 = tpu.memref_slice %dma_wait3A_1058[%dma_wait3A_1059, %dma_wait3A_1060] : memref<104x64xf32, #tpu.memory_space<vmem>> -> memref<26x64xf32, #tpu.memory_space<vmem>>
      tpu.wait_dma2 semaphore(%arg8 : memref<!tpu.dma_semaphore, #tpu.memory_space<semaphore_mem>>) src(%dma_wait3A_1061 : memref<26x64xf32, #tpu.memory_space<vmem>>) dst(%dma_wait3A_1054 : memref<26x64xf32, #tpu.memory_space<hbm>>)
      %dma_wait3A_1062 = arith.constant 0 : i32
      %dma_wait3A_1063 = arith.constant 0 : i32
      %dma_wait3A_1064 = arith.constant 0 : i32
      %dma_wait3A_1065 = arith.constant 0 : i32
      %dma_wait3A_1066 = tpu.memref_slice %arg6[%dma_wait3A_1062, %dma_wait3A_1064, %dma_wait3A_1065] : memref<4x104x64xf32, #tpu.memory_space<vmem>> -> memref<1x104x64xf32, #tpu.memory_space<vmem>>
      %dma_wait3A_1067 = tpu.memref_squeeze %dma_wait3A_1066 : memref<1x104x64xf32, #tpu.memory_space<vmem>> -> memref<104x64xf32, #tpu.memory_space<vmem>>
      %dma_wait3A_1068 = arith.constant 26 : i32
      %dma_wait3A_1069 = arith.constant 0 : i32
      %dma_wait3A_1070 = tpu.memref_slice %dma_wait3A_1067[%dma_wait3A_1068, %dma_wait3A_1069] : memref<104x64xf32, #tpu.memory_space<vmem>> -> memref<26x64xf32, #tpu.memory_space<vmem>>
      %dma_wait3A_1071 = arith.constant 0 : i32
      %dma_wait3A_1072 = arith.constant 0 : i32
      %dma_wait3A_1073 = tpu.memref_slice %arg4[%dma_wait3A_1063, %dma_wait3A_1071, %dma_wait3A_1072] : memref<16384x32x128xf32, #tpu.memory_space<hbm>> -> memref<1x26x64xf32, #tpu.memory_space<hbm>>
      %dma_wait3A_1074 = tpu.memref_squeeze %dma_wait3A_1073 : memref<1x26x64xf32, #tpu.memory_space<hbm>> -> memref<26x64xf32, #tpu.memory_space<hbm>>
      %dma_wait3A_1075 = arith.constant 0 : i32
      %dma_wait3A_1076 = arith.constant 0 : i32
      %dma_wait3A_1077 = tpu.memref_slice %arg4[%dma_wait3A_1063, %dma_wait3A_1075, %dma_wait3A_1076] : memref<16384x32x128xf32, #tpu.memory_space<hbm>> -> memref<1x26x64xf32, #tpu.memory_space<hbm>>
      %dma_wait3A_1078 = tpu.memref_squeeze %dma_wait3A_1077 : memref<1x26x64xf32, #tpu.memory_space<hbm>> -> memref<26x64xf32, #tpu.memory_space<hbm>>
      %dma_wait3A_1079 = arith.constant 0 : i32
      %dma_wait3A_1080 = arith.constant 0 : i32
      %dma_wait3A_1081 = tpu.memref_slice %arg6[%dma_wait3A_1062, %dma_wait3A_1079, %dma_wait3A_1080] : memref<4x104x64xf32, #tpu.memory_space<vmem>> -> memref<1x104x64xf32, #tpu.memory_space<vmem>>
      %dma_wait3A_1082 = tpu.memref_squeeze %dma_wait3A_1081 : memref<1x104x64xf32, #tpu.memory_space<vmem>> -> memref<104x64xf32, #tpu.memory_space<vmem>>
      %dma_wait3A_1083 = arith.constant 26 : i32
      %dma_wait3A_1084 = arith.constant 0 : i32
      %dma_wait3A_1085 = tpu.memref_slice %dma_wait3A_1082[%dma_wait3A_1083, %dma_wait3A_1084] : memref<104x64xf32, #tpu.memory_space<vmem>> -> memref<26x64xf32, #tpu.memory_space<vmem>>
      tpu.wait_dma2 semaphore(%arg8 : memref<!tpu.dma_semaphore, #tpu.memory_space<semaphore_mem>>) src(%dma_wait3A_1085 : memref<26x64xf32, #tpu.memory_space<vmem>>) dst(%dma_wait3A_1078 : memref<26x64xf32, #tpu.memory_space<hbm>>)
      %dma_wait3A_1086 = arith.constant 0 : i32
      %dma_wait3A_1087 = arith.constant 0 : i32
      %dma_wait3A_1088 = arith.constant 0 : i32
      %dma_wait3A_1089 = arith.constant 0 : i32
      %dma_wait3A_1090 = tpu.memref_slice %arg6[%dma_wait3A_1086, %dma_wait3A_1088, %dma_wait3A_1089] : memref<4x104x64xf32, #tpu.memory_space<vmem>> -> memref<1x104x64xf32, #tpu.memory_space<vmem>>
      %dma_wait3A_1091 = tpu.memref_squeeze %dma_wait3A_1090 : memref<1x104x64xf32, #tpu.memory_space<vmem>> -> memref<104x64xf32, #tpu.memory_space<vmem>>
      %dma_wait3A_1092 = arith.constant 52 : i32
      %dma_wait3A_1093 = arith.constant 0 : i32
      %dma_wait3A_1094 = tpu.memref_slice %dma_wait3A_1091[%dma_wait3A_1092, %dma_wait3A_1093] : memref<104x64xf32, #tpu.memory_space<vmem>> -> memref<26x64xf32, #tpu.memory_space<vmem>>
      %dma_wait3A_1095 = arith.constant 0 : i32
      %dma_wait3A_1096 = arith.constant 0 : i32
      %dma_wait3A_1097 = tpu.memref_slice %arg4[%dma_wait3A_1087, %dma_wait3A_1095, %dma_wait3A_1096] : memref<16384x32x128xf32, #tpu.memory_space<hbm>> -> memref<1x26x64xf32, #tpu.memory_space<hbm>>
      %dma_wait3A_1098 = tpu.memref_squeeze %dma_wait3A_1097 : memref<1x26x64xf32, #tpu.memory_space<hbm>> -> memref<26x64xf32, #tpu.memory_space<hbm>>
      %dma_wait3A_1099 = arith.constant 0 : i32
      %dma_wait3A_1100 = arith.constant 0 : i32
      %dma_wait3A_1101 = tpu.memref_slice %arg4[%dma_wait3A_1087, %dma_wait3A_1099, %dma_wait3A_1100] : memref<16384x32x128xf32, #tpu.memory_space<hbm>> -> memref<1x26x64xf32, #tpu.memory_space<hbm>>
      %dma_wait3A_1102 = tpu.memref_squeeze %dma_wait3A_1101 : memref<1x26x64xf32, #tpu.memory_space<hbm>> -> memref<26x64xf32, #tpu.memory_space<hbm>>
      %dma_wait3A_1103 = arith.constant 0 : i32
      %dma_wait3A_1104 = arith.constant 0 : i32
      %dma_wait3A_1105 = tpu.memref_slice %arg6[%dma_wait3A_1086, %dma_wait3A_1103, %dma_wait3A_1104] : memref<4x104x64xf32, #tpu.memory_space<vmem>> -> memref<1x104x64xf32, #tpu.memory_space<vmem>>
      %dma_wait3A_1106 = tpu.memref_squeeze %dma_wait3A_1105 : memref<1x104x64xf32, #tpu.memory_space<vmem>> -> memref<104x64xf32, #tpu.memory_space<vmem>>
      %dma_wait3A_1107 = arith.constant 52 : i32
      %dma_wait3A_1108 = arith.constant 0 : i32
      %dma_wait3A_1109 = tpu.memref_slice %dma_wait3A_1106[%dma_wait3A_1107, %dma_wait3A_1108] : memref<104x64xf32, #tpu.memory_space<vmem>> -> memref<26x64xf32, #tpu.memory_space<vmem>>
      tpu.wait_dma2 semaphore(%arg8 : memref<!tpu.dma_semaphore, #tpu.memory_space<semaphore_mem>>) src(%dma_wait3A_1109 : memref<26x64xf32, #tpu.memory_space<vmem>>) dst(%dma_wait3A_1102 : memref<26x64xf32, #tpu.memory_space<hbm>>)
      %dma_wait3A_1110 = arith.constant 0 : i32
      %dma_wait3A_1111 = arith.constant 0 : i32
      %dma_wait3A_1112 = arith.constant 0 : i32
      %dma_wait3A_1113 = arith.constant 0 : i32
      %dma_wait3A_1114 = tpu.memref_slice %arg6[%dma_wait3A_1110, %dma_wait3A_1112, %dma_wait3A_1113] : memref<4x104x64xf32, #tpu.memory_space<vmem>> -> memref<1x104x64xf32, #tpu.memory_space<vmem>>
      %dma_wait3A_1115 = tpu.memref_squeeze %dma_wait3A_1114 : memref<1x104x64xf32, #tpu.memory_space<vmem>> -> memref<104x64xf32, #tpu.memory_space<vmem>>
      %dma_wait3A_1116 = arith.constant 78 : i32
      %dma_wait3A_1117 = arith.constant 0 : i32
      %dma_wait3A_1118 = tpu.memref_slice %dma_wait3A_1115[%dma_wait3A_1116, %dma_wait3A_1117] : memref<104x64xf32, #tpu.memory_space<vmem>> -> memref<26x64xf32, #tpu.memory_space<vmem>>
      %dma_wait3A_1119 = arith.constant 0 : i32
      %dma_wait3A_1120 = arith.constant 0 : i32
      %dma_wait3A_1121 = tpu.memref_slice %arg4[%dma_wait3A_1111, %dma_wait3A_1119, %dma_wait3A_1120] : memref<16384x32x128xf32, #tpu.memory_space<hbm>> -> memref<1x26x64xf32, #tpu.memory_space<hbm>>
      %dma_wait3A_1122 = tpu.memref_squeeze %dma_wait3A_1121 : memref<1x26x64xf32, #tpu.memory_space<hbm>> -> memref<26x64xf32, #tpu.memory_space<hbm>>
      %dma_wait3A_1123 = arith.constant 0 : i32
      %dma_wait3A_1124 = arith.constant 0 : i32
      %dma_wait3A_1125 = tpu.memref_slice %arg4[%dma_wait3A_1111, %dma_wait3A_1123, %dma_wait3A_1124] : memref<16384x32x128xf32, #tpu.memory_space<hbm>> -> memref<1x26x64xf32, #tpu.memory_space<hbm>>
      %dma_wait3A_1126 = tpu.memref_squeeze %dma_wait3A_1125 : memref<1x26x64xf32, #tpu.memory_space<hbm>> -> memref<26x64xf32, #tpu.memory_space<hbm>>
      %dma_wait3A_1127 = arith.constant 0 : i32
      %dma_wait3A_1128 = arith.constant 0 : i32
      %dma_wait3A_1129 = tpu.memref_slice %arg6[%dma_wait3A_1110, %dma_wait3A_1127, %dma_wait3A_1128] : memref<4x104x64xf32, #tpu.memory_space<vmem>> -> memref<1x104x64xf32, #tpu.memory_space<vmem>>
      %dma_wait3A_1130 = tpu.memref_squeeze %dma_wait3A_1129 : memref<1x104x64xf32, #tpu.memory_space<vmem>> -> memref<104x64xf32, #tpu.memory_space<vmem>>
      %dma_wait3A_1131 = arith.constant 78 : i32
      %dma_wait3A_1132 = arith.constant 0 : i32
      %dma_wait3A_1133 = tpu.memref_slice %dma_wait3A_1130[%dma_wait3A_1131, %dma_wait3A_1132] : memref<104x64xf32, #tpu.memory_space<vmem>> -> memref<26x64xf32, #tpu.memory_space<vmem>>
      tpu.wait_dma2 semaphore(%arg8 : memref<!tpu.dma_semaphore, #tpu.memory_space<semaphore_mem>>) src(%dma_wait3A_1133 : memref<26x64xf32, #tpu.memory_space<vmem>>) dst(%dma_wait3A_1126 : memref<26x64xf32, #tpu.memory_space<hbm>>)
      %add3A_1134 = arith.constant 4 : i32
      %add3A_1135 = arith.addi %add3A_919, %add3A_1134 : i32
      %dma_start3A_1136 = arith.constant 0 : i32
      %dma_start3A_1137 = arith.constant 0 : i32
      %dma_start3A_1138 = arith.constant 0 : i32
      %dma_start3A_1139 = tpu.memref_slice %arg6[%dma_start3A_1136, %dma_start3A_1137, %dma_start3A_1138] : memref<4x104x64xf32, #tpu.memory_space<vmem>> -> memref<1x104x64xf32, #tpu.memory_space<vmem>>
      %dma_start3A_1140 = tpu.memref_squeeze %dma_start3A_1139 : memref<1x104x64xf32, #tpu.memory_space<vmem>> -> memref<104x64xf32, #tpu.memory_space<vmem>>
      %dma_start3A_1141 = arith.constant 0 : i32
      %dma_start3A_1142 = tpu.memref_slice %arg5[%add3A_1135, %dma_start3A_1141] : memref<128x104xi32, #tpu.memory_space<vmem>> -> memref<1x104xi32, #tpu.memory_space<vmem>>
      %dma_start3A_1143 = tpu.memref_squeeze %dma_start3A_1142 : memref<1x104xi32, #tpu.memory_space<vmem>> -> memref<104xi32, #tpu.memory_space<vmem>>
      %dma_start3A_1144 = arith.constant 0 : i32
      %dma_start3A_1145 = arith.constant 0 : i32
      %dma_start3A_1146 = tpu.memref_slice %arg3[%dma_start3A_1144, %dma_start3A_1145] : memref<2000000x64xf32, #tpu.memory_space<hbm>> -> memref<2000000x64xf32, #tpu.memory_space<hbm>>
      tpu.enqueue_indirect_dma source(%dma_start3A_1146 : memref<2000000x64xf32, #tpu.memory_space<hbm>>) target(%dma_start3A_1140 : memref<104x64xf32, #tpu.memory_space<vmem>>) offsets(%dma_start3A_1143 : memref<104xi32, #tpu.memory_space<vmem>>) semaphore(%arg7 : memref<!tpu.dma_semaphore, #tpu.memory_space<semaphore_mem>>)
      %add3A_1147 = arith.constant 1 : i32
      %add3A_1148 = arith.addi %add3A_917, %add3A_1147 : i32
      %dma_wait3A_1149 = arith.constant 1 : i32
      %dma_wait3A_1150 = arith.constant 0 : i32
      %dma_wait3A_1151 = arith.constant 0 : i32
      %dma_wait3A_1152 = tpu.memref_slice %arg6[%dma_wait3A_1149, %dma_wait3A_1150, %dma_wait3A_1151] : memref<4x104x64xf32, #tpu.memory_space<vmem>> -> memref<1x104x64xf32, #tpu.memory_space<vmem>>
      %dma_wait3A_1153 = tpu.memref_squeeze %dma_wait3A_1152 : memref<1x104x64xf32, #tpu.memory_space<vmem>> -> memref<104x64xf32, #tpu.memory_space<vmem>>
      %dma_wait3A_1154 = arith.constant 0 : i32
      %dma_wait3A_1155 = arith.constant 0 : i32
      %dma_wait3A_1156 = tpu.memref_slice %arg3[%dma_wait3A_1154, %dma_wait3A_1155] : memref<2000000x64xf32, #tpu.memory_space<hbm>> -> memref<104x64xf32, #tpu.memory_space<hbm>>
      %dma_wait3A_1157 = arith.constant 0 : i32
      %dma_wait3A_1158 = arith.constant 0 : i32
      %dma_wait3A_1159 = tpu.memref_slice %arg6[%dma_wait3A_1149, %dma_wait3A_1157, %dma_wait3A_1158] : memref<4x104x64xf32, #tpu.memory_space<vmem>> -> memref<1x104x64xf32, #tpu.memory_space<vmem>>
      %dma_wait3A_1160 = tpu.memref_squeeze %dma_wait3A_1159 : memref<1x104x64xf32, #tpu.memory_space<vmem>> -> memref<104x64xf32, #tpu.memory_space<vmem>>
      %dma_wait3A_1161 = arith.constant 0 : i32
      %dma_wait3A_1162 = arith.constant 0 : i32
      %dma_wait3A_1163 = tpu.memref_slice %arg3[%dma_wait3A_1161, %dma_wait3A_1162] : memref<2000000x64xf32, #tpu.memory_space<hbm>> -> memref<104x64xf32, #tpu.memory_space<hbm>>
      tpu.wait_dma2 semaphore(%arg7 : memref<!tpu.dma_semaphore, #tpu.memory_space<semaphore_mem>>) src(%dma_wait3A_1163 : memref<104x64xf32, #tpu.memory_space<hbm>>) dst(%dma_wait3A_1160 : memref<104x64xf32, #tpu.memory_space<vmem>>)
      %add3A_1164 = arith.addi %mul3A_2, %add3A_1148 : i32
      %mul3A_1165 = arith.constant 4 : i32
      %mul3A_1166 = arith.muli %add3A_1164, %mul3A_1165 : i32
      %add3A_1167 = arith.constant 0 : i32
      %add3A_1168 = arith.addi %mul3A_1166, %add3A_1167 : i32
      %dma_start3A_1169 = arith.constant 1 : i32
      %dma_start3A_1170 = arith.constant 0 : i32
      %dma_start3A_1171 = arith.constant 0 : i32
      %dma_start3A_1172 = tpu.memref_slice %arg6[%dma_start3A_1169, %dma_start3A_1170, %dma_start3A_1171] : memref<4x104x64xf32, #tpu.memory_space<vmem>> -> memref<1x104x64xf32, #tpu.memory_space<vmem>>
      %dma_start3A_1173 = tpu.memref_squeeze %dma_start3A_1172 : memref<1x104x64xf32, #tpu.memory_space<vmem>> -> memref<104x64xf32, #tpu.memory_space<vmem>>
      %dma_start3A_1174 = arith.constant 0 : i32
      %dma_start3A_1175 = arith.constant 0 : i32
      %dma_start3A_1176 = tpu.memref_slice %dma_start3A_1173[%dma_start3A_1174, %dma_start3A_1175] : memref<104x64xf32, #tpu.memory_space<vmem>> -> memref<26x64xf32, #tpu.memory_space<vmem>>
      %dma_start3A_1177 = arith.constant 0 : i32
      %dma_start3A_1178 = arith.constant 0 : i32
      %dma_start3A_1179 = tpu.memref_slice %arg4[%add3A_1168, %dma_start3A_1177, %dma_start3A_1178] : memref<16384x32x128xf32, #tpu.memory_space<hbm>> -> memref<1x26x64xf32, #tpu.memory_space<hbm>>
      %dma_start3A_1180 = tpu.memref_squeeze %dma_start3A_1179 : memref<1x26x64xf32, #tpu.memory_space<hbm>> -> memref<26x64xf32, #tpu.memory_space<hbm>>
      %dma_start3A_1181 = arith.constant 0 : i32
      %dma_start3A_1182 = arith.constant 0 : i32
      %dma_start3A_1183 = tpu.memref_slice %arg4[%add3A_1168, %dma_start3A_1181, %dma_start3A_1182] : memref<16384x32x128xf32, #tpu.memory_space<hbm>> -> memref<1x26x64xf32, #tpu.memory_space<hbm>>
      %dma_start3A_1184 = tpu.memref_squeeze %dma_start3A_1183 : memref<1x26x64xf32, #tpu.memory_space<hbm>> -> memref<26x64xf32, #tpu.memory_space<hbm>>
      %dma_start3A_1185 = arith.constant 0 : i32
      %dma_start3A_1186 = arith.constant 0 : i32
      %dma_start3A_1187 = tpu.memref_slice %arg6[%dma_start3A_1169, %dma_start3A_1185, %dma_start3A_1186] : memref<4x104x64xf32, #tpu.memory_space<vmem>> -> memref<1x104x64xf32, #tpu.memory_space<vmem>>
      %dma_start3A_1188 = tpu.memref_squeeze %dma_start3A_1187 : memref<1x104x64xf32, #tpu.memory_space<vmem>> -> memref<104x64xf32, #tpu.memory_space<vmem>>
      %dma_start3A_1189 = arith.constant 0 : i32
      %dma_start3A_1190 = arith.constant 0 : i32
      %dma_start3A_1191 = tpu.memref_slice %dma_start3A_1188[%dma_start3A_1189, %dma_start3A_1190] : memref<104x64xf32, #tpu.memory_space<vmem>> -> memref<26x64xf32, #tpu.memory_space<vmem>>
      tpu.enqueue_dma source(%dma_start3A_1191 : memref<26x64xf32, #tpu.memory_space<vmem>>) target(%dma_start3A_1184 : memref<26x64xf32, #tpu.memory_space<hbm>>) target_semaphore(%arg8 : memref<!tpu.dma_semaphore, #tpu.memory_space<semaphore_mem>>)
      %add3A_1192 = arith.constant 1 : i32
      %add3A_1193 = arith.addi %mul3A_1166, %add3A_1192 : i32
      %dma_start3A_1194 = arith.constant 1 : i32
      %dma_start3A_1195 = arith.constant 0 : i32
      %dma_start3A_1196 = arith.constant 0 : i32
      %dma_start3A_1197 = tpu.memref_slice %arg6[%dma_start3A_1194, %dma_start3A_1195, %dma_start3A_1196] : memref<4x104x64xf32, #tpu.memory_space<vmem>> -> memref<1x104x64xf32, #tpu.memory_space<vmem>>
      %dma_start3A_1198 = tpu.memref_squeeze %dma_start3A_1197 : memref<1x104x64xf32, #tpu.memory_space<vmem>> -> memref<104x64xf32, #tpu.memory_space<vmem>>
      %dma_start3A_1199 = arith.constant 26 : i32
      %dma_start3A_1200 = arith.constant 0 : i32
      %dma_start3A_1201 = tpu.memref_slice %dma_start3A_1198[%dma_start3A_1199, %dma_start3A_1200] : memref<104x64xf32, #tpu.memory_space<vmem>> -> memref<26x64xf32, #tpu.memory_space<vmem>>
      %dma_start3A_1202 = arith.constant 0 : i32
      %dma_start3A_1203 = arith.constant 0 : i32
      %dma_start3A_1204 = tpu.memref_slice %arg4[%add3A_1193, %dma_start3A_1202, %dma_start3A_1203] : memref<16384x32x128xf32, #tpu.memory_space<hbm>> -> memref<1x26x64xf32, #tpu.memory_space<hbm>>
      %dma_start3A_1205 = tpu.memref_squeeze %dma_start3A_1204 : memref<1x26x64xf32, #tpu.memory_space<hbm>> -> memref<26x64xf32, #tpu.memory_space<hbm>>
      %dma_start3A_1206 = arith.constant 0 : i32
      %dma_start3A_1207 = arith.constant 0 : i32
      %dma_start3A_1208 = tpu.memref_slice %arg4[%add3A_1193, %dma_start3A_1206, %dma_start3A_1207] : memref<16384x32x128xf32, #tpu.memory_space<hbm>> -> memref<1x26x64xf32, #tpu.memory_space<hbm>>
      %dma_start3A_1209 = tpu.memref_squeeze %dma_start3A_1208 : memref<1x26x64xf32, #tpu.memory_space<hbm>> -> memref<26x64xf32, #tpu.memory_space<hbm>>
      %dma_start3A_1210 = arith.constant 0 : i32
      %dma_start3A_1211 = arith.constant 0 : i32
      %dma_start3A_1212 = tpu.memref_slice %arg6[%dma_start3A_1194, %dma_start3A_1210, %dma_start3A_1211] : memref<4x104x64xf32, #tpu.memory_space<vmem>> -> memref<1x104x64xf32, #tpu.memory_space<vmem>>
      %dma_start3A_1213 = tpu.memref_squeeze %dma_start3A_1212 : memref<1x104x64xf32, #tpu.memory_space<vmem>> -> memref<104x64xf32, #tpu.memory_space<vmem>>
      %dma_start3A_1214 = arith.constant 26 : i32
      %dma_start3A_1215 = arith.constant 0 : i32
      %dma_start3A_1216 = tpu.memref_slice %dma_start3A_1213[%dma_start3A_1214, %dma_start3A_1215] : memref<104x64xf32, #tpu.memory_space<vmem>> -> memref<26x64xf32, #tpu.memory_space<vmem>>
      tpu.enqueue_dma source(%dma_start3A_1216 : memref<26x64xf32, #tpu.memory_space<vmem>>) target(%dma_start3A_1209 : memref<26x64xf32, #tpu.memory_space<hbm>>) target_semaphore(%arg8 : memref<!tpu.dma_semaphore, #tpu.memory_space<semaphore_mem>>)
      %add3A_1217 = arith.constant 2 : i32
      %add3A_1218 = arith.addi %mul3A_1166, %add3A_1217 : i32
      %dma_start3A_1219 = arith.constant 1 : i32
      %dma_start3A_1220 = arith.constant 0 : i32
      %dma_start3A_1221 = arith.constant 0 : i32
      %dma_start3A_1222 = tpu.memref_slice %arg6[%dma_start3A_1219, %dma_start3A_1220, %dma_start3A_1221] : memref<4x104x64xf32, #tpu.memory_space<vmem>> -> memref<1x104x64xf32, #tpu.memory_space<vmem>>
      %dma_start3A_1223 = tpu.memref_squeeze %dma_start3A_1222 : memref<1x104x64xf32, #tpu.memory_space<vmem>> -> memref<104x64xf32, #tpu.memory_space<vmem>>
      %dma_start3A_1224 = arith.constant 52 : i32
      %dma_start3A_1225 = arith.constant 0 : i32
      %dma_start3A_1226 = tpu.memref_slice %dma_start3A_1223[%dma_start3A_1224, %dma_start3A_1225] : memref<104x64xf32, #tpu.memory_space<vmem>> -> memref<26x64xf32, #tpu.memory_space<vmem>>
      %dma_start3A_1227 = arith.constant 0 : i32
      %dma_start3A_1228 = arith.constant 0 : i32
      %dma_start3A_1229 = tpu.memref_slice %arg4[%add3A_1218, %dma_start3A_1227, %dma_start3A_1228] : memref<16384x32x128xf32, #tpu.memory_space<hbm>> -> memref<1x26x64xf32, #tpu.memory_space<hbm>>
      %dma_start3A_1230 = tpu.memref_squeeze %dma_start3A_1229 : memref<1x26x64xf32, #tpu.memory_space<hbm>> -> memref<26x64xf32, #tpu.memory_space<hbm>>
      %dma_start3A_1231 = arith.constant 0 : i32
      %dma_start3A_1232 = arith.constant 0 : i32
      %dma_start3A_1233 = tpu.memref_slice %arg4[%add3A_1218, %dma_start3A_1231, %dma_start3A_1232] : memref<16384x32x128xf32, #tpu.memory_space<hbm>> -> memref<1x26x64xf32, #tpu.memory_space<hbm>>
      %dma_start3A_1234 = tpu.memref_squeeze %dma_start3A_1233 : memref<1x26x64xf32, #tpu.memory_space<hbm>> -> memref<26x64xf32, #tpu.memory_space<hbm>>
      %dma_start3A_1235 = arith.constant 0 : i32
      %dma_start3A_1236 = arith.constant 0 : i32
      %dma_start3A_1237 = tpu.memref_slice %arg6[%dma_start3A_1219, %dma_start3A_1235, %dma_start3A_1236] : memref<4x104x64xf32, #tpu.memory_space<vmem>> -> memref<1x104x64xf32, #tpu.memory_space<vmem>>
      %dma_start3A_1238 = tpu.memref_squeeze %dma_start3A_1237 : memref<1x104x64xf32, #tpu.memory_space<vmem>> -> memref<104x64xf32, #tpu.memory_space<vmem>>
      %dma_start3A_1239 = arith.constant 52 : i32
      %dma_start3A_1240 = arith.constant 0 : i32
      %dma_start3A_1241 = tpu.memref_slice %dma_start3A_1238[%dma_start3A_1239, %dma_start3A_1240] : memref<104x64xf32, #tpu.memory_space<vmem>> -> memref<26x64xf32, #tpu.memory_space<vmem>>
      tpu.enqueue_dma source(%dma_start3A_1241 : memref<26x64xf32, #tpu.memory_space<vmem>>) target(%dma_start3A_1234 : memref<26x64xf32, #tpu.memory_space<hbm>>) target_semaphore(%arg8 : memref<!tpu.dma_semaphore, #tpu.memory_space<semaphore_mem>>)
      %add3A_1242 = arith.constant 3 : i32
      %add3A_1243 = arith.addi %mul3A_1166, %add3A_1242 : i32
      %dma_start3A_1244 = arith.constant 1 : i32
      %dma_start3A_1245 = arith.constant 0 : i32
      %dma_start3A_1246 = arith.constant 0 : i32
      %dma_start3A_1247 = tpu.memref_slice %arg6[%dma_start3A_1244, %dma_start3A_1245, %dma_start3A_1246] : memref<4x104x64xf32, #tpu.memory_space<vmem>> -> memref<1x104x64xf32, #tpu.memory_space<vmem>>
      %dma_start3A_1248 = tpu.memref_squeeze %dma_start3A_1247 : memref<1x104x64xf32, #tpu.memory_space<vmem>> -> memref<104x64xf32, #tpu.memory_space<vmem>>
      %dma_start3A_1249 = arith.constant 78 : i32
      %dma_start3A_1250 = arith.constant 0 : i32
      %dma_start3A_1251 = tpu.memref_slice %dma_start3A_1248[%dma_start3A_1249, %dma_start3A_1250] : memref<104x64xf32, #tpu.memory_space<vmem>> -> memref<26x64xf32, #tpu.memory_space<vmem>>
      %dma_start3A_1252 = arith.constant 0 : i32
      %dma_start3A_1253 = arith.constant 0 : i32
      %dma_start3A_1254 = tpu.memref_slice %arg4[%add3A_1243, %dma_start3A_1252, %dma_start3A_1253] : memref<16384x32x128xf32, #tpu.memory_space<hbm>> -> memref<1x26x64xf32, #tpu.memory_space<hbm>>
      %dma_start3A_1255 = tpu.memref_squeeze %dma_start3A_1254 : memref<1x26x64xf32, #tpu.memory_space<hbm>> -> memref<26x64xf32, #tpu.memory_space<hbm>>
      %dma_start3A_1256 = arith.constant 0 : i32
      %dma_start3A_1257 = arith.constant 0 : i32
      %dma_start3A_1258 = tpu.memref_slice %arg4[%add3A_1243, %dma_start3A_1256, %dma_start3A_1257] : memref<16384x32x128xf32, #tpu.memory_space<hbm>> -> memref<1x26x64xf32, #tpu.memory_space<hbm>>
      %dma_start3A_1259 = tpu.memref_squeeze %dma_start3A_1258 : memref<1x26x64xf32, #tpu.memory_space<hbm>> -> memref<26x64xf32, #tpu.memory_space<hbm>>
      %dma_start3A_1260 = arith.constant 0 : i32
      %dma_start3A_1261 = arith.constant 0 : i32
      %dma_start3A_1262 = tpu.memref_slice %arg6[%dma_start3A_1244, %dma_start3A_1260, %dma_start3A_1261] : memref<4x104x64xf32, #tpu.memory_space<vmem>> -> memref<1x104x64xf32, #tpu.memory_space<vmem>>
      %dma_start3A_1263 = tpu.memref_squeeze %dma_start3A_1262 : memref<1x104x64xf32, #tpu.memory_space<vmem>> -> memref<104x64xf32, #tpu.memory_space<vmem>>
      %dma_start3A_1264 = arith.constant 78 : i32
      %dma_start3A_1265 = arith.constant 0 : i32
      %dma_start3A_1266 = tpu.memref_slice %dma_start3A_1263[%dma_start3A_1264, %dma_start3A_1265] : memref<104x64xf32, #tpu.memory_space<vmem>> -> memref<26x64xf32, #tpu.memory_space<vmem>>
      tpu.enqueue_dma source(%dma_start3A_1266 : memref<26x64xf32, #tpu.memory_space<vmem>>) target(%dma_start3A_1259 : memref<26x64xf32, #tpu.memory_space<hbm>>) target_semaphore(%arg8 : memref<!tpu.dma_semaphore, #tpu.memory_space<semaphore_mem>>)
      %dma_wait3A_1267 = arith.constant 1 : i32
      %dma_wait3A_1268 = arith.constant 0 : i32
      %dma_wait3A_1269 = arith.constant 0 : i32
      %dma_wait3A_1270 = arith.constant 0 : i32
      %dma_wait3A_1271 = tpu.memref_slice %arg6[%dma_wait3A_1267, %dma_wait3A_1269, %dma_wait3A_1270] : memref<4x104x64xf32, #tpu.memory_space<vmem>> -> memref<1x104x64xf32, #tpu.memory_space<vmem>>
      %dma_wait3A_1272 = tpu.memref_squeeze %dma_wait3A_1271 : memref<1x104x64xf32, #tpu.memory_space<vmem>> -> memref<104x64xf32, #tpu.memory_space<vmem>>
      %dma_wait3A_1273 = arith.constant 0 : i32
      %dma_wait3A_1274 = arith.constant 0 : i32
      %dma_wait3A_1275 = tpu.memref_slice %dma_wait3A_1272[%dma_wait3A_1273, %dma_wait3A_1274] : memref<104x64xf32, #tpu.memory_space<vmem>> -> memref<26x64xf32, #tpu.memory_space<vmem>>
      %dma_wait3A_1276 = arith.constant 0 : i32
      %dma_wait3A_1277 = arith.constant 0 : i32
      %dma_wait3A_1278 = tpu.memref_slice %arg4[%dma_wait3A_1268, %dma_wait3A_1276, %dma_wait3A_1277] : memref<16384x32x128xf32, #tpu.memory_space<hbm>> -> memref<1x26x64xf32, #tpu.memory_space<hbm>>
      %dma_wait3A_1279 = tpu.memref_squeeze %dma_wait3A_1278 : memref<1x26x64xf32, #tpu.memory_space<hbm>> -> memref<26x64xf32, #tpu.memory_space<hbm>>
      %dma_wait3A_1280 = arith.constant 0 : i32
      %dma_wait3A_1281 = arith.constant 0 : i32
      %dma_wait3A_1282 = tpu.memref_slice %arg4[%dma_wait3A_1268, %dma_wait3A_1280, %dma_wait3A_1281] : memref<16384x32x128xf32, #tpu.memory_space<hbm>> -> memref<1x26x64xf32, #tpu.memory_space<hbm>>
      %dma_wait3A_1283 = tpu.memref_squeeze %dma_wait3A_1282 : memref<1x26x64xf32, #tpu.memory_space<hbm>> -> memref<26x64xf32, #tpu.memory_space<hbm>>
      %dma_wait3A_1284 = arith.constant 0 : i32
      %dma_wait3A_1285 = arith.constant 0 : i32
      %dma_wait3A_1286 = tpu.memref_slice %arg6[%dma_wait3A_1267, %dma_wait3A_1284, %dma_wait3A_1285] : memref<4x104x64xf32, #tpu.memory_space<vmem>> -> memref<1x104x64xf32, #tpu.memory_space<vmem>>
      %dma_wait3A_1287 = tpu.memref_squeeze %dma_wait3A_1286 : memref<1x104x64xf32, #tpu.memory_space<vmem>> -> memref<104x64xf32, #tpu.memory_space<vmem>>
      %dma_wait3A_1288 = arith.constant 0 : i32
      %dma_wait3A_1289 = arith.constant 0 : i32
      %dma_wait3A_1290 = tpu.memref_slice %dma_wait3A_1287[%dma_wait3A_1288, %dma_wait3A_1289] : memref<104x64xf32, #tpu.memory_space<vmem>> -> memref<26x64xf32, #tpu.memory_space<vmem>>
      tpu.wait_dma2 semaphore(%arg8 : memref<!tpu.dma_semaphore, #tpu.memory_space<semaphore_mem>>) src(%dma_wait3A_1290 : memref<26x64xf32, #tpu.memory_space<vmem>>) dst(%dma_wait3A_1283 : memref<26x64xf32, #tpu.memory_space<hbm>>)
      %dma_wait3A_1291 = arith.constant 1 : i32
      %dma_wait3A_1292 = arith.constant 0 : i32
      %dma_wait3A_1293 = arith.constant 0 : i32
      %dma_wait3A_1294 = arith.constant 0 : i32
      %dma_wait3A_1295 = tpu.memref_slice %arg6[%dma_wait3A_1291, %dma_wait3A_1293, %dma_wait3A_1294] : memref<4x104x64xf32, #tpu.memory_space<vmem>> -> memref<1x104x64xf32, #tpu.memory_space<vmem>>
      %dma_wait3A_1296 = tpu.memref_squeeze %dma_wait3A_1295 : memref<1x104x64xf32, #tpu.memory_space<vmem>> -> memref<104x64xf32, #tpu.memory_space<vmem>>
      %dma_wait3A_1297 = arith.constant 26 : i32
      %dma_wait3A_1298 = arith.constant 0 : i32
      %dma_wait3A_1299 = tpu.memref_slice %dma_wait3A_1296[%dma_wait3A_1297, %dma_wait3A_1298] : memref<104x64xf32, #tpu.memory_space<vmem>> -> memref<26x64xf32, #tpu.memory_space<vmem>>
      %dma_wait3A_1300 = arith.constant 0 : i32
      %dma_wait3A_1301 = arith.constant 0 : i32
      %dma_wait3A_1302 = tpu.memref_slice %arg4[%dma_wait3A_1292, %dma_wait3A_1300, %dma_wait3A_1301] : memref<16384x32x128xf32, #tpu.memory_space<hbm>> -> memref<1x26x64xf32, #tpu.memory_space<hbm>>
      %dma_wait3A_1303 = tpu.memref_squeeze %dma_wait3A_1302 : memref<1x26x64xf32, #tpu.memory_space<hbm>> -> memref<26x64xf32, #tpu.memory_space<hbm>>
      %dma_wait3A_1304 = arith.constant 0 : i32
      %dma_wait3A_1305 = arith.constant 0 : i32
      %dma_wait3A_1306 = tpu.memref_slice %arg4[%dma_wait3A_1292, %dma_wait3A_1304, %dma_wait3A_1305] : memref<16384x32x128xf32, #tpu.memory_space<hbm>> -> memref<1x26x64xf32, #tpu.memory_space<hbm>>
      %dma_wait3A_1307 = tpu.memref_squeeze %dma_wait3A_1306 : memref<1x26x64xf32, #tpu.memory_space<hbm>> -> memref<26x64xf32, #tpu.memory_space<hbm>>
      %dma_wait3A_1308 = arith.constant 0 : i32
      %dma_wait3A_1309 = arith.constant 0 : i32
      %dma_wait3A_1310 = tpu.memref_slice %arg6[%dma_wait3A_1291, %dma_wait3A_1308, %dma_wait3A_1309] : memref<4x104x64xf32, #tpu.memory_space<vmem>> -> memref<1x104x64xf32, #tpu.memory_space<vmem>>
      %dma_wait3A_1311 = tpu.memref_squeeze %dma_wait3A_1310 : memref<1x104x64xf32, #tpu.memory_space<vmem>> -> memref<104x64xf32, #tpu.memory_space<vmem>>
      %dma_wait3A_1312 = arith.constant 26 : i32
      %dma_wait3A_1313 = arith.constant 0 : i32
      %dma_wait3A_1314 = tpu.memref_slice %dma_wait3A_1311[%dma_wait3A_1312, %dma_wait3A_1313] : memref<104x64xf32, #tpu.memory_space<vmem>> -> memref<26x64xf32, #tpu.memory_space<vmem>>
      tpu.wait_dma2 semaphore(%arg8 : memref<!tpu.dma_semaphore, #tpu.memory_space<semaphore_mem>>) src(%dma_wait3A_1314 : memref<26x64xf32, #tpu.memory_space<vmem>>) dst(%dma_wait3A_1307 : memref<26x64xf32, #tpu.memory_space<hbm>>)
      %dma_wait3A_1315 = arith.constant 1 : i32
      %dma_wait3A_1316 = arith.constant 0 : i32
      %dma_wait3A_1317 = arith.constant 0 : i32
      %dma_wait3A_1318 = arith.constant 0 : i32
      %dma_wait3A_1319 = tpu.memref_slice %arg6[%dma_wait3A_1315, %dma_wait3A_1317, %dma_wait3A_1318] : memref<4x104x64xf32, #tpu.memory_space<vmem>> -> memref<1x104x64xf32, #tpu.memory_space<vmem>>
      %dma_wait3A_1320 = tpu.memref_squeeze %dma_wait3A_1319 : memref<1x104x64xf32, #tpu.memory_space<vmem>> -> memref<104x64xf32, #tpu.memory_space<vmem>>
      %dma_wait3A_1321 = arith.constant 52 : i32
      %dma_wait3A_1322 = arith.constant 0 : i32
      %dma_wait3A_1323 = tpu.memref_slice %dma_wait3A_1320[%dma_wait3A_1321, %dma_wait3A_1322] : memref<104x64xf32, #tpu.memory_space<vmem>> -> memref<26x64xf32, #tpu.memory_space<vmem>>
      %dma_wait3A_1324 = arith.constant 0 : i32
      %dma_wait3A_1325 = arith.constant 0 : i32
      %dma_wait3A_1326 = tpu.memref_slice %arg4[%dma_wait3A_1316, %dma_wait3A_1324, %dma_wait3A_1325] : memref<16384x32x128xf32, #tpu.memory_space<hbm>> -> memref<1x26x64xf32, #tpu.memory_space<hbm>>
      %dma_wait3A_1327 = tpu.memref_squeeze %dma_wait3A_1326 : memref<1x26x64xf32, #tpu.memory_space<hbm>> -> memref<26x64xf32, #tpu.memory_space<hbm>>
      %dma_wait3A_1328 = arith.constant 0 : i32
      %dma_wait3A_1329 = arith.constant 0 : i32
      %dma_wait3A_1330 = tpu.memref_slice %arg4[%dma_wait3A_1316, %dma_wait3A_1328, %dma_wait3A_1329] : memref<16384x32x128xf32, #tpu.memory_space<hbm>> -> memref<1x26x64xf32, #tpu.memory_space<hbm>>
      %dma_wait3A_1331 = tpu.memref_squeeze %dma_wait3A_1330 : memref<1x26x64xf32, #tpu.memory_space<hbm>> -> memref<26x64xf32, #tpu.memory_space<hbm>>
      %dma_wait3A_1332 = arith.constant 0 : i32
      %dma_wait3A_1333 = arith.constant 0 : i32
      %dma_wait3A_1334 = tpu.memref_slice %arg6[%dma_wait3A_1315, %dma_wait3A_1332, %dma_wait3A_1333] : memref<4x104x64xf32, #tpu.memory_space<vmem>> -> memref<1x104x64xf32, #tpu.memory_space<vmem>>
      %dma_wait3A_1335 = tpu.memref_squeeze %dma_wait3A_1334 : memref<1x104x64xf32, #tpu.memory_space<vmem>> -> memref<104x64xf32, #tpu.memory_space<vmem>>
      %dma_wait3A_1336 = arith.constant 52 : i32
      %dma_wait3A_1337 = arith.constant 0 : i32
      %dma_wait3A_1338 = tpu.memref_slice %dma_wait3A_1335[%dma_wait3A_1336, %dma_wait3A_1337] : memref<104x64xf32, #tpu.memory_space<vmem>> -> memref<26x64xf32, #tpu.memory_space<vmem>>
      tpu.wait_dma2 semaphore(%arg8 : memref<!tpu.dma_semaphore, #tpu.memory_space<semaphore_mem>>) src(%dma_wait3A_1338 : memref<26x64xf32, #tpu.memory_space<vmem>>) dst(%dma_wait3A_1331 : memref<26x64xf32, #tpu.memory_space<hbm>>)
      %dma_wait3A_1339 = arith.constant 1 : i32
      %dma_wait3A_1340 = arith.constant 0 : i32
      %dma_wait3A_1341 = arith.constant 0 : i32
      %dma_wait3A_1342 = arith.constant 0 : i32
      %dma_wait3A_1343 = tpu.memref_slice %arg6[%dma_wait3A_1339, %dma_wait3A_1341, %dma_wait3A_1342] : memref<4x104x64xf32, #tpu.memory_space<vmem>> -> memref<1x104x64xf32, #tpu.memory_space<vmem>>
      %dma_wait3A_1344 = tpu.memref_squeeze %dma_wait3A_1343 : memref<1x104x64xf32, #tpu.memory_space<vmem>> -> memref<104x64xf32, #tpu.memory_space<vmem>>
      %dma_wait3A_1345 = arith.constant 78 : i32
      %dma_wait3A_1346 = arith.constant 0 : i32
      %dma_wait3A_1347 = tpu.memref_slice %dma_wait3A_1344[%dma_wait3A_1345, %dma_wait3A_1346] : memref<104x64xf32, #tpu.memory_space<vmem>> -> memref<26x64xf32, #tpu.memory_space<vmem>>
      %dma_wait3A_1348 = arith.constant 0 : i32
      %dma_wait3A_1349 = arith.constant 0 : i32
      %dma_wait3A_1350 = tpu.memref_slice %arg4[%dma_wait3A_1340, %dma_wait3A_1348, %dma_wait3A_1349] : memref<16384x32x128xf32, #tpu.memory_space<hbm>> -> memref<1x26x64xf32, #tpu.memory_space<hbm>>
      %dma_wait3A_1351 = tpu.memref_squeeze %dma_wait3A_1350 : memref<1x26x64xf32, #tpu.memory_space<hbm>> -> memref<26x64xf32, #tpu.memory_space<hbm>>
      %dma_wait3A_1352 = arith.constant 0 : i32
      %dma_wait3A_1353 = arith.constant 0 : i32
      %dma_wait3A_1354 = tpu.memref_slice %arg4[%dma_wait3A_1340, %dma_wait3A_1352, %dma_wait3A_1353] : memref<16384x32x128xf32, #tpu.memory_space<hbm>> -> memref<1x26x64xf32, #tpu.memory_space<hbm>>
      %dma_wait3A_1355 = tpu.memref_squeeze %dma_wait3A_1354 : memref<1x26x64xf32, #tpu.memory_space<hbm>> -> memref<26x64xf32, #tpu.memory_space<hbm>>
      %dma_wait3A_1356 = arith.constant 0 : i32
      %dma_wait3A_1357 = arith.constant 0 : i32
      %dma_wait3A_1358 = tpu.memref_slice %arg6[%dma_wait3A_1339, %dma_wait3A_1356, %dma_wait3A_1357] : memref<4x104x64xf32, #tpu.memory_space<vmem>> -> memref<1x104x64xf32, #tpu.memory_space<vmem>>
      %dma_wait3A_1359 = tpu.memref_squeeze %dma_wait3A_1358 : memref<1x104x64xf32, #tpu.memory_space<vmem>> -> memref<104x64xf32, #tpu.memory_space<vmem>>
      %dma_wait3A_1360 = arith.constant 78 : i32
      %dma_wait3A_1361 = arith.constant 0 : i32
      %dma_wait3A_1362 = tpu.memref_slice %dma_wait3A_1359[%dma_wait3A_1360, %dma_wait3A_1361] : memref<104x64xf32, #tpu.memory_space<vmem>> -> memref<26x64xf32, #tpu.memory_space<vmem>>
      tpu.wait_dma2 semaphore(%arg8 : memref<!tpu.dma_semaphore, #tpu.memory_space<semaphore_mem>>) src(%dma_wait3A_1362 : memref<26x64xf32, #tpu.memory_space<vmem>>) dst(%dma_wait3A_1355 : memref<26x64xf32, #tpu.memory_space<hbm>>)
      %add3A_1363 = arith.constant 4 : i32
      %add3A_1364 = arith.addi %add3A_1148, %add3A_1363 : i32
      %dma_start3A_1365 = arith.constant 1 : i32
      %dma_start3A_1366 = arith.constant 0 : i32
      %dma_start3A_1367 = arith.constant 0 : i32
      %dma_start3A_1368 = tpu.memref_slice %arg6[%dma_start3A_1365, %dma_start3A_1366, %dma_start3A_1367] : memref<4x104x64xf32, #tpu.memory_space<vmem>> -> memref<1x104x64xf32, #tpu.memory_space<vmem>>
      %dma_start3A_1369 = tpu.memref_squeeze %dma_start3A_1368 : memref<1x104x64xf32, #tpu.memory_space<vmem>> -> memref<104x64xf32, #tpu.memory_space<vmem>>
      %dma_start3A_1370 = arith.constant 0 : i32
      %dma_start3A_1371 = tpu.memref_slice %arg5[%add3A_1364, %dma_start3A_1370] : memref<128x104xi32, #tpu.memory_space<vmem>> -> memref<1x104xi32, #tpu.memory_space<vmem>>
      %dma_start3A_1372 = tpu.memref_squeeze %dma_start3A_1371 : memref<1x104xi32, #tpu.memory_space<vmem>> -> memref<104xi32, #tpu.memory_space<vmem>>
      %dma_start3A_1373 = arith.constant 0 : i32
      %dma_start3A_1374 = arith.constant 0 : i32
      %dma_start3A_1375 = tpu.memref_slice %arg3[%dma_start3A_1373, %dma_start3A_1374] : memref<2000000x64xf32, #tpu.memory_space<hbm>> -> memref<2000000x64xf32, #tpu.memory_space<hbm>>
      tpu.enqueue_indirect_dma source(%dma_start3A_1375 : memref<2000000x64xf32, #tpu.memory_space<hbm>>) target(%dma_start3A_1369 : memref<104x64xf32, #tpu.memory_space<vmem>>) offsets(%dma_start3A_1372 : memref<104xi32, #tpu.memory_space<vmem>>) semaphore(%arg7 : memref<!tpu.dma_semaphore, #tpu.memory_space<semaphore_mem>>)
      %add3A_1376 = arith.constant 2 : i32
      %add3A_1377 = arith.addi %add3A_917, %add3A_1376 : i32
      %dma_wait3A_1378 = arith.constant 2 : i32
      %dma_wait3A_1379 = arith.constant 0 : i32
      %dma_wait3A_1380 = arith.constant 0 : i32
      %dma_wait3A_1381 = tpu.memref_slice %arg6[%dma_wait3A_1378, %dma_wait3A_1379, %dma_wait3A_1380] : memref<4x104x64xf32, #tpu.memory_space<vmem>> -> memref<1x104x64xf32, #tpu.memory_space<vmem>>
      %dma_wait3A_1382 = tpu.memref_squeeze %dma_wait3A_1381 : memref<1x104x64xf32, #tpu.memory_space<vmem>> -> memref<104x64xf32, #tpu.memory_space<vmem>>
      %dma_wait3A_1383 = arith.constant 0 : i32
      %dma_wait3A_1384 = arith.constant 0 : i32
      %dma_wait3A_1385 = tpu.memref_slice %arg3[%dma_wait3A_1383, %dma_wait3A_1384] : memref<2000000x64xf32, #tpu.memory_space<hbm>> -> memref<104x64xf32, #tpu.memory_space<hbm>>
      %dma_wait3A_1386 = arith.constant 0 : i32
      %dma_wait3A_1387 = arith.constant 0 : i32
      %dma_wait3A_1388 = tpu.memref_slice %arg6[%dma_wait3A_1378, %dma_wait3A_1386, %dma_wait3A_1387] : memref<4x104x64xf32, #tpu.memory_space<vmem>> -> memref<1x104x64xf32, #tpu.memory_space<vmem>>
      %dma_wait3A_1389 = tpu.memref_squeeze %dma_wait3A_1388 : memref<1x104x64xf32, #tpu.memory_space<vmem>> -> memref<104x64xf32, #tpu.memory_space<vmem>>
      %dma_wait3A_1390 = arith.constant 0 : i32
      %dma_wait3A_1391 = arith.constant 0 : i32
      %dma_wait3A_1392 = tpu.memref_slice %arg3[%dma_wait3A_1390, %dma_wait3A_1391] : memref<2000000x64xf32, #tpu.memory_space<hbm>> -> memref<104x64xf32, #tpu.memory_space<hbm>>
      tpu.wait_dma2 semaphore(%arg7 : memref<!tpu.dma_semaphore, #tpu.memory_space<semaphore_mem>>) src(%dma_wait3A_1392 : memref<104x64xf32, #tpu.memory_space<hbm>>) dst(%dma_wait3A_1389 : memref<104x64xf32, #tpu.memory_space<vmem>>)
      %add3A_1393 = arith.addi %mul3A_2, %add3A_1377 : i32
      %mul3A_1394 = arith.constant 4 : i32
      %mul3A_1395 = arith.muli %add3A_1393, %mul3A_1394 : i32
      %add3A_1396 = arith.constant 0 : i32
      %add3A_1397 = arith.addi %mul3A_1395, %add3A_1396 : i32
      %dma_start3A_1398 = arith.constant 2 : i32
      %dma_start3A_1399 = arith.constant 0 : i32
      %dma_start3A_1400 = arith.constant 0 : i32
      %dma_start3A_1401 = tpu.memref_slice %arg6[%dma_start3A_1398, %dma_start3A_1399, %dma_start3A_1400] : memref<4x104x64xf32, #tpu.memory_space<vmem>> -> memref<1x104x64xf32, #tpu.memory_space<vmem>>
      %dma_start3A_1402 = tpu.memref_squeeze %dma_start3A_1401 : memref<1x104x64xf32, #tpu.memory_space<vmem>> -> memref<104x64xf32, #tpu.memory_space<vmem>>
      %dma_start3A_1403 = arith.constant 0 : i32
      %dma_start3A_1404 = arith.constant 0 : i32
      %dma_start3A_1405 = tpu.memref_slice %dma_start3A_1402[%dma_start3A_1403, %dma_start3A_1404] : memref<104x64xf32, #tpu.memory_space<vmem>> -> memref<26x64xf32, #tpu.memory_space<vmem>>
      %dma_start3A_1406 = arith.constant 0 : i32
      %dma_start3A_1407 = arith.constant 0 : i32
      %dma_start3A_1408 = tpu.memref_slice %arg4[%add3A_1397, %dma_start3A_1406, %dma_start3A_1407] : memref<16384x32x128xf32, #tpu.memory_space<hbm>> -> memref<1x26x64xf32, #tpu.memory_space<hbm>>
      %dma_start3A_1409 = tpu.memref_squeeze %dma_start3A_1408 : memref<1x26x64xf32, #tpu.memory_space<hbm>> -> memref<26x64xf32, #tpu.memory_space<hbm>>
      %dma_start3A_1410 = arith.constant 0 : i32
      %dma_start3A_1411 = arith.constant 0 : i32
      %dma_start3A_1412 = tpu.memref_slice %arg4[%add3A_1397, %dma_start3A_1410, %dma_start3A_1411] : memref<16384x32x128xf32, #tpu.memory_space<hbm>> -> memref<1x26x64xf32, #tpu.memory_space<hbm>>
      %dma_start3A_1413 = tpu.memref_squeeze %dma_start3A_1412 : memref<1x26x64xf32, #tpu.memory_space<hbm>> -> memref<26x64xf32, #tpu.memory_space<hbm>>
      %dma_start3A_1414 = arith.constant 0 : i32
      %dma_start3A_1415 = arith.constant 0 : i32
      %dma_start3A_1416 = tpu.memref_slice %arg6[%dma_start3A_1398, %dma_start3A_1414, %dma_start3A_1415] : memref<4x104x64xf32, #tpu.memory_space<vmem>> -> memref<1x104x64xf32, #tpu.memory_space<vmem>>
      %dma_start3A_1417 = tpu.memref_squeeze %dma_start3A_1416 : memref<1x104x64xf32, #tpu.memory_space<vmem>> -> memref<104x64xf32, #tpu.memory_space<vmem>>
      %dma_start3A_1418 = arith.constant 0 : i32
      %dma_start3A_1419 = arith.constant 0 : i32
      %dma_start3A_1420 = tpu.memref_slice %dma_start3A_1417[%dma_start3A_1418, %dma_start3A_1419] : memref<104x64xf32, #tpu.memory_space<vmem>> -> memref<26x64xf32, #tpu.memory_space<vmem>>
      tpu.enqueue_dma source(%dma_start3A_1420 : memref<26x64xf32, #tpu.memory_space<vmem>>) target(%dma_start3A_1413 : memref<26x64xf32, #tpu.memory_space<hbm>>) target_semaphore(%arg8 : memref<!tpu.dma_semaphore, #tpu.memory_space<semaphore_mem>>)
      %add3A_1421 = arith.constant 1 : i32
      %add3A_1422 = arith.addi %mul3A_1395, %add3A_1421 : i32
      %dma_start3A_1423 = arith.constant 2 : i32
      %dma_start3A_1424 = arith.constant 0 : i32
      %dma_start3A_1425 = arith.constant 0 : i32
      %dma_start3A_1426 = tpu.memref_slice %arg6[%dma_start3A_1423, %dma_start3A_1424, %dma_start3A_1425] : memref<4x104x64xf32, #tpu.memory_space<vmem>> -> memref<1x104x64xf32, #tpu.memory_space<vmem>>
      %dma_start3A_1427 = tpu.memref_squeeze %dma_start3A_1426 : memref<1x104x64xf32, #tpu.memory_space<vmem>> -> memref<104x64xf32, #tpu.memory_space<vmem>>
      %dma_start3A_1428 = arith.constant 26 : i32
      %dma_start3A_1429 = arith.constant 0 : i32
      %dma_start3A_1430 = tpu.memref_slice %dma_start3A_1427[%dma_start3A_1428, %dma_start3A_1429] : memref<104x64xf32, #tpu.memory_space<vmem>> -> memref<26x64xf32, #tpu.memory_space<vmem>>
      %dma_start3A_1431 = arith.constant 0 : i32
      %dma_start3A_1432 = arith.constant 0 : i32
      %dma_start3A_1433 = tpu.memref_slice %arg4[%add3A_1422, %dma_start3A_1431, %dma_start3A_1432] : memref<16384x32x128xf32, #tpu.memory_space<hbm>> -> memref<1x26x64xf32, #tpu.memory_space<hbm>>
      %dma_start3A_1434 = tpu.memref_squeeze %dma_start3A_1433 : memref<1x26x64xf32, #tpu.memory_space<hbm>> -> memref<26x64xf32, #tpu.memory_space<hbm>>
      %dma_start3A_1435 = arith.constant 0 : i32
      %dma_start3A_1436 = arith.constant 0 : i32
      %dma_start3A_1437 = tpu.memref_slice %arg4[%add3A_1422, %dma_start3A_1435, %dma_start3A_1436] : memref<16384x32x128xf32, #tpu.memory_space<hbm>> -> memref<1x26x64xf32, #tpu.memory_space<hbm>>
      %dma_start3A_1438 = tpu.memref_squeeze %dma_start3A_1437 : memref<1x26x64xf32, #tpu.memory_space<hbm>> -> memref<26x64xf32, #tpu.memory_space<hbm>>
      %dma_start3A_1439 = arith.constant 0 : i32
      %dma_start3A_1440 = arith.constant 0 : i32
      %dma_start3A_1441 = tpu.memref_slice %arg6[%dma_start3A_1423, %dma_start3A_1439, %dma_start3A_1440] : memref<4x104x64xf32, #tpu.memory_space<vmem>> -> memref<1x104x64xf32, #tpu.memory_space<vmem>>
      %dma_start3A_1442 = tpu.memref_squeeze %dma_start3A_1441 : memref<1x104x64xf32, #tpu.memory_space<vmem>> -> memref<104x64xf32, #tpu.memory_space<vmem>>
      %dma_start3A_1443 = arith.constant 26 : i32
      %dma_start3A_1444 = arith.constant 0 : i32
      %dma_start3A_1445 = tpu.memref_slice %dma_start3A_1442[%dma_start3A_1443, %dma_start3A_1444] : memref<104x64xf32, #tpu.memory_space<vmem>> -> memref<26x64xf32, #tpu.memory_space<vmem>>
      tpu.enqueue_dma source(%dma_start3A_1445 : memref<26x64xf32, #tpu.memory_space<vmem>>) target(%dma_start3A_1438 : memref<26x64xf32, #tpu.memory_space<hbm>>) target_semaphore(%arg8 : memref<!tpu.dma_semaphore, #tpu.memory_space<semaphore_mem>>)
      %add3A_1446 = arith.constant 2 : i32
      %add3A_1447 = arith.addi %mul3A_1395, %add3A_1446 : i32
      %dma_start3A_1448 = arith.constant 2 : i32
      %dma_start3A_1449 = arith.constant 0 : i32
      %dma_start3A_1450 = arith.constant 0 : i32
      %dma_start3A_1451 = tpu.memref_slice %arg6[%dma_start3A_1448, %dma_start3A_1449, %dma_start3A_1450] : memref<4x104x64xf32, #tpu.memory_space<vmem>> -> memref<1x104x64xf32, #tpu.memory_space<vmem>>
      %dma_start3A_1452 = tpu.memref_squeeze %dma_start3A_1451 : memref<1x104x64xf32, #tpu.memory_space<vmem>> -> memref<104x64xf32, #tpu.memory_space<vmem>>
      %dma_start3A_1453 = arith.constant 52 : i32
      %dma_start3A_1454 = arith.constant 0 : i32
      %dma_start3A_1455 = tpu.memref_slice %dma_start3A_1452[%dma_start3A_1453, %dma_start3A_1454] : memref<104x64xf32, #tpu.memory_space<vmem>> -> memref<26x64xf32, #tpu.memory_space<vmem>>
      %dma_start3A_1456 = arith.constant 0 : i32
      %dma_start3A_1457 = arith.constant 0 : i32
      %dma_start3A_1458 = tpu.memref_slice %arg4[%add3A_1447, %dma_start3A_1456, %dma_start3A_1457] : memref<16384x32x128xf32, #tpu.memory_space<hbm>> -> memref<1x26x64xf32, #tpu.memory_space<hbm>>
      %dma_start3A_1459 = tpu.memref_squeeze %dma_start3A_1458 : memref<1x26x64xf32, #tpu.memory_space<hbm>> -> memref<26x64xf32, #tpu.memory_space<hbm>>
      %dma_start3A_1460 = arith.constant 0 : i32
      %dma_start3A_1461 = arith.constant 0 : i32
      %dma_start3A_1462 = tpu.memref_slice %arg4[%add3A_1447, %dma_start3A_1460, %dma_start3A_1461] : memref<16384x32x128xf32, #tpu.memory_space<hbm>> -> memref<1x26x64xf32, #tpu.memory_space<hbm>>
      %dma_start3A_1463 = tpu.memref_squeeze %dma_start3A_1462 : memref<1x26x64xf32, #tpu.memory_space<hbm>> -> memref<26x64xf32, #tpu.memory_space<hbm>>
      %dma_start3A_1464 = arith.constant 0 : i32
      %dma_start3A_1465 = arith.constant 0 : i32
      %dma_start3A_1466 = tpu.memref_slice %arg6[%dma_start3A_1448, %dma_start3A_1464, %dma_start3A_1465] : memref<4x104x64xf32, #tpu.memory_space<vmem>> -> memref<1x104x64xf32, #tpu.memory_space<vmem>>
      %dma_start3A_1467 = tpu.memref_squeeze %dma_start3A_1466 : memref<1x104x64xf32, #tpu.memory_space<vmem>> -> memref<104x64xf32, #tpu.memory_space<vmem>>
      %dma_start3A_1468 = arith.constant 52 : i32
      %dma_start3A_1469 = arith.constant 0 : i32
      %dma_start3A_1470 = tpu.memref_slice %dma_start3A_1467[%dma_start3A_1468, %dma_start3A_1469] : memref<104x64xf32, #tpu.memory_space<vmem>> -> memref<26x64xf32, #tpu.memory_space<vmem>>
      tpu.enqueue_dma source(%dma_start3A_1470 : memref<26x64xf32, #tpu.memory_space<vmem>>) target(%dma_start3A_1463 : memref<26x64xf32, #tpu.memory_space<hbm>>) target_semaphore(%arg8 : memref<!tpu.dma_semaphore, #tpu.memory_space<semaphore_mem>>)
      %add3A_1471 = arith.constant 3 : i32
      %add3A_1472 = arith.addi %mul3A_1395, %add3A_1471 : i32
      %dma_start3A_1473 = arith.constant 2 : i32
      %dma_start3A_1474 = arith.constant 0 : i32
      %dma_start3A_1475 = arith.constant 0 : i32
      %dma_start3A_1476 = tpu.memref_slice %arg6[%dma_start3A_1473, %dma_start3A_1474, %dma_start3A_1475] : memref<4x104x64xf32, #tpu.memory_space<vmem>> -> memref<1x104x64xf32, #tpu.memory_space<vmem>>
      %dma_start3A_1477 = tpu.memref_squeeze %dma_start3A_1476 : memref<1x104x64xf32, #tpu.memory_space<vmem>> -> memref<104x64xf32, #tpu.memory_space<vmem>>
      %dma_start3A_1478 = arith.constant 78 : i32
      %dma_start3A_1479 = arith.constant 0 : i32
      %dma_start3A_1480 = tpu.memref_slice %dma_start3A_1477[%dma_start3A_1478, %dma_start3A_1479] : memref<104x64xf32, #tpu.memory_space<vmem>> -> memref<26x64xf32, #tpu.memory_space<vmem>>
      %dma_start3A_1481 = arith.constant 0 : i32
      %dma_start3A_1482 = arith.constant 0 : i32
      %dma_start3A_1483 = tpu.memref_slice %arg4[%add3A_1472, %dma_start3A_1481, %dma_start3A_1482] : memref<16384x32x128xf32, #tpu.memory_space<hbm>> -> memref<1x26x64xf32, #tpu.memory_space<hbm>>
      %dma_start3A_1484 = tpu.memref_squeeze %dma_start3A_1483 : memref<1x26x64xf32, #tpu.memory_space<hbm>> -> memref<26x64xf32, #tpu.memory_space<hbm>>
      %dma_start3A_1485 = arith.constant 0 : i32
      %dma_start3A_1486 = arith.constant 0 : i32
      %dma_start3A_1487 = tpu.memref_slice %arg4[%add3A_1472, %dma_start3A_1485, %dma_start3A_1486] : memref<16384x32x128xf32, #tpu.memory_space<hbm>> -> memref<1x26x64xf32, #tpu.memory_space<hbm>>
      %dma_start3A_1488 = tpu.memref_squeeze %dma_start3A_1487 : memref<1x26x64xf32, #tpu.memory_space<hbm>> -> memref<26x64xf32, #tpu.memory_space<hbm>>
      %dma_start3A_1489 = arith.constant 0 : i32
      %dma_start3A_1490 = arith.constant 0 : i32
      %dma_start3A_1491 = tpu.memref_slice %arg6[%dma_start3A_1473, %dma_start3A_1489, %dma_start3A_1490] : memref<4x104x64xf32, #tpu.memory_space<vmem>> -> memref<1x104x64xf32, #tpu.memory_space<vmem>>
      %dma_start3A_1492 = tpu.memref_squeeze %dma_start3A_1491 : memref<1x104x64xf32, #tpu.memory_space<vmem>> -> memref<104x64xf32, #tpu.memory_space<vmem>>
      %dma_start3A_1493 = arith.constant 78 : i32
      %dma_start3A_1494 = arith.constant 0 : i32
      %dma_start3A_1495 = tpu.memref_slice %dma_start3A_1492[%dma_start3A_1493, %dma_start3A_1494] : memref<104x64xf32, #tpu.memory_space<vmem>> -> memref<26x64xf32, #tpu.memory_space<vmem>>
      tpu.enqueue_dma source(%dma_start3A_1495 : memref<26x64xf32, #tpu.memory_space<vmem>>) target(%dma_start3A_1488 : memref<26x64xf32, #tpu.memory_space<hbm>>) target_semaphore(%arg8 : memref<!tpu.dma_semaphore, #tpu.memory_space<semaphore_mem>>)
      %dma_wait3A_1496 = arith.constant 2 : i32
      %dma_wait3A_1497 = arith.constant 0 : i32
      %dma_wait3A_1498 = arith.constant 0 : i32
      %dma_wait3A_1499 = arith.constant 0 : i32
      %dma_wait3A_1500 = tpu.memref_slice %arg6[%dma_wait3A_1496, %dma_wait3A_1498, %dma_wait3A_1499] : memref<4x104x64xf32, #tpu.memory_space<vmem>> -> memref<1x104x64xf32, #tpu.memory_space<vmem>>
      %dma_wait3A_1501 = tpu.memref_squeeze %dma_wait3A_1500 : memref<1x104x64xf32, #tpu.memory_space<vmem>> -> memref<104x64xf32, #tpu.memory_space<vmem>>
      %dma_wait3A_1502 = arith.constant 0 : i32
      %dma_wait3A_1503 = arith.constant 0 : i32
      %dma_wait3A_1504 = tpu.memref_slice %dma_wait3A_1501[%dma_wait3A_1502, %dma_wait3A_1503] : memref<104x64xf32, #tpu.memory_space<vmem>> -> memref<26x64xf32, #tpu.memory_space<vmem>>
      %dma_wait3A_1505 = arith.constant 0 : i32
      %dma_wait3A_1506 = arith.constant 0 : i32
      %dma_wait3A_1507 = tpu.memref_slice %arg4[%dma_wait3A_1497, %dma_wait3A_1505, %dma_wait3A_1506] : memref<16384x32x128xf32, #tpu.memory_space<hbm>> -> memref<1x26x64xf32, #tpu.memory_space<hbm>>
      %dma_wait3A_1508 = tpu.memref_squeeze %dma_wait3A_1507 : memref<1x26x64xf32, #tpu.memory_space<hbm>> -> memref<26x64xf32, #tpu.memory_space<hbm>>
      %dma_wait3A_1509 = arith.constant 0 : i32
      %dma_wait3A_1510 = arith.constant 0 : i32
      %dma_wait3A_1511 = tpu.memref_slice %arg4[%dma_wait3A_1497, %dma_wait3A_1509, %dma_wait3A_1510] : memref<16384x32x128xf32, #tpu.memory_space<hbm>> -> memref<1x26x64xf32, #tpu.memory_space<hbm>>
      %dma_wait3A_1512 = tpu.memref_squeeze %dma_wait3A_1511 : memref<1x26x64xf32, #tpu.memory_space<hbm>> -> memref<26x64xf32, #tpu.memory_space<hbm>>
      %dma_wait3A_1513 = arith.constant 0 : i32
      %dma_wait3A_1514 = arith.constant 0 : i32
      %dma_wait3A_1515 = tpu.memref_slice %arg6[%dma_wait3A_1496, %dma_wait3A_1513, %dma_wait3A_1514] : memref<4x104x64xf32, #tpu.memory_space<vmem>> -> memref<1x104x64xf32, #tpu.memory_space<vmem>>
      %dma_wait3A_1516 = tpu.memref_squeeze %dma_wait3A_1515 : memref<1x104x64xf32, #tpu.memory_space<vmem>> -> memref<104x64xf32, #tpu.memory_space<vmem>>
      %dma_wait3A_1517 = arith.constant 0 : i32
      %dma_wait3A_1518 = arith.constant 0 : i32
      %dma_wait3A_1519 = tpu.memref_slice %dma_wait3A_1516[%dma_wait3A_1517, %dma_wait3A_1518] : memref<104x64xf32, #tpu.memory_space<vmem>> -> memref<26x64xf32, #tpu.memory_space<vmem>>
      tpu.wait_dma2 semaphore(%arg8 : memref<!tpu.dma_semaphore, #tpu.memory_space<semaphore_mem>>) src(%dma_wait3A_1519 : memref<26x64xf32, #tpu.memory_space<vmem>>) dst(%dma_wait3A_1512 : memref<26x64xf32, #tpu.memory_space<hbm>>)
      %dma_wait3A_1520 = arith.constant 2 : i32
      %dma_wait3A_1521 = arith.constant 0 : i32
      %dma_wait3A_1522 = arith.constant 0 : i32
      %dma_wait3A_1523 = arith.constant 0 : i32
      %dma_wait3A_1524 = tpu.memref_slice %arg6[%dma_wait3A_1520, %dma_wait3A_1522, %dma_wait3A_1523] : memref<4x104x64xf32, #tpu.memory_space<vmem>> -> memref<1x104x64xf32, #tpu.memory_space<vmem>>
      %dma_wait3A_1525 = tpu.memref_squeeze %dma_wait3A_1524 : memref<1x104x64xf32, #tpu.memory_space<vmem>> -> memref<104x64xf32, #tpu.memory_space<vmem>>
      %dma_wait3A_1526 = arith.constant 26 : i32
      %dma_wait3A_1527 = arith.constant 0 : i32
      %dma_wait3A_1528 = tpu.memref_slice %dma_wait3A_1525[%dma_wait3A_1526, %dma_wait3A_1527] : memref<104x64xf32, #tpu.memory_space<vmem>> -> memref<26x64xf32, #tpu.memory_space<vmem>>
      %dma_wait3A_1529 = arith.constant 0 : i32
      %dma_wait3A_1530 = arith.constant 0 : i32
      %dma_wait3A_1531 = tpu.memref_slice %arg4[%dma_wait3A_1521, %dma_wait3A_1529, %dma_wait3A_1530] : memref<16384x32x128xf32, #tpu.memory_space<hbm>> -> memref<1x26x64xf32, #tpu.memory_space<hbm>>
      %dma_wait3A_1532 = tpu.memref_squeeze %dma_wait3A_1531 : memref<1x26x64xf32, #tpu.memory_space<hbm>> -> memref<26x64xf32, #tpu.memory_space<hbm>>
      %dma_wait3A_1533 = arith.constant 0 : i32
      %dma_wait3A_1534 = arith.constant 0 : i32
      %dma_wait3A_1535 = tpu.memref_slice %arg4[%dma_wait3A_1521, %dma_wait3A_1533, %dma_wait3A_1534] : memref<16384x32x128xf32, #tpu.memory_space<hbm>> -> memref<1x26x64xf32, #tpu.memory_space<hbm>>
      %dma_wait3A_1536 = tpu.memref_squeeze %dma_wait3A_1535 : memref<1x26x64xf32, #tpu.memory_space<hbm>> -> memref<26x64xf32, #tpu.memory_space<hbm>>
      %dma_wait3A_1537 = arith.constant 0 : i32
      %dma_wait3A_1538 = arith.constant 0 : i32
      %dma_wait3A_1539 = tpu.memref_slice %arg6[%dma_wait3A_1520, %dma_wait3A_1537, %dma_wait3A_1538] : memref<4x104x64xf32, #tpu.memory_space<vmem>> -> memref<1x104x64xf32, #tpu.memory_space<vmem>>
      %dma_wait3A_1540 = tpu.memref_squeeze %dma_wait3A_1539 : memref<1x104x64xf32, #tpu.memory_space<vmem>> -> memref<104x64xf32, #tpu.memory_space<vmem>>
      %dma_wait3A_1541 = arith.constant 26 : i32
      %dma_wait3A_1542 = arith.constant 0 : i32
      %dma_wait3A_1543 = tpu.memref_slice %dma_wait3A_1540[%dma_wait3A_1541, %dma_wait3A_1542] : memref<104x64xf32, #tpu.memory_space<vmem>> -> memref<26x64xf32, #tpu.memory_space<vmem>>
      tpu.wait_dma2 semaphore(%arg8 : memref<!tpu.dma_semaphore, #tpu.memory_space<semaphore_mem>>) src(%dma_wait3A_1543 : memref<26x64xf32, #tpu.memory_space<vmem>>) dst(%dma_wait3A_1536 : memref<26x64xf32, #tpu.memory_space<hbm>>)
      %dma_wait3A_1544 = arith.constant 2 : i32
      %dma_wait3A_1545 = arith.constant 0 : i32
      %dma_wait3A_1546 = arith.constant 0 : i32
      %dma_wait3A_1547 = arith.constant 0 : i32
      %dma_wait3A_1548 = tpu.memref_slice %arg6[%dma_wait3A_1544, %dma_wait3A_1546, %dma_wait3A_1547] : memref<4x104x64xf32, #tpu.memory_space<vmem>> -> memref<1x104x64xf32, #tpu.memory_space<vmem>>
      %dma_wait3A_1549 = tpu.memref_squeeze %dma_wait3A_1548 : memref<1x104x64xf32, #tpu.memory_space<vmem>> -> memref<104x64xf32, #tpu.memory_space<vmem>>
      %dma_wait3A_1550 = arith.constant 52 : i32
      %dma_wait3A_1551 = arith.constant 0 : i32
      %dma_wait3A_1552 = tpu.memref_slice %dma_wait3A_1549[%dma_wait3A_1550, %dma_wait3A_1551] : memref<104x64xf32, #tpu.memory_space<vmem>> -> memref<26x64xf32, #tpu.memory_space<vmem>>
      %dma_wait3A_1553 = arith.constant 0 : i32
      %dma_wait3A_1554 = arith.constant 0 : i32
      %dma_wait3A_1555 = tpu.memref_slice %arg4[%dma_wait3A_1545, %dma_wait3A_1553, %dma_wait3A_1554] : memref<16384x32x128xf32, #tpu.memory_space<hbm>> -> memref<1x26x64xf32, #tpu.memory_space<hbm>>
      %dma_wait3A_1556 = tpu.memref_squeeze %dma_wait3A_1555 : memref<1x26x64xf32, #tpu.memory_space<hbm>> -> memref<26x64xf32, #tpu.memory_space<hbm>>
      %dma_wait3A_1557 = arith.constant 0 : i32
      %dma_wait3A_1558 = arith.constant 0 : i32
      %dma_wait3A_1559 = tpu.memref_slice %arg4[%dma_wait3A_1545, %dma_wait3A_1557, %dma_wait3A_1558] : memref<16384x32x128xf32, #tpu.memory_space<hbm>> -> memref<1x26x64xf32, #tpu.memory_space<hbm>>
      %dma_wait3A_1560 = tpu.memref_squeeze %dma_wait3A_1559 : memref<1x26x64xf32, #tpu.memory_space<hbm>> -> memref<26x64xf32, #tpu.memory_space<hbm>>
      %dma_wait3A_1561 = arith.constant 0 : i32
      %dma_wait3A_1562 = arith.constant 0 : i32
      %dma_wait3A_1563 = tpu.memref_slice %arg6[%dma_wait3A_1544, %dma_wait3A_1561, %dma_wait3A_1562] : memref<4x104x64xf32, #tpu.memory_space<vmem>> -> memref<1x104x64xf32, #tpu.memory_space<vmem>>
      %dma_wait3A_1564 = tpu.memref_squeeze %dma_wait3A_1563 : memref<1x104x64xf32, #tpu.memory_space<vmem>> -> memref<104x64xf32, #tpu.memory_space<vmem>>
      %dma_wait3A_1565 = arith.constant 52 : i32
      %dma_wait3A_1566 = arith.constant 0 : i32
      %dma_wait3A_1567 = tpu.memref_slice %dma_wait3A_1564[%dma_wait3A_1565, %dma_wait3A_1566] : memref<104x64xf32, #tpu.memory_space<vmem>> -> memref<26x64xf32, #tpu.memory_space<vmem>>
      tpu.wait_dma2 semaphore(%arg8 : memref<!tpu.dma_semaphore, #tpu.memory_space<semaphore_mem>>) src(%dma_wait3A_1567 : memref<26x64xf32, #tpu.memory_space<vmem>>) dst(%dma_wait3A_1560 : memref<26x64xf32, #tpu.memory_space<hbm>>)
      %dma_wait3A_1568 = arith.constant 2 : i32
      %dma_wait3A_1569 = arith.constant 0 : i32
      %dma_wait3A_1570 = arith.constant 0 : i32
      %dma_wait3A_1571 = arith.constant 0 : i32
      %dma_wait3A_1572 = tpu.memref_slice %arg6[%dma_wait3A_1568, %dma_wait3A_1570, %dma_wait3A_1571] : memref<4x104x64xf32, #tpu.memory_space<vmem>> -> memref<1x104x64xf32, #tpu.memory_space<vmem>>
      %dma_wait3A_1573 = tpu.memref_squeeze %dma_wait3A_1572 : memref<1x104x64xf32, #tpu.memory_space<vmem>> -> memref<104x64xf32, #tpu.memory_space<vmem>>
      %dma_wait3A_1574 = arith.constant 78 : i32
      %dma_wait3A_1575 = arith.constant 0 : i32
      %dma_wait3A_1576 = tpu.memref_slice %dma_wait3A_1573[%dma_wait3A_1574, %dma_wait3A_1575] : memref<104x64xf32, #tpu.memory_space<vmem>> -> memref<26x64xf32, #tpu.memory_space<vmem>>
      %dma_wait3A_1577 = arith.constant 0 : i32
      %dma_wait3A_1578 = arith.constant 0 : i32
      %dma_wait3A_1579 = tpu.memref_slice %arg4[%dma_wait3A_1569, %dma_wait3A_1577, %dma_wait3A_1578] : memref<16384x32x128xf32, #tpu.memory_space<hbm>> -> memref<1x26x64xf32, #tpu.memory_space<hbm>>
      %dma_wait3A_1580 = tpu.memref_squeeze %dma_wait3A_1579 : memref<1x26x64xf32, #tpu.memory_space<hbm>> -> memref<26x64xf32, #tpu.memory_space<hbm>>
      %dma_wait3A_1581 = arith.constant 0 : i32
      %dma_wait3A_1582 = arith.constant 0 : i32
      %dma_wait3A_1583 = tpu.memref_slice %arg4[%dma_wait3A_1569, %dma_wait3A_1581, %dma_wait3A_1582] : memref<16384x32x128xf32, #tpu.memory_space<hbm>> -> memref<1x26x64xf32, #tpu.memory_space<hbm>>
      %dma_wait3A_1584 = tpu.memref_squeeze %dma_wait3A_1583 : memref<1x26x64xf32, #tpu.memory_space<hbm>> -> memref<26x64xf32, #tpu.memory_space<hbm>>
      %dma_wait3A_1585 = arith.constant 0 : i32
      %dma_wait3A_1586 = arith.constant 0 : i32
      %dma_wait3A_1587 = tpu.memref_slice %arg6[%dma_wait3A_1568, %dma_wait3A_1585, %dma_wait3A_1586] : memref<4x104x64xf32, #tpu.memory_space<vmem>> -> memref<1x104x64xf32, #tpu.memory_space<vmem>>
      %dma_wait3A_1588 = tpu.memref_squeeze %dma_wait3A_1587 : memref<1x104x64xf32, #tpu.memory_space<vmem>> -> memref<104x64xf32, #tpu.memory_space<vmem>>
      %dma_wait3A_1589 = arith.constant 78 : i32
      %dma_wait3A_1590 = arith.constant 0 : i32
      %dma_wait3A_1591 = tpu.memref_slice %dma_wait3A_1588[%dma_wait3A_1589, %dma_wait3A_1590] : memref<104x64xf32, #tpu.memory_space<vmem>> -> memref<26x64xf32, #tpu.memory_space<vmem>>
      tpu.wait_dma2 semaphore(%arg8 : memref<!tpu.dma_semaphore, #tpu.memory_space<semaphore_mem>>) src(%dma_wait3A_1591 : memref<26x64xf32, #tpu.memory_space<vmem>>) dst(%dma_wait3A_1584 : memref<26x64xf32, #tpu.memory_space<hbm>>)
      %add3A_1592 = arith.constant 4 : i32
      %add3A_1593 = arith.addi %add3A_1377, %add3A_1592 : i32
      %dma_start3A_1594 = arith.constant 2 : i32
      %dma_start3A_1595 = arith.constant 0 : i32
      %dma_start3A_1596 = arith.constant 0 : i32
      %dma_start3A_1597 = tpu.memref_slice %arg6[%dma_start3A_1594, %dma_start3A_1595, %dma_start3A_1596] : memref<4x104x64xf32, #tpu.memory_space<vmem>> -> memref<1x104x64xf32, #tpu.memory_space<vmem>>
      %dma_start3A_1598 = tpu.memref_squeeze %dma_start3A_1597 : memref<1x104x64xf32, #tpu.memory_space<vmem>> -> memref<104x64xf32, #tpu.memory_space<vmem>>
      %dma_start3A_1599 = arith.constant 0 : i32
      %dma_start3A_1600 = tpu.memref_slice %arg5[%add3A_1593, %dma_start3A_1599] : memref<128x104xi32, #tpu.memory_space<vmem>> -> memref<1x104xi32, #tpu.memory_space<vmem>>
      %dma_start3A_1601 = tpu.memref_squeeze %dma_start3A_1600 : memref<1x104xi32, #tpu.memory_space<vmem>> -> memref<104xi32, #tpu.memory_space<vmem>>
      %dma_start3A_1602 = arith.constant 0 : i32
      %dma_start3A_1603 = arith.constant 0 : i32
      %dma_start3A_1604 = tpu.memref_slice %arg3[%dma_start3A_1602, %dma_start3A_1603] : memref<2000000x64xf32, #tpu.memory_space<hbm>> -> memref<2000000x64xf32, #tpu.memory_space<hbm>>
      tpu.enqueue_indirect_dma source(%dma_start3A_1604 : memref<2000000x64xf32, #tpu.memory_space<hbm>>) target(%dma_start3A_1598 : memref<104x64xf32, #tpu.memory_space<vmem>>) offsets(%dma_start3A_1601 : memref<104xi32, #tpu.memory_space<vmem>>) semaphore(%arg7 : memref<!tpu.dma_semaphore, #tpu.memory_space<semaphore_mem>>)
      %add3A_1605 = arith.constant 3 : i32
      %add3A_1606 = arith.addi %add3A_917, %add3A_1605 : i32
      %dma_wait3A_1607 = arith.constant 3 : i32
      %dma_wait3A_1608 = arith.constant 0 : i32
      %dma_wait3A_1609 = arith.constant 0 : i32
      %dma_wait3A_1610 = tpu.memref_slice %arg6[%dma_wait3A_1607, %dma_wait3A_1608, %dma_wait3A_1609] : memref<4x104x64xf32, #tpu.memory_space<vmem>> -> memref<1x104x64xf32, #tpu.memory_space<vmem>>
      %dma_wait3A_1611 = tpu.memref_squeeze %dma_wait3A_1610 : memref<1x104x64xf32, #tpu.memory_space<vmem>> -> memref<104x64xf32, #tpu.memory_space<vmem>>
      %dma_wait3A_1612 = arith.constant 0 : i32
      %dma_wait3A_1613 = arith.constant 0 : i32
      %dma_wait3A_1614 = tpu.memref_slice %arg3[%dma_wait3A_1612, %dma_wait3A_1613] : memref<2000000x64xf32, #tpu.memory_space<hbm>> -> memref<104x64xf32, #tpu.memory_space<hbm>>
      %dma_wait3A_1615 = arith.constant 0 : i32
      %dma_wait3A_1616 = arith.constant 0 : i32
      %dma_wait3A_1617 = tpu.memref_slice %arg6[%dma_wait3A_1607, %dma_wait3A_1615, %dma_wait3A_1616] : memref<4x104x64xf32, #tpu.memory_space<vmem>> -> memref<1x104x64xf32, #tpu.memory_space<vmem>>
      %dma_wait3A_1618 = tpu.memref_squeeze %dma_wait3A_1617 : memref<1x104x64xf32, #tpu.memory_space<vmem>> -> memref<104x64xf32, #tpu.memory_space<vmem>>
      %dma_wait3A_1619 = arith.constant 0 : i32
      %dma_wait3A_1620 = arith.constant 0 : i32
      %dma_wait3A_1621 = tpu.memref_slice %arg3[%dma_wait3A_1619, %dma_wait3A_1620] : memref<2000000x64xf32, #tpu.memory_space<hbm>> -> memref<104x64xf32, #tpu.memory_space<hbm>>
      tpu.wait_dma2 semaphore(%arg7 : memref<!tpu.dma_semaphore, #tpu.memory_space<semaphore_mem>>) src(%dma_wait3A_1621 : memref<104x64xf32, #tpu.memory_space<hbm>>) dst(%dma_wait3A_1618 : memref<104x64xf32, #tpu.memory_space<vmem>>)
      %add3A_1622 = arith.addi %mul3A_2, %add3A_1606 : i32
      %mul3A_1623 = arith.constant 4 : i32
      %mul3A_1624 = arith.muli %add3A_1622, %mul3A_1623 : i32
      %add3A_1625 = arith.constant 0 : i32
      %add3A_1626 = arith.addi %mul3A_1624, %add3A_1625 : i32
      %dma_start3A_1627 = arith.constant 3 : i32
      %dma_start3A_1628 = arith.constant 0 : i32
      %dma_start3A_1629 = arith.constant 0 : i32
      %dma_start3A_1630 = tpu.memref_slice %arg6[%dma_start3A_1627, %dma_start3A_1628, %dma_start3A_1629] : memref<4x104x64xf32, #tpu.memory_space<vmem>> -> memref<1x104x64xf32, #tpu.memory_space<vmem>>
      %dma_start3A_1631 = tpu.memref_squeeze %dma_start3A_1630 : memref<1x104x64xf32, #tpu.memory_space<vmem>> -> memref<104x64xf32, #tpu.memory_space<vmem>>
      %dma_start3A_1632 = arith.constant 0 : i32
      %dma_start3A_1633 = arith.constant 0 : i32
      %dma_start3A_1634 = tpu.memref_slice %dma_start3A_1631[%dma_start3A_1632, %dma_start3A_1633] : memref<104x64xf32, #tpu.memory_space<vmem>> -> memref<26x64xf32, #tpu.memory_space<vmem>>
      %dma_start3A_1635 = arith.constant 0 : i32
      %dma_start3A_1636 = arith.constant 0 : i32
      %dma_start3A_1637 = tpu.memref_slice %arg4[%add3A_1626, %dma_start3A_1635, %dma_start3A_1636] : memref<16384x32x128xf32, #tpu.memory_space<hbm>> -> memref<1x26x64xf32, #tpu.memory_space<hbm>>
      %dma_start3A_1638 = tpu.memref_squeeze %dma_start3A_1637 : memref<1x26x64xf32, #tpu.memory_space<hbm>> -> memref<26x64xf32, #tpu.memory_space<hbm>>
      %dma_start3A_1639 = arith.constant 0 : i32
      %dma_start3A_1640 = arith.constant 0 : i32
      %dma_start3A_1641 = tpu.memref_slice %arg4[%add3A_1626, %dma_start3A_1639, %dma_start3A_1640] : memref<16384x32x128xf32, #tpu.memory_space<hbm>> -> memref<1x26x64xf32, #tpu.memory_space<hbm>>
      %dma_start3A_1642 = tpu.memref_squeeze %dma_start3A_1641 : memref<1x26x64xf32, #tpu.memory_space<hbm>> -> memref<26x64xf32, #tpu.memory_space<hbm>>
      %dma_start3A_1643 = arith.constant 0 : i32
      %dma_start3A_1644 = arith.constant 0 : i32
      %dma_start3A_1645 = tpu.memref_slice %arg6[%dma_start3A_1627, %dma_start3A_1643, %dma_start3A_1644] : memref<4x104x64xf32, #tpu.memory_space<vmem>> -> memref<1x104x64xf32, #tpu.memory_space<vmem>>
      %dma_start3A_1646 = tpu.memref_squeeze %dma_start3A_1645 : memref<1x104x64xf32, #tpu.memory_space<vmem>> -> memref<104x64xf32, #tpu.memory_space<vmem>>
      %dma_start3A_1647 = arith.constant 0 : i32
      %dma_start3A_1648 = arith.constant 0 : i32
      %dma_start3A_1649 = tpu.memref_slice %dma_start3A_1646[%dma_start3A_1647, %dma_start3A_1648] : memref<104x64xf32, #tpu.memory_space<vmem>> -> memref<26x64xf32, #tpu.memory_space<vmem>>
      tpu.enqueue_dma source(%dma_start3A_1649 : memref<26x64xf32, #tpu.memory_space<vmem>>) target(%dma_start3A_1642 : memref<26x64xf32, #tpu.memory_space<hbm>>) target_semaphore(%arg8 : memref<!tpu.dma_semaphore, #tpu.memory_space<semaphore_mem>>)
      %add3A_1650 = arith.constant 1 : i32
      %add3A_1651 = arith.addi %mul3A_1624, %add3A_1650 : i32
      %dma_start3A_1652 = arith.constant 3 : i32
      %dma_start3A_1653 = arith.constant 0 : i32
      %dma_start3A_1654 = arith.constant 0 : i32
      %dma_start3A_1655 = tpu.memref_slice %arg6[%dma_start3A_1652, %dma_start3A_1653, %dma_start3A_1654] : memref<4x104x64xf32, #tpu.memory_space<vmem>> -> memref<1x104x64xf32, #tpu.memory_space<vmem>>
      %dma_start3A_1656 = tpu.memref_squeeze %dma_start3A_1655 : memref<1x104x64xf32, #tpu.memory_space<vmem>> -> memref<104x64xf32, #tpu.memory_space<vmem>>
      %dma_start3A_1657 = arith.constant 26 : i32
      %dma_start3A_1658 = arith.constant 0 : i32
      %dma_start3A_1659 = tpu.memref_slice %dma_start3A_1656[%dma_start3A_1657, %dma_start3A_1658] : memref<104x64xf32, #tpu.memory_space<vmem>> -> memref<26x64xf32, #tpu.memory_space<vmem>>
      %dma_start3A_1660 = arith.constant 0 : i32
      %dma_start3A_1661 = arith.constant 0 : i32
      %dma_start3A_1662 = tpu.memref_slice %arg4[%add3A_1651, %dma_start3A_1660, %dma_start3A_1661] : memref<16384x32x128xf32, #tpu.memory_space<hbm>> -> memref<1x26x64xf32, #tpu.memory_space<hbm>>
      %dma_start3A_1663 = tpu.memref_squeeze %dma_start3A_1662 : memref<1x26x64xf32, #tpu.memory_space<hbm>> -> memref<26x64xf32, #tpu.memory_space<hbm>>
      %dma_start3A_1664 = arith.constant 0 : i32
      %dma_start3A_1665 = arith.constant 0 : i32
      %dma_start3A_1666 = tpu.memref_slice %arg4[%add3A_1651, %dma_start3A_1664, %dma_start3A_1665] : memref<16384x32x128xf32, #tpu.memory_space<hbm>> -> memref<1x26x64xf32, #tpu.memory_space<hbm>>
      %dma_start3A_1667 = tpu.memref_squeeze %dma_start3A_1666 : memref<1x26x64xf32, #tpu.memory_space<hbm>> -> memref<26x64xf32, #tpu.memory_space<hbm>>
      %dma_start3A_1668 = arith.constant 0 : i32
      %dma_start3A_1669 = arith.constant 0 : i32
      %dma_start3A_1670 = tpu.memref_slice %arg6[%dma_start3A_1652, %dma_start3A_1668, %dma_start3A_1669] : memref<4x104x64xf32, #tpu.memory_space<vmem>> -> memref<1x104x64xf32, #tpu.memory_space<vmem>>
      %dma_start3A_1671 = tpu.memref_squeeze %dma_start3A_1670 : memref<1x104x64xf32, #tpu.memory_space<vmem>> -> memref<104x64xf32, #tpu.memory_space<vmem>>
      %dma_start3A_1672 = arith.constant 26 : i32
      %dma_start3A_1673 = arith.constant 0 : i32
      %dma_start3A_1674 = tpu.memref_slice %dma_start3A_1671[%dma_start3A_1672, %dma_start3A_1673] : memref<104x64xf32, #tpu.memory_space<vmem>> -> memref<26x64xf32, #tpu.memory_space<vmem>>
      tpu.enqueue_dma source(%dma_start3A_1674 : memref<26x64xf32, #tpu.memory_space<vmem>>) target(%dma_start3A_1667 : memref<26x64xf32, #tpu.memory_space<hbm>>) target_semaphore(%arg8 : memref<!tpu.dma_semaphore, #tpu.memory_space<semaphore_mem>>)
      %add3A_1675 = arith.constant 2 : i32
      %add3A_1676 = arith.addi %mul3A_1624, %add3A_1675 : i32
      %dma_start3A_1677 = arith.constant 3 : i32
      %dma_start3A_1678 = arith.constant 0 : i32
      %dma_start3A_1679 = arith.constant 0 : i32
      %dma_start3A_1680 = tpu.memref_slice %arg6[%dma_start3A_1677, %dma_start3A_1678, %dma_start3A_1679] : memref<4x104x64xf32, #tpu.memory_space<vmem>> -> memref<1x104x64xf32, #tpu.memory_space<vmem>>
      %dma_start3A_1681 = tpu.memref_squeeze %dma_start3A_1680 : memref<1x104x64xf32, #tpu.memory_space<vmem>> -> memref<104x64xf32, #tpu.memory_space<vmem>>
      %dma_start3A_1682 = arith.constant 52 : i32
      %dma_start3A_1683 = arith.constant 0 : i32
      %dma_start3A_1684 = tpu.memref_slice %dma_start3A_1681[%dma_start3A_1682, %dma_start3A_1683] : memref<104x64xf32, #tpu.memory_space<vmem>> -> memref<26x64xf32, #tpu.memory_space<vmem>>
      %dma_start3A_1685 = arith.constant 0 : i32
      %dma_start3A_1686 = arith.constant 0 : i32
      %dma_start3A_1687 = tpu.memref_slice %arg4[%add3A_1676, %dma_start3A_1685, %dma_start3A_1686] : memref<16384x32x128xf32, #tpu.memory_space<hbm>> -> memref<1x26x64xf32, #tpu.memory_space<hbm>>
      %dma_start3A_1688 = tpu.memref_squeeze %dma_start3A_1687 : memref<1x26x64xf32, #tpu.memory_space<hbm>> -> memref<26x64xf32, #tpu.memory_space<hbm>>
      %dma_start3A_1689 = arith.constant 0 : i32
      %dma_start3A_1690 = arith.constant 0 : i32
      %dma_start3A_1691 = tpu.memref_slice %arg4[%add3A_1676, %dma_start3A_1689, %dma_start3A_1690] : memref<16384x32x128xf32, #tpu.memory_space<hbm>> -> memref<1x26x64xf32, #tpu.memory_space<hbm>>
      %dma_start3A_1692 = tpu.memref_squeeze %dma_start3A_1691 : memref<1x26x64xf32, #tpu.memory_space<hbm>> -> memref<26x64xf32, #tpu.memory_space<hbm>>
      %dma_start3A_1693 = arith.constant 0 : i32
      %dma_start3A_1694 = arith.constant 0 : i32
      %dma_start3A_1695 = tpu.memref_slice %arg6[%dma_start3A_1677, %dma_start3A_1693, %dma_start3A_1694] : memref<4x104x64xf32, #tpu.memory_space<vmem>> -> memref<1x104x64xf32, #tpu.memory_space<vmem>>
      %dma_start3A_1696 = tpu.memref_squeeze %dma_start3A_1695 : memref<1x104x64xf32, #tpu.memory_space<vmem>> -> memref<104x64xf32, #tpu.memory_space<vmem>>
      %dma_start3A_1697 = arith.constant 52 : i32
      %dma_start3A_1698 = arith.constant 0 : i32
      %dma_start3A_1699 = tpu.memref_slice %dma_start3A_1696[%dma_start3A_1697, %dma_start3A_1698] : memref<104x64xf32, #tpu.memory_space<vmem>> -> memref<26x64xf32, #tpu.memory_space<vmem>>
      tpu.enqueue_dma source(%dma_start3A_1699 : memref<26x64xf32, #tpu.memory_space<vmem>>) target(%dma_start3A_1692 : memref<26x64xf32, #tpu.memory_space<hbm>>) target_semaphore(%arg8 : memref<!tpu.dma_semaphore, #tpu.memory_space<semaphore_mem>>)
      %add3A_1700 = arith.constant 3 : i32
      %add3A_1701 = arith.addi %mul3A_1624, %add3A_1700 : i32
      %dma_start3A_1702 = arith.constant 3 : i32
      %dma_start3A_1703 = arith.constant 0 : i32
      %dma_start3A_1704 = arith.constant 0 : i32
      %dma_start3A_1705 = tpu.memref_slice %arg6[%dma_start3A_1702, %dma_start3A_1703, %dma_start3A_1704] : memref<4x104x64xf32, #tpu.memory_space<vmem>> -> memref<1x104x64xf32, #tpu.memory_space<vmem>>
      %dma_start3A_1706 = tpu.memref_squeeze %dma_start3A_1705 : memref<1x104x64xf32, #tpu.memory_space<vmem>> -> memref<104x64xf32, #tpu.memory_space<vmem>>
      %dma_start3A_1707 = arith.constant 78 : i32
      %dma_start3A_1708 = arith.constant 0 : i32
      %dma_start3A_1709 = tpu.memref_slice %dma_start3A_1706[%dma_start3A_1707, %dma_start3A_1708] : memref<104x64xf32, #tpu.memory_space<vmem>> -> memref<26x64xf32, #tpu.memory_space<vmem>>
      %dma_start3A_1710 = arith.constant 0 : i32
      %dma_start3A_1711 = arith.constant 0 : i32
      %dma_start3A_1712 = tpu.memref_slice %arg4[%add3A_1701, %dma_start3A_1710, %dma_start3A_1711] : memref<16384x32x128xf32, #tpu.memory_space<hbm>> -> memref<1x26x64xf32, #tpu.memory_space<hbm>>
      %dma_start3A_1713 = tpu.memref_squeeze %dma_start3A_1712 : memref<1x26x64xf32, #tpu.memory_space<hbm>> -> memref<26x64xf32, #tpu.memory_space<hbm>>
      %dma_start3A_1714 = arith.constant 0 : i32
      %dma_start3A_1715 = arith.constant 0 : i32
      %dma_start3A_1716 = tpu.memref_slice %arg4[%add3A_1701, %dma_start3A_1714, %dma_start3A_1715] : memref<16384x32x128xf32, #tpu.memory_space<hbm>> -> memref<1x26x64xf32, #tpu.memory_space<hbm>>
      %dma_start3A_1717 = tpu.memref_squeeze %dma_start3A_1716 : memref<1x26x64xf32, #tpu.memory_space<hbm>> -> memref<26x64xf32, #tpu.memory_space<hbm>>
      %dma_start3A_1718 = arith.constant 0 : i32
      %dma_start3A_1719 = arith.constant 0 : i32
      %dma_start3A_1720 = tpu.memref_slice %arg6[%dma_start3A_1702, %dma_start3A_1718, %dma_start3A_1719] : memref<4x104x64xf32, #tpu.memory_space<vmem>> -> memref<1x104x64xf32, #tpu.memory_space<vmem>>
      %dma_start3A_1721 = tpu.memref_squeeze %dma_start3A_1720 : memref<1x104x64xf32, #tpu.memory_space<vmem>> -> memref<104x64xf32, #tpu.memory_space<vmem>>
      %dma_start3A_1722 = arith.constant 78 : i32
      %dma_start3A_1723 = arith.constant 0 : i32
      %dma_start3A_1724 = tpu.memref_slice %dma_start3A_1721[%dma_start3A_1722, %dma_start3A_1723] : memref<104x64xf32, #tpu.memory_space<vmem>> -> memref<26x64xf32, #tpu.memory_space<vmem>>
      tpu.enqueue_dma source(%dma_start3A_1724 : memref<26x64xf32, #tpu.memory_space<vmem>>) target(%dma_start3A_1717 : memref<26x64xf32, #tpu.memory_space<hbm>>) target_semaphore(%arg8 : memref<!tpu.dma_semaphore, #tpu.memory_space<semaphore_mem>>)
      %dma_wait3A_1725 = arith.constant 3 : i32
      %dma_wait3A_1726 = arith.constant 0 : i32
      %dma_wait3A_1727 = arith.constant 0 : i32
      %dma_wait3A_1728 = arith.constant 0 : i32
      %dma_wait3A_1729 = tpu.memref_slice %arg6[%dma_wait3A_1725, %dma_wait3A_1727, %dma_wait3A_1728] : memref<4x104x64xf32, #tpu.memory_space<vmem>> -> memref<1x104x64xf32, #tpu.memory_space<vmem>>
      %dma_wait3A_1730 = tpu.memref_squeeze %dma_wait3A_1729 : memref<1x104x64xf32, #tpu.memory_space<vmem>> -> memref<104x64xf32, #tpu.memory_space<vmem>>
      %dma_wait3A_1731 = arith.constant 0 : i32
      %dma_wait3A_1732 = arith.constant 0 : i32
      %dma_wait3A_1733 = tpu.memref_slice %dma_wait3A_1730[%dma_wait3A_1731, %dma_wait3A_1732] : memref<104x64xf32, #tpu.memory_space<vmem>> -> memref<26x64xf32, #tpu.memory_space<vmem>>
      %dma_wait3A_1734 = arith.constant 0 : i32
      %dma_wait3A_1735 = arith.constant 0 : i32
      %dma_wait3A_1736 = tpu.memref_slice %arg4[%dma_wait3A_1726, %dma_wait3A_1734, %dma_wait3A_1735] : memref<16384x32x128xf32, #tpu.memory_space<hbm>> -> memref<1x26x64xf32, #tpu.memory_space<hbm>>
      %dma_wait3A_1737 = tpu.memref_squeeze %dma_wait3A_1736 : memref<1x26x64xf32, #tpu.memory_space<hbm>> -> memref<26x64xf32, #tpu.memory_space<hbm>>
      %dma_wait3A_1738 = arith.constant 0 : i32
      %dma_wait3A_1739 = arith.constant 0 : i32
      %dma_wait3A_1740 = tpu.memref_slice %arg4[%dma_wait3A_1726, %dma_wait3A_1738, %dma_wait3A_1739] : memref<16384x32x128xf32, #tpu.memory_space<hbm>> -> memref<1x26x64xf32, #tpu.memory_space<hbm>>
      %dma_wait3A_1741 = tpu.memref_squeeze %dma_wait3A_1740 : memref<1x26x64xf32, #tpu.memory_space<hbm>> -> memref<26x64xf32, #tpu.memory_space<hbm>>
      %dma_wait3A_1742 = arith.constant 0 : i32
      %dma_wait3A_1743 = arith.constant 0 : i32
      %dma_wait3A_1744 = tpu.memref_slice %arg6[%dma_wait3A_1725, %dma_wait3A_1742, %dma_wait3A_1743] : memref<4x104x64xf32, #tpu.memory_space<vmem>> -> memref<1x104x64xf32, #tpu.memory_space<vmem>>
      %dma_wait3A_1745 = tpu.memref_squeeze %dma_wait3A_1744 : memref<1x104x64xf32, #tpu.memory_space<vmem>> -> memref<104x64xf32, #tpu.memory_space<vmem>>
      %dma_wait3A_1746 = arith.constant 0 : i32
      %dma_wait3A_1747 = arith.constant 0 : i32
      %dma_wait3A_1748 = tpu.memref_slice %dma_wait3A_1745[%dma_wait3A_1746, %dma_wait3A_1747] : memref<104x64xf32, #tpu.memory_space<vmem>> -> memref<26x64xf32, #tpu.memory_space<vmem>>
      tpu.wait_dma2 semaphore(%arg8 : memref<!tpu.dma_semaphore, #tpu.memory_space<semaphore_mem>>) src(%dma_wait3A_1748 : memref<26x64xf32, #tpu.memory_space<vmem>>) dst(%dma_wait3A_1741 : memref<26x64xf32, #tpu.memory_space<hbm>>)
      %dma_wait3A_1749 = arith.constant 3 : i32
      %dma_wait3A_1750 = arith.constant 0 : i32
      %dma_wait3A_1751 = arith.constant 0 : i32
      %dma_wait3A_1752 = arith.constant 0 : i32
      %dma_wait3A_1753 = tpu.memref_slice %arg6[%dma_wait3A_1749, %dma_wait3A_1751, %dma_wait3A_1752] : memref<4x104x64xf32, #tpu.memory_space<vmem>> -> memref<1x104x64xf32, #tpu.memory_space<vmem>>
      %dma_wait3A_1754 = tpu.memref_squeeze %dma_wait3A_1753 : memref<1x104x64xf32, #tpu.memory_space<vmem>> -> memref<104x64xf32, #tpu.memory_space<vmem>>
      %dma_wait3A_1755 = arith.constant 26 : i32
      %dma_wait3A_1756 = arith.constant 0 : i32
      %dma_wait3A_1757 = tpu.memref_slice %dma_wait3A_1754[%dma_wait3A_1755, %dma_wait3A_1756] : memref<104x64xf32, #tpu.memory_space<vmem>> -> memref<26x64xf32, #tpu.memory_space<vmem>>
      %dma_wait3A_1758 = arith.constant 0 : i32
      %dma_wait3A_1759 = arith.constant 0 : i32
      %dma_wait3A_1760 = tpu.memref_slice %arg4[%dma_wait3A_1750, %dma_wait3A_1758, %dma_wait3A_1759] : memref<16384x32x128xf32, #tpu.memory_space<hbm>> -> memref<1x26x64xf32, #tpu.memory_space<hbm>>
      %dma_wait3A_1761 = tpu.memref_squeeze %dma_wait3A_1760 : memref<1x26x64xf32, #tpu.memory_space<hbm>> -> memref<26x64xf32, #tpu.memory_space<hbm>>
      %dma_wait3A_1762 = arith.constant 0 : i32
      %dma_wait3A_1763 = arith.constant 0 : i32
      %dma_wait3A_1764 = tpu.memref_slice %arg4[%dma_wait3A_1750, %dma_wait3A_1762, %dma_wait3A_1763] : memref<16384x32x128xf32, #tpu.memory_space<hbm>> -> memref<1x26x64xf32, #tpu.memory_space<hbm>>
      %dma_wait3A_1765 = tpu.memref_squeeze %dma_wait3A_1764 : memref<1x26x64xf32, #tpu.memory_space<hbm>> -> memref<26x64xf32, #tpu.memory_space<hbm>>
      %dma_wait3A_1766 = arith.constant 0 : i32
      %dma_wait3A_1767 = arith.constant 0 : i32
      %dma_wait3A_1768 = tpu.memref_slice %arg6[%dma_wait3A_1749, %dma_wait3A_1766, %dma_wait3A_1767] : memref<4x104x64xf32, #tpu.memory_space<vmem>> -> memref<1x104x64xf32, #tpu.memory_space<vmem>>
      %dma_wait3A_1769 = tpu.memref_squeeze %dma_wait3A_1768 : memref<1x104x64xf32, #tpu.memory_space<vmem>> -> memref<104x64xf32, #tpu.memory_space<vmem>>
      %dma_wait3A_1770 = arith.constant 26 : i32
      %dma_wait3A_1771 = arith.constant 0 : i32
      %dma_wait3A_1772 = tpu.memref_slice %dma_wait3A_1769[%dma_wait3A_1770, %dma_wait3A_1771] : memref<104x64xf32, #tpu.memory_space<vmem>> -> memref<26x64xf32, #tpu.memory_space<vmem>>
      tpu.wait_dma2 semaphore(%arg8 : memref<!tpu.dma_semaphore, #tpu.memory_space<semaphore_mem>>) src(%dma_wait3A_1772 : memref<26x64xf32, #tpu.memory_space<vmem>>) dst(%dma_wait3A_1765 : memref<26x64xf32, #tpu.memory_space<hbm>>)
      %dma_wait3A_1773 = arith.constant 3 : i32
      %dma_wait3A_1774 = arith.constant 0 : i32
      %dma_wait3A_1775 = arith.constant 0 : i32
      %dma_wait3A_1776 = arith.constant 0 : i32
      %dma_wait3A_1777 = tpu.memref_slice %arg6[%dma_wait3A_1773, %dma_wait3A_1775, %dma_wait3A_1776] : memref<4x104x64xf32, #tpu.memory_space<vmem>> -> memref<1x104x64xf32, #tpu.memory_space<vmem>>
      %dma_wait3A_1778 = tpu.memref_squeeze %dma_wait3A_1777 : memref<1x104x64xf32, #tpu.memory_space<vmem>> -> memref<104x64xf32, #tpu.memory_space<vmem>>
      %dma_wait3A_1779 = arith.constant 52 : i32
      %dma_wait3A_1780 = arith.constant 0 : i32
      %dma_wait3A_1781 = tpu.memref_slice %dma_wait3A_1778[%dma_wait3A_1779, %dma_wait3A_1780] : memref<104x64xf32, #tpu.memory_space<vmem>> -> memref<26x64xf32, #tpu.memory_space<vmem>>
      %dma_wait3A_1782 = arith.constant 0 : i32
      %dma_wait3A_1783 = arith.constant 0 : i32
      %dma_wait3A_1784 = tpu.memref_slice %arg4[%dma_wait3A_1774, %dma_wait3A_1782, %dma_wait3A_1783] : memref<16384x32x128xf32, #tpu.memory_space<hbm>> -> memref<1x26x64xf32, #tpu.memory_space<hbm>>
      %dma_wait3A_1785 = tpu.memref_squeeze %dma_wait3A_1784 : memref<1x26x64xf32, #tpu.memory_space<hbm>> -> memref<26x64xf32, #tpu.memory_space<hbm>>
      %dma_wait3A_1786 = arith.constant 0 : i32
      %dma_wait3A_1787 = arith.constant 0 : i32
      %dma_wait3A_1788 = tpu.memref_slice %arg4[%dma_wait3A_1774, %dma_wait3A_1786, %dma_wait3A_1787] : memref<16384x32x128xf32, #tpu.memory_space<hbm>> -> memref<1x26x64xf32, #tpu.memory_space<hbm>>
      %dma_wait3A_1789 = tpu.memref_squeeze %dma_wait3A_1788 : memref<1x26x64xf32, #tpu.memory_space<hbm>> -> memref<26x64xf32, #tpu.memory_space<hbm>>
      %dma_wait3A_1790 = arith.constant 0 : i32
      %dma_wait3A_1791 = arith.constant 0 : i32
      %dma_wait3A_1792 = tpu.memref_slice %arg6[%dma_wait3A_1773, %dma_wait3A_1790, %dma_wait3A_1791] : memref<4x104x64xf32, #tpu.memory_space<vmem>> -> memref<1x104x64xf32, #tpu.memory_space<vmem>>
      %dma_wait3A_1793 = tpu.memref_squeeze %dma_wait3A_1792 : memref<1x104x64xf32, #tpu.memory_space<vmem>> -> memref<104x64xf32, #tpu.memory_space<vmem>>
      %dma_wait3A_1794 = arith.constant 52 : i32
      %dma_wait3A_1795 = arith.constant 0 : i32
      %dma_wait3A_1796 = tpu.memref_slice %dma_wait3A_1793[%dma_wait3A_1794, %dma_wait3A_1795] : memref<104x64xf32, #tpu.memory_space<vmem>> -> memref<26x64xf32, #tpu.memory_space<vmem>>
      tpu.wait_dma2 semaphore(%arg8 : memref<!tpu.dma_semaphore, #tpu.memory_space<semaphore_mem>>) src(%dma_wait3A_1796 : memref<26x64xf32, #tpu.memory_space<vmem>>) dst(%dma_wait3A_1789 : memref<26x64xf32, #tpu.memory_space<hbm>>)
      %dma_wait3A_1797 = arith.constant 3 : i32
      %dma_wait3A_1798 = arith.constant 0 : i32
      %dma_wait3A_1799 = arith.constant 0 : i32
      %dma_wait3A_1800 = arith.constant 0 : i32
      %dma_wait3A_1801 = tpu.memref_slice %arg6[%dma_wait3A_1797, %dma_wait3A_1799, %dma_wait3A_1800] : memref<4x104x64xf32, #tpu.memory_space<vmem>> -> memref<1x104x64xf32, #tpu.memory_space<vmem>>
      %dma_wait3A_1802 = tpu.memref_squeeze %dma_wait3A_1801 : memref<1x104x64xf32, #tpu.memory_space<vmem>> -> memref<104x64xf32, #tpu.memory_space<vmem>>
      %dma_wait3A_1803 = arith.constant 78 : i32
      %dma_wait3A_1804 = arith.constant 0 : i32
      %dma_wait3A_1805 = tpu.memref_slice %dma_wait3A_1802[%dma_wait3A_1803, %dma_wait3A_1804] : memref<104x64xf32, #tpu.memory_space<vmem>> -> memref<26x64xf32, #tpu.memory_space<vmem>>
      %dma_wait3A_1806 = arith.constant 0 : i32
      %dma_wait3A_1807 = arith.constant 0 : i32
      %dma_wait3A_1808 = tpu.memref_slice %arg4[%dma_wait3A_1798, %dma_wait3A_1806, %dma_wait3A_1807] : memref<16384x32x128xf32, #tpu.memory_space<hbm>> -> memref<1x26x64xf32, #tpu.memory_space<hbm>>
      %dma_wait3A_1809 = tpu.memref_squeeze %dma_wait3A_1808 : memref<1x26x64xf32, #tpu.memory_space<hbm>> -> memref<26x64xf32, #tpu.memory_space<hbm>>
      %dma_wait3A_1810 = arith.constant 0 : i32
      %dma_wait3A_1811 = arith.constant 0 : i32
      %dma_wait3A_1812 = tpu.memref_slice %arg4[%dma_wait3A_1798, %dma_wait3A_1810, %dma_wait3A_1811] : memref<16384x32x128xf32, #tpu.memory_space<hbm>> -> memref<1x26x64xf32, #tpu.memory_space<hbm>>
      %dma_wait3A_1813 = tpu.memref_squeeze %dma_wait3A_1812 : memref<1x26x64xf32, #tpu.memory_space<hbm>> -> memref<26x64xf32, #tpu.memory_space<hbm>>
      %dma_wait3A_1814 = arith.constant 0 : i32
      %dma_wait3A_1815 = arith.constant 0 : i32
      %dma_wait3A_1816 = tpu.memref_slice %arg6[%dma_wait3A_1797, %dma_wait3A_1814, %dma_wait3A_1815] : memref<4x104x64xf32, #tpu.memory_space<vmem>> -> memref<1x104x64xf32, #tpu.memory_space<vmem>>
      %dma_wait3A_1817 = tpu.memref_squeeze %dma_wait3A_1816 : memref<1x104x64xf32, #tpu.memory_space<vmem>> -> memref<104x64xf32, #tpu.memory_space<vmem>>
      %dma_wait3A_1818 = arith.constant 78 : i32
      %dma_wait3A_1819 = arith.constant 0 : i32
      %dma_wait3A_1820 = tpu.memref_slice %dma_wait3A_1817[%dma_wait3A_1818, %dma_wait3A_1819] : memref<104x64xf32, #tpu.memory_space<vmem>> -> memref<26x64xf32, #tpu.memory_space<vmem>>
      tpu.wait_dma2 semaphore(%arg8 : memref<!tpu.dma_semaphore, #tpu.memory_space<semaphore_mem>>) src(%dma_wait3A_1820 : memref<26x64xf32, #tpu.memory_space<vmem>>) dst(%dma_wait3A_1813 : memref<26x64xf32, #tpu.memory_space<hbm>>)
      %add3A_1821 = arith.constant 4 : i32
      %add3A_1822 = arith.addi %add3A_1606, %add3A_1821 : i32
      %dma_start3A_1823 = arith.constant 3 : i32
      %dma_start3A_1824 = arith.constant 0 : i32
      %dma_start3A_1825 = arith.constant 0 : i32
      %dma_start3A_1826 = tpu.memref_slice %arg6[%dma_start3A_1823, %dma_start3A_1824, %dma_start3A_1825] : memref<4x104x64xf32, #tpu.memory_space<vmem>> -> memref<1x104x64xf32, #tpu.memory_space<vmem>>
      %dma_start3A_1827 = tpu.memref_squeeze %dma_start3A_1826 : memref<1x104x64xf32, #tpu.memory_space<vmem>> -> memref<104x64xf32, #tpu.memory_space<vmem>>
      %dma_start3A_1828 = arith.constant 0 : i32
      %dma_start3A_1829 = tpu.memref_slice %arg5[%add3A_1822, %dma_start3A_1828] : memref<128x104xi32, #tpu.memory_space<vmem>> -> memref<1x104xi32, #tpu.memory_space<vmem>>
      %dma_start3A_1830 = tpu.memref_squeeze %dma_start3A_1829 : memref<1x104xi32, #tpu.memory_space<vmem>> -> memref<104xi32, #tpu.memory_space<vmem>>
      %dma_start3A_1831 = arith.constant 0 : i32
      %dma_start3A_1832 = arith.constant 0 : i32
      %dma_start3A_1833 = tpu.memref_slice %arg3[%dma_start3A_1831, %dma_start3A_1832] : memref<2000000x64xf32, #tpu.memory_space<hbm>> -> memref<2000000x64xf32, #tpu.memory_space<hbm>>
      tpu.enqueue_indirect_dma source(%dma_start3A_1833 : memref<2000000x64xf32, #tpu.memory_space<hbm>>) target(%dma_start3A_1827 : memref<104x64xf32, #tpu.memory_space<vmem>>) offsets(%dma_start3A_1830 : memref<104xi32, #tpu.memory_space<vmem>>) semaphore(%arg7 : memref<!tpu.dma_semaphore, #tpu.memory_space<semaphore_mem>>)
    }
    %scan3A_53 = arith.constant 31 : i32
    %dma_wait3A = arith.constant 0 : i32
    %dma_wait3A_54 = arith.constant 0 : i32
    %dma_wait3A_55 = arith.constant 0 : i32
    %dma_wait3A_56 = tpu.memref_slice %arg6[%dma_wait3A, %dma_wait3A_54, %dma_wait3A_55] : memref<4x104x64xf32, #tpu.memory_space<vmem>> -> memref<1x104x64xf32, #tpu.memory_space<vmem>>
    %dma_wait3A_57 = tpu.memref_squeeze %dma_wait3A_56 : memref<1x104x64xf32, #tpu.memory_space<vmem>> -> memref<104x64xf32, #tpu.memory_space<vmem>>
    %dma_wait3A_58 = arith.constant 0 : i32
    %dma_wait3A_59 = arith.constant 0 : i32
    %dma_wait3A_60 = tpu.memref_slice %arg3[%dma_wait3A_58, %dma_wait3A_59] : memref<2000000x64xf32, #tpu.memory_space<hbm>> -> memref<104x64xf32, #tpu.memory_space<hbm>>
    %dma_wait3A_61 = arith.constant 0 : i32
    %dma_wait3A_62 = arith.constant 0 : i32
    %dma_wait3A_63 = tpu.memref_slice %arg6[%dma_wait3A, %dma_wait3A_61, %dma_wait3A_62] : memref<4x104x64xf32, #tpu.memory_space<vmem>> -> memref<1x104x64xf32, #tpu.memory_space<vmem>>
    %dma_wait3A_64 = tpu.memref_squeeze %dma_wait3A_63 : memref<1x104x64xf32, #tpu.memory_space<vmem>> -> memref<104x64xf32, #tpu.memory_space<vmem>>
    %dma_wait3A_65 = arith.constant 0 : i32
    %dma_wait3A_66 = arith.constant 0 : i32
    %dma_wait3A_67 = tpu.memref_slice %arg3[%dma_wait3A_65, %dma_wait3A_66] : memref<2000000x64xf32, #tpu.memory_space<hbm>> -> memref<104x64xf32, #tpu.memory_space<hbm>>
    tpu.wait_dma2 semaphore(%arg7 : memref<!tpu.dma_semaphore, #tpu.memory_space<semaphore_mem>>) src(%dma_wait3A_67 : memref<104x64xf32, #tpu.memory_space<hbm>>) dst(%dma_wait3A_64 : memref<104x64xf32, #tpu.memory_space<vmem>>)
    %add3A_68 = arith.constant 124 : i32
    %add3A_69 = arith.addi %mul3A_2, %add3A_68 : i32
    %mul3A_70 = arith.constant 4 : i32
    %mul3A_71 = arith.muli %add3A_69, %mul3A_70 : i32
    %add3A_72 = arith.constant 0 : i32
    %add3A_73 = arith.addi %mul3A_71, %add3A_72 : i32
    %dma_start3A_74 = arith.constant 0 : i32
    %dma_start3A_75 = arith.constant 0 : i32
    %dma_start3A_76 = arith.constant 0 : i32
    %dma_start3A_77 = tpu.memref_slice %arg6[%dma_start3A_74, %dma_start3A_75, %dma_start3A_76] : memref<4x104x64xf32, #tpu.memory_space<vmem>> -> memref<1x104x64xf32, #tpu.memory_space<vmem>>
    %dma_start3A_78 = tpu.memref_squeeze %dma_start3A_77 : memref<1x104x64xf32, #tpu.memory_space<vmem>> -> memref<104x64xf32, #tpu.memory_space<vmem>>
    %dma_start3A_79 = arith.constant 0 : i32
    %dma_start3A_80 = arith.constant 0 : i32
    %dma_start3A_81 = tpu.memref_slice %dma_start3A_78[%dma_start3A_79, %dma_start3A_80] : memref<104x64xf32, #tpu.memory_space<vmem>> -> memref<26x64xf32, #tpu.memory_space<vmem>>
    %dma_start3A_82 = arith.constant 0 : i32
    %dma_start3A_83 = arith.constant 0 : i32
    %dma_start3A_84 = tpu.memref_slice %arg4[%add3A_73, %dma_start3A_82, %dma_start3A_83] : memref<16384x32x128xf32, #tpu.memory_space<hbm>> -> memref<1x26x64xf32, #tpu.memory_space<hbm>>
    %dma_start3A_85 = tpu.memref_squeeze %dma_start3A_84 : memref<1x26x64xf32, #tpu.memory_space<hbm>> -> memref<26x64xf32, #tpu.memory_space<hbm>>
    %dma_start3A_86 = arith.constant 0 : i32
    %dma_start3A_87 = arith.constant 0 : i32
    %dma_start3A_88 = tpu.memref_slice %arg4[%add3A_73, %dma_start3A_86, %dma_start3A_87] : memref<16384x32x128xf32, #tpu.memory_space<hbm>> -> memref<1x26x64xf32, #tpu.memory_space<hbm>>
    %dma_start3A_89 = tpu.memref_squeeze %dma_start3A_88 : memref<1x26x64xf32, #tpu.memory_space<hbm>> -> memref<26x64xf32, #tpu.memory_space<hbm>>
    %dma_start3A_90 = arith.constant 0 : i32
    %dma_start3A_91 = arith.constant 0 : i32
    %dma_start3A_92 = tpu.memref_slice %arg6[%dma_start3A_74, %dma_start3A_90, %dma_start3A_91] : memref<4x104x64xf32, #tpu.memory_space<vmem>> -> memref<1x104x64xf32, #tpu.memory_space<vmem>>
    %dma_start3A_93 = tpu.memref_squeeze %dma_start3A_92 : memref<1x104x64xf32, #tpu.memory_space<vmem>> -> memref<104x64xf32, #tpu.memory_space<vmem>>
    %dma_start3A_94 = arith.constant 0 : i32
    %dma_start3A_95 = arith.constant 0 : i32
    %dma_start3A_96 = tpu.memref_slice %dma_start3A_93[%dma_start3A_94, %dma_start3A_95] : memref<104x64xf32, #tpu.memory_space<vmem>> -> memref<26x64xf32, #tpu.memory_space<vmem>>
    tpu.enqueue_dma source(%dma_start3A_96 : memref<26x64xf32, #tpu.memory_space<vmem>>) target(%dma_start3A_89 : memref<26x64xf32, #tpu.memory_space<hbm>>) target_semaphore(%arg8 : memref<!tpu.dma_semaphore, #tpu.memory_space<semaphore_mem>>)
    %add3A_97 = arith.constant 1 : i32
    %add3A_98 = arith.addi %mul3A_71, %add3A_97 : i32
    %dma_start3A_99 = arith.constant 0 : i32
    %dma_start3A_100 = arith.constant 0 : i32
    %dma_start3A_101 = arith.constant 0 : i32
    %dma_start3A_102 = tpu.memref_slice %arg6[%dma_start3A_99, %dma_start3A_100, %dma_start3A_101] : memref<4x104x64xf32, #tpu.memory_space<vmem>> -> memref<1x104x64xf32, #tpu.memory_space<vmem>>
    %dma_start3A_103 = tpu.memref_squeeze %dma_start3A_102 : memref<1x104x64xf32, #tpu.memory_space<vmem>> -> memref<104x64xf32, #tpu.memory_space<vmem>>
    %dma_start3A_104 = arith.constant 26 : i32
    %dma_start3A_105 = arith.constant 0 : i32
    %dma_start3A_106 = tpu.memref_slice %dma_start3A_103[%dma_start3A_104, %dma_start3A_105] : memref<104x64xf32, #tpu.memory_space<vmem>> -> memref<26x64xf32, #tpu.memory_space<vmem>>
    %dma_start3A_107 = arith.constant 0 : i32
    %dma_start3A_108 = arith.constant 0 : i32
    %dma_start3A_109 = tpu.memref_slice %arg4[%add3A_98, %dma_start3A_107, %dma_start3A_108] : memref<16384x32x128xf32, #tpu.memory_space<hbm>> -> memref<1x26x64xf32, #tpu.memory_space<hbm>>
    %dma_start3A_110 = tpu.memref_squeeze %dma_start3A_109 : memref<1x26x64xf32, #tpu.memory_space<hbm>> -> memref<26x64xf32, #tpu.memory_space<hbm>>
    %dma_start3A_111 = arith.constant 0 : i32
    %dma_start3A_112 = arith.constant 0 : i32
    %dma_start3A_113 = tpu.memref_slice %arg4[%add3A_98, %dma_start3A_111, %dma_start3A_112] : memref<16384x32x128xf32, #tpu.memory_space<hbm>> -> memref<1x26x64xf32, #tpu.memory_space<hbm>>
    %dma_start3A_114 = tpu.memref_squeeze %dma_start3A_113 : memref<1x26x64xf32, #tpu.memory_space<hbm>> -> memref<26x64xf32, #tpu.memory_space<hbm>>
    %dma_start3A_115 = arith.constant 0 : i32
    %dma_start3A_116 = arith.constant 0 : i32
    %dma_start3A_117 = tpu.memref_slice %arg6[%dma_start3A_99, %dma_start3A_115, %dma_start3A_116] : memref<4x104x64xf32, #tpu.memory_space<vmem>> -> memref<1x104x64xf32, #tpu.memory_space<vmem>>
    %dma_start3A_118 = tpu.memref_squeeze %dma_start3A_117 : memref<1x104x64xf32, #tpu.memory_space<vmem>> -> memref<104x64xf32, #tpu.memory_space<vmem>>
    %dma_start3A_119 = arith.constant 26 : i32
    %dma_start3A_120 = arith.constant 0 : i32
    %dma_start3A_121 = tpu.memref_slice %dma_start3A_118[%dma_start3A_119, %dma_start3A_120] : memref<104x64xf32, #tpu.memory_space<vmem>> -> memref<26x64xf32, #tpu.memory_space<vmem>>
    tpu.enqueue_dma source(%dma_start3A_121 : memref<26x64xf32, #tpu.memory_space<vmem>>) target(%dma_start3A_114 : memref<26x64xf32, #tpu.memory_space<hbm>>) target_semaphore(%arg8 : memref<!tpu.dma_semaphore, #tpu.memory_space<semaphore_mem>>)
    %add3A_122 = arith.constant 2 : i32
    %add3A_123 = arith.addi %mul3A_71, %add3A_122 : i32
    %dma_start3A_124 = arith.constant 0 : i32
    %dma_start3A_125 = arith.constant 0 : i32
    %dma_start3A_126 = arith.constant 0 : i32
    %dma_start3A_127 = tpu.memref_slice %arg6[%dma_start3A_124, %dma_start3A_125, %dma_start3A_126] : memref<4x104x64xf32, #tpu.memory_space<vmem>> -> memref<1x104x64xf32, #tpu.memory_space<vmem>>
    %dma_start3A_128 = tpu.memref_squeeze %dma_start3A_127 : memref<1x104x64xf32, #tpu.memory_space<vmem>> -> memref<104x64xf32, #tpu.memory_space<vmem>>
    %dma_start3A_129 = arith.constant 52 : i32
    %dma_start3A_130 = arith.constant 0 : i32
    %dma_start3A_131 = tpu.memref_slice %dma_start3A_128[%dma_start3A_129, %dma_start3A_130] : memref<104x64xf32, #tpu.memory_space<vmem>> -> memref<26x64xf32, #tpu.memory_space<vmem>>
    %dma_start3A_132 = arith.constant 0 : i32
    %dma_start3A_133 = arith.constant 0 : i32
    %dma_start3A_134 = tpu.memref_slice %arg4[%add3A_123, %dma_start3A_132, %dma_start3A_133] : memref<16384x32x128xf32, #tpu.memory_space<hbm>> -> memref<1x26x64xf32, #tpu.memory_space<hbm>>
    %dma_start3A_135 = tpu.memref_squeeze %dma_start3A_134 : memref<1x26x64xf32, #tpu.memory_space<hbm>> -> memref<26x64xf32, #tpu.memory_space<hbm>>
    %dma_start3A_136 = arith.constant 0 : i32
    %dma_start3A_137 = arith.constant 0 : i32
    %dma_start3A_138 = tpu.memref_slice %arg4[%add3A_123, %dma_start3A_136, %dma_start3A_137] : memref<16384x32x128xf32, #tpu.memory_space<hbm>> -> memref<1x26x64xf32, #tpu.memory_space<hbm>>
    %dma_start3A_139 = tpu.memref_squeeze %dma_start3A_138 : memref<1x26x64xf32, #tpu.memory_space<hbm>> -> memref<26x64xf32, #tpu.memory_space<hbm>>
    %dma_start3A_140 = arith.constant 0 : i32
    %dma_start3A_141 = arith.constant 0 : i32
    %dma_start3A_142 = tpu.memref_slice %arg6[%dma_start3A_124, %dma_start3A_140, %dma_start3A_141] : memref<4x104x64xf32, #tpu.memory_space<vmem>> -> memref<1x104x64xf32, #tpu.memory_space<vmem>>
    %dma_start3A_143 = tpu.memref_squeeze %dma_start3A_142 : memref<1x104x64xf32, #tpu.memory_space<vmem>> -> memref<104x64xf32, #tpu.memory_space<vmem>>
    %dma_start3A_144 = arith.constant 52 : i32
    %dma_start3A_145 = arith.constant 0 : i32
    %dma_start3A_146 = tpu.memref_slice %dma_start3A_143[%dma_start3A_144, %dma_start3A_145] : memref<104x64xf32, #tpu.memory_space<vmem>> -> memref<26x64xf32, #tpu.memory_space<vmem>>
    tpu.enqueue_dma source(%dma_start3A_146 : memref<26x64xf32, #tpu.memory_space<vmem>>) target(%dma_start3A_139 : memref<26x64xf32, #tpu.memory_space<hbm>>) target_semaphore(%arg8 : memref<!tpu.dma_semaphore, #tpu.memory_space<semaphore_mem>>)
    %add3A_147 = arith.constant 3 : i32
    %add3A_148 = arith.addi %mul3A_71, %add3A_147 : i32
    %dma_start3A_149 = arith.constant 0 : i32
    %dma_start3A_150 = arith.constant 0 : i32
    %dma_start3A_151 = arith.constant 0 : i32
    %dma_start3A_152 = tpu.memref_slice %arg6[%dma_start3A_149, %dma_start3A_150, %dma_start3A_151] : memref<4x104x64xf32, #tpu.memory_space<vmem>> -> memref<1x104x64xf32, #tpu.memory_space<vmem>>
    %dma_start3A_153 = tpu.memref_squeeze %dma_start3A_152 : memref<1x104x64xf32, #tpu.memory_space<vmem>> -> memref<104x64xf32, #tpu.memory_space<vmem>>
    %dma_start3A_154 = arith.constant 78 : i32
    %dma_start3A_155 = arith.constant 0 : i32
    %dma_start3A_156 = tpu.memref_slice %dma_start3A_153[%dma_start3A_154, %dma_start3A_155] : memref<104x64xf32, #tpu.memory_space<vmem>> -> memref<26x64xf32, #tpu.memory_space<vmem>>
    %dma_start3A_157 = arith.constant 0 : i32
    %dma_start3A_158 = arith.constant 0 : i32
    %dma_start3A_159 = tpu.memref_slice %arg4[%add3A_148, %dma_start3A_157, %dma_start3A_158] : memref<16384x32x128xf32, #tpu.memory_space<hbm>> -> memref<1x26x64xf32, #tpu.memory_space<hbm>>
    %dma_start3A_160 = tpu.memref_squeeze %dma_start3A_159 : memref<1x26x64xf32, #tpu.memory_space<hbm>> -> memref<26x64xf32, #tpu.memory_space<hbm>>
    %dma_start3A_161 = arith.constant 0 : i32
    %dma_start3A_162 = arith.constant 0 : i32
    %dma_start3A_163 = tpu.memref_slice %arg4[%add3A_148, %dma_start3A_161, %dma_start3A_162] : memref<16384x32x128xf32, #tpu.memory_space<hbm>> -> memref<1x26x64xf32, #tpu.memory_space<hbm>>
    %dma_start3A_164 = tpu.memref_squeeze %dma_start3A_163 : memref<1x26x64xf32, #tpu.memory_space<hbm>> -> memref<26x64xf32, #tpu.memory_space<hbm>>
    %dma_start3A_165 = arith.constant 0 : i32
    %dma_start3A_166 = arith.constant 0 : i32
    %dma_start3A_167 = tpu.memref_slice %arg6[%dma_start3A_149, %dma_start3A_165, %dma_start3A_166] : memref<4x104x64xf32, #tpu.memory_space<vmem>> -> memref<1x104x64xf32, #tpu.memory_space<vmem>>
    %dma_start3A_168 = tpu.memref_squeeze %dma_start3A_167 : memref<1x104x64xf32, #tpu.memory_space<vmem>> -> memref<104x64xf32, #tpu.memory_space<vmem>>
    %dma_start3A_169 = arith.constant 78 : i32
    %dma_start3A_170 = arith.constant 0 : i32
    %dma_start3A_171 = tpu.memref_slice %dma_start3A_168[%dma_start3A_169, %dma_start3A_170] : memref<104x64xf32, #tpu.memory_space<vmem>> -> memref<26x64xf32, #tpu.memory_space<vmem>>
    tpu.enqueue_dma source(%dma_start3A_171 : memref<26x64xf32, #tpu.memory_space<vmem>>) target(%dma_start3A_164 : memref<26x64xf32, #tpu.memory_space<hbm>>) target_semaphore(%arg8 : memref<!tpu.dma_semaphore, #tpu.memory_space<semaphore_mem>>)
    %dma_wait3A_172 = arith.constant 0 : i32
    %dma_wait3A_173 = arith.constant 0 : i32
    %dma_wait3A_174 = arith.constant 0 : i32
    %dma_wait3A_175 = arith.constant 0 : i32
    %dma_wait3A_176 = tpu.memref_slice %arg6[%dma_wait3A_172, %dma_wait3A_174, %dma_wait3A_175] : memref<4x104x64xf32, #tpu.memory_space<vmem>> -> memref<1x104x64xf32, #tpu.memory_space<vmem>>
    %dma_wait3A_177 = tpu.memref_squeeze %dma_wait3A_176 : memref<1x104x64xf32, #tpu.memory_space<vmem>> -> memref<104x64xf32, #tpu.memory_space<vmem>>
    %dma_wait3A_178 = arith.constant 0 : i32
    %dma_wait3A_179 = arith.constant 0 : i32
    %dma_wait3A_180 = tpu.memref_slice %dma_wait3A_177[%dma_wait3A_178, %dma_wait3A_179] : memref<104x64xf32, #tpu.memory_space<vmem>> -> memref<26x64xf32, #tpu.memory_space<vmem>>
    %dma_wait3A_181 = arith.constant 0 : i32
    %dma_wait3A_182 = arith.constant 0 : i32
    %dma_wait3A_183 = tpu.memref_slice %arg4[%dma_wait3A_173, %dma_wait3A_181, %dma_wait3A_182] : memref<16384x32x128xf32, #tpu.memory_space<hbm>> -> memref<1x26x64xf32, #tpu.memory_space<hbm>>
    %dma_wait3A_184 = tpu.memref_squeeze %dma_wait3A_183 : memref<1x26x64xf32, #tpu.memory_space<hbm>> -> memref<26x64xf32, #tpu.memory_space<hbm>>
    %dma_wait3A_185 = arith.constant 0 : i32
    %dma_wait3A_186 = arith.constant 0 : i32
    %dma_wait3A_187 = tpu.memref_slice %arg4[%dma_wait3A_173, %dma_wait3A_185, %dma_wait3A_186] : memref<16384x32x128xf32, #tpu.memory_space<hbm>> -> memref<1x26x64xf32, #tpu.memory_space<hbm>>
    %dma_wait3A_188 = tpu.memref_squeeze %dma_wait3A_187 : memref<1x26x64xf32, #tpu.memory_space<hbm>> -> memref<26x64xf32, #tpu.memory_space<hbm>>
    %dma_wait3A_189 = arith.constant 0 : i32
    %dma_wait3A_190 = arith.constant 0 : i32
    %dma_wait3A_191 = tpu.memref_slice %arg6[%dma_wait3A_172, %dma_wait3A_189, %dma_wait3A_190] : memref<4x104x64xf32, #tpu.memory_space<vmem>> -> memref<1x104x64xf32, #tpu.memory_space<vmem>>
    %dma_wait3A_192 = tpu.memref_squeeze %dma_wait3A_191 : memref<1x104x64xf32, #tpu.memory_space<vmem>> -> memref<104x64xf32, #tpu.memory_space<vmem>>
    %dma_wait3A_193 = arith.constant 0 : i32
    %dma_wait3A_194 = arith.constant 0 : i32
    %dma_wait3A_195 = tpu.memref_slice %dma_wait3A_192[%dma_wait3A_193, %dma_wait3A_194] : memref<104x64xf32, #tpu.memory_space<vmem>> -> memref<26x64xf32, #tpu.memory_space<vmem>>
    tpu.wait_dma2 semaphore(%arg8 : memref<!tpu.dma_semaphore, #tpu.memory_space<semaphore_mem>>) src(%dma_wait3A_195 : memref<26x64xf32, #tpu.memory_space<vmem>>) dst(%dma_wait3A_188 : memref<26x64xf32, #tpu.memory_space<hbm>>)
    %dma_wait3A_196 = arith.constant 0 : i32
    %dma_wait3A_197 = arith.constant 0 : i32
    %dma_wait3A_198 = arith.constant 0 : i32
    %dma_wait3A_199 = arith.constant 0 : i32
    %dma_wait3A_200 = tpu.memref_slice %arg6[%dma_wait3A_196, %dma_wait3A_198, %dma_wait3A_199] : memref<4x104x64xf32, #tpu.memory_space<vmem>> -> memref<1x104x64xf32, #tpu.memory_space<vmem>>
    %dma_wait3A_201 = tpu.memref_squeeze %dma_wait3A_200 : memref<1x104x64xf32, #tpu.memory_space<vmem>> -> memref<104x64xf32, #tpu.memory_space<vmem>>
    %dma_wait3A_202 = arith.constant 26 : i32
    %dma_wait3A_203 = arith.constant 0 : i32
    %dma_wait3A_204 = tpu.memref_slice %dma_wait3A_201[%dma_wait3A_202, %dma_wait3A_203] : memref<104x64xf32, #tpu.memory_space<vmem>> -> memref<26x64xf32, #tpu.memory_space<vmem>>
    %dma_wait3A_205 = arith.constant 0 : i32
    %dma_wait3A_206 = arith.constant 0 : i32
    %dma_wait3A_207 = tpu.memref_slice %arg4[%dma_wait3A_197, %dma_wait3A_205, %dma_wait3A_206] : memref<16384x32x128xf32, #tpu.memory_space<hbm>> -> memref<1x26x64xf32, #tpu.memory_space<hbm>>
    %dma_wait3A_208 = tpu.memref_squeeze %dma_wait3A_207 : memref<1x26x64xf32, #tpu.memory_space<hbm>> -> memref<26x64xf32, #tpu.memory_space<hbm>>
    %dma_wait3A_209 = arith.constant 0 : i32
    %dma_wait3A_210 = arith.constant 0 : i32
    %dma_wait3A_211 = tpu.memref_slice %arg4[%dma_wait3A_197, %dma_wait3A_209, %dma_wait3A_210] : memref<16384x32x128xf32, #tpu.memory_space<hbm>> -> memref<1x26x64xf32, #tpu.memory_space<hbm>>
    %dma_wait3A_212 = tpu.memref_squeeze %dma_wait3A_211 : memref<1x26x64xf32, #tpu.memory_space<hbm>> -> memref<26x64xf32, #tpu.memory_space<hbm>>
    %dma_wait3A_213 = arith.constant 0 : i32
    %dma_wait3A_214 = arith.constant 0 : i32
    %dma_wait3A_215 = tpu.memref_slice %arg6[%dma_wait3A_196, %dma_wait3A_213, %dma_wait3A_214] : memref<4x104x64xf32, #tpu.memory_space<vmem>> -> memref<1x104x64xf32, #tpu.memory_space<vmem>>
    %dma_wait3A_216 = tpu.memref_squeeze %dma_wait3A_215 : memref<1x104x64xf32, #tpu.memory_space<vmem>> -> memref<104x64xf32, #tpu.memory_space<vmem>>
    %dma_wait3A_217 = arith.constant 26 : i32
    %dma_wait3A_218 = arith.constant 0 : i32
    %dma_wait3A_219 = tpu.memref_slice %dma_wait3A_216[%dma_wait3A_217, %dma_wait3A_218] : memref<104x64xf32, #tpu.memory_space<vmem>> -> memref<26x64xf32, #tpu.memory_space<vmem>>
    tpu.wait_dma2 semaphore(%arg8 : memref<!tpu.dma_semaphore, #tpu.memory_space<semaphore_mem>>) src(%dma_wait3A_219 : memref<26x64xf32, #tpu.memory_space<vmem>>) dst(%dma_wait3A_212 : memref<26x64xf32, #tpu.memory_space<hbm>>)
    %dma_wait3A_220 = arith.constant 0 : i32
    %dma_wait3A_221 = arith.constant 0 : i32
    %dma_wait3A_222 = arith.constant 0 : i32
    %dma_wait3A_223 = arith.constant 0 : i32
    %dma_wait3A_224 = tpu.memref_slice %arg6[%dma_wait3A_220, %dma_wait3A_222, %dma_wait3A_223] : memref<4x104x64xf32, #tpu.memory_space<vmem>> -> memref<1x104x64xf32, #tpu.memory_space<vmem>>
    %dma_wait3A_225 = tpu.memref_squeeze %dma_wait3A_224 : memref<1x104x64xf32, #tpu.memory_space<vmem>> -> memref<104x64xf32, #tpu.memory_space<vmem>>
    %dma_wait3A_226 = arith.constant 52 : i32
    %dma_wait3A_227 = arith.constant 0 : i32
    %dma_wait3A_228 = tpu.memref_slice %dma_wait3A_225[%dma_wait3A_226, %dma_wait3A_227] : memref<104x64xf32, #tpu.memory_space<vmem>> -> memref<26x64xf32, #tpu.memory_space<vmem>>
    %dma_wait3A_229 = arith.constant 0 : i32
    %dma_wait3A_230 = arith.constant 0 : i32
    %dma_wait3A_231 = tpu.memref_slice %arg4[%dma_wait3A_221, %dma_wait3A_229, %dma_wait3A_230] : memref<16384x32x128xf32, #tpu.memory_space<hbm>> -> memref<1x26x64xf32, #tpu.memory_space<hbm>>
    %dma_wait3A_232 = tpu.memref_squeeze %dma_wait3A_231 : memref<1x26x64xf32, #tpu.memory_space<hbm>> -> memref<26x64xf32, #tpu.memory_space<hbm>>
    %dma_wait3A_233 = arith.constant 0 : i32
    %dma_wait3A_234 = arith.constant 0 : i32
    %dma_wait3A_235 = tpu.memref_slice %arg4[%dma_wait3A_221, %dma_wait3A_233, %dma_wait3A_234] : memref<16384x32x128xf32, #tpu.memory_space<hbm>> -> memref<1x26x64xf32, #tpu.memory_space<hbm>>
    %dma_wait3A_236 = tpu.memref_squeeze %dma_wait3A_235 : memref<1x26x64xf32, #tpu.memory_space<hbm>> -> memref<26x64xf32, #tpu.memory_space<hbm>>
    %dma_wait3A_237 = arith.constant 0 : i32
    %dma_wait3A_238 = arith.constant 0 : i32
    %dma_wait3A_239 = tpu.memref_slice %arg6[%dma_wait3A_220, %dma_wait3A_237, %dma_wait3A_238] : memref<4x104x64xf32, #tpu.memory_space<vmem>> -> memref<1x104x64xf32, #tpu.memory_space<vmem>>
    %dma_wait3A_240 = tpu.memref_squeeze %dma_wait3A_239 : memref<1x104x64xf32, #tpu.memory_space<vmem>> -> memref<104x64xf32, #tpu.memory_space<vmem>>
    %dma_wait3A_241 = arith.constant 52 : i32
    %dma_wait3A_242 = arith.constant 0 : i32
    %dma_wait3A_243 = tpu.memref_slice %dma_wait3A_240[%dma_wait3A_241, %dma_wait3A_242] : memref<104x64xf32, #tpu.memory_space<vmem>> -> memref<26x64xf32, #tpu.memory_space<vmem>>
    tpu.wait_dma2 semaphore(%arg8 : memref<!tpu.dma_semaphore, #tpu.memory_space<semaphore_mem>>) src(%dma_wait3A_243 : memref<26x64xf32, #tpu.memory_space<vmem>>) dst(%dma_wait3A_236 : memref<26x64xf32, #tpu.memory_space<hbm>>)
    %dma_wait3A_244 = arith.constant 0 : i32
    %dma_wait3A_245 = arith.constant 0 : i32
    %dma_wait3A_246 = arith.constant 0 : i32
    %dma_wait3A_247 = arith.constant 0 : i32
    %dma_wait3A_248 = tpu.memref_slice %arg6[%dma_wait3A_244, %dma_wait3A_246, %dma_wait3A_247] : memref<4x104x64xf32, #tpu.memory_space<vmem>> -> memref<1x104x64xf32, #tpu.memory_space<vmem>>
    %dma_wait3A_249 = tpu.memref_squeeze %dma_wait3A_248 : memref<1x104x64xf32, #tpu.memory_space<vmem>> -> memref<104x64xf32, #tpu.memory_space<vmem>>
    %dma_wait3A_250 = arith.constant 78 : i32
    %dma_wait3A_251 = arith.constant 0 : i32
    %dma_wait3A_252 = tpu.memref_slice %dma_wait3A_249[%dma_wait3A_250, %dma_wait3A_251] : memref<104x64xf32, #tpu.memory_space<vmem>> -> memref<26x64xf32, #tpu.memory_space<vmem>>
    %dma_wait3A_253 = arith.constant 0 : i32
    %dma_wait3A_254 = arith.constant 0 : i32
    %dma_wait3A_255 = tpu.memref_slice %arg4[%dma_wait3A_245, %dma_wait3A_253, %dma_wait3A_254] : memref<16384x32x128xf32, #tpu.memory_space<hbm>> -> memref<1x26x64xf32, #tpu.memory_space<hbm>>
    %dma_wait3A_256 = tpu.memref_squeeze %dma_wait3A_255 : memref<1x26x64xf32, #tpu.memory_space<hbm>> -> memref<26x64xf32, #tpu.memory_space<hbm>>
    %dma_wait3A_257 = arith.constant 0 : i32
    %dma_wait3A_258 = arith.constant 0 : i32
    %dma_wait3A_259 = tpu.memref_slice %arg4[%dma_wait3A_245, %dma_wait3A_257, %dma_wait3A_258] : memref<16384x32x128xf32, #tpu.memory_space<hbm>> -> memref<1x26x64xf32, #tpu.memory_space<hbm>>
    %dma_wait3A_260 = tpu.memref_squeeze %dma_wait3A_259 : memref<1x26x64xf32, #tpu.memory_space<hbm>> -> memref<26x64xf32, #tpu.memory_space<hbm>>
    %dma_wait3A_261 = arith.constant 0 : i32
    %dma_wait3A_262 = arith.constant 0 : i32
    %dma_wait3A_263 = tpu.memref_slice %arg6[%dma_wait3A_244, %dma_wait3A_261, %dma_wait3A_262] : memref<4x104x64xf32, #tpu.memory_space<vmem>> -> memref<1x104x64xf32, #tpu.memory_space<vmem>>
    %dma_wait3A_264 = tpu.memref_squeeze %dma_wait3A_263 : memref<1x104x64xf32, #tpu.memory_space<vmem>> -> memref<104x64xf32, #tpu.memory_space<vmem>>
    %dma_wait3A_265 = arith.constant 78 : i32
    %dma_wait3A_266 = arith.constant 0 : i32
    %dma_wait3A_267 = tpu.memref_slice %dma_wait3A_264[%dma_wait3A_265, %dma_wait3A_266] : memref<104x64xf32, #tpu.memory_space<vmem>> -> memref<26x64xf32, #tpu.memory_space<vmem>>
    tpu.wait_dma2 semaphore(%arg8 : memref<!tpu.dma_semaphore, #tpu.memory_space<semaphore_mem>>) src(%dma_wait3A_267 : memref<26x64xf32, #tpu.memory_space<vmem>>) dst(%dma_wait3A_260 : memref<26x64xf32, #tpu.memory_space<hbm>>)
    %dma_wait3A_268 = arith.constant 1 : i32
    %dma_wait3A_269 = arith.constant 0 : i32
    %dma_wait3A_270 = arith.constant 0 : i32
    %dma_wait3A_271 = tpu.memref_slice %arg6[%dma_wait3A_268, %dma_wait3A_269, %dma_wait3A_270] : memref<4x104x64xf32, #tpu.memory_space<vmem>> -> memref<1x104x64xf32, #tpu.memory_space<vmem>>
    %dma_wait3A_272 = tpu.memref_squeeze %dma_wait3A_271 : memref<1x104x64xf32, #tpu.memory_space<vmem>> -> memref<104x64xf32, #tpu.memory_space<vmem>>
    %dma_wait3A_273 = arith.constant 0 : i32
    %dma_wait3A_274 = arith.constant 0 : i32
    %dma_wait3A_275 = tpu.memref_slice %arg3[%dma_wait3A_273, %dma_wait3A_274] : memref<2000000x64xf32, #tpu.memory_space<hbm>> -> memref<104x64xf32, #tpu.memory_space<hbm>>
    %dma_wait3A_276 = arith.constant 0 : i32
    %dma_wait3A_277 = arith.constant 0 : i32
    %dma_wait3A_278 = tpu.memref_slice %arg6[%dma_wait3A_268, %dma_wait3A_276, %dma_wait3A_277] : memref<4x104x64xf32, #tpu.memory_space<vmem>> -> memref<1x104x64xf32, #tpu.memory_space<vmem>>
    %dma_wait3A_279 = tpu.memref_squeeze %dma_wait3A_278 : memref<1x104x64xf32, #tpu.memory_space<vmem>> -> memref<104x64xf32, #tpu.memory_space<vmem>>
    %dma_wait3A_280 = arith.constant 0 : i32
    %dma_wait3A_281 = arith.constant 0 : i32
    %dma_wait3A_282 = tpu.memref_slice %arg3[%dma_wait3A_280, %dma_wait3A_281] : memref<2000000x64xf32, #tpu.memory_space<hbm>> -> memref<104x64xf32, #tpu.memory_space<hbm>>
    tpu.wait_dma2 semaphore(%arg7 : memref<!tpu.dma_semaphore, #tpu.memory_space<semaphore_mem>>) src(%dma_wait3A_282 : memref<104x64xf32, #tpu.memory_space<hbm>>) dst(%dma_wait3A_279 : memref<104x64xf32, #tpu.memory_space<vmem>>)
    %add3A_283 = arith.constant 125 : i32
    %add3A_284 = arith.addi %mul3A_2, %add3A_283 : i32
    %mul3A_285 = arith.constant 4 : i32
    %mul3A_286 = arith.muli %add3A_284, %mul3A_285 : i32
    %add3A_287 = arith.constant 0 : i32
    %add3A_288 = arith.addi %mul3A_286, %add3A_287 : i32
    %dma_start3A_289 = arith.constant 1 : i32
    %dma_start3A_290 = arith.constant 0 : i32
    %dma_start3A_291 = arith.constant 0 : i32
    %dma_start3A_292 = tpu.memref_slice %arg6[%dma_start3A_289, %dma_start3A_290, %dma_start3A_291] : memref<4x104x64xf32, #tpu.memory_space<vmem>> -> memref<1x104x64xf32, #tpu.memory_space<vmem>>
    %dma_start3A_293 = tpu.memref_squeeze %dma_start3A_292 : memref<1x104x64xf32, #tpu.memory_space<vmem>> -> memref<104x64xf32, #tpu.memory_space<vmem>>
    %dma_start3A_294 = arith.constant 0 : i32
    %dma_start3A_295 = arith.constant 0 : i32
    %dma_start3A_296 = tpu.memref_slice %dma_start3A_293[%dma_start3A_294, %dma_start3A_295] : memref<104x64xf32, #tpu.memory_space<vmem>> -> memref<26x64xf32, #tpu.memory_space<vmem>>
    %dma_start3A_297 = arith.constant 0 : i32
    %dma_start3A_298 = arith.constant 0 : i32
    %dma_start3A_299 = tpu.memref_slice %arg4[%add3A_288, %dma_start3A_297, %dma_start3A_298] : memref<16384x32x128xf32, #tpu.memory_space<hbm>> -> memref<1x26x64xf32, #tpu.memory_space<hbm>>
    %dma_start3A_300 = tpu.memref_squeeze %dma_start3A_299 : memref<1x26x64xf32, #tpu.memory_space<hbm>> -> memref<26x64xf32, #tpu.memory_space<hbm>>
    %dma_start3A_301 = arith.constant 0 : i32
    %dma_start3A_302 = arith.constant 0 : i32
    %dma_start3A_303 = tpu.memref_slice %arg4[%add3A_288, %dma_start3A_301, %dma_start3A_302] : memref<16384x32x128xf32, #tpu.memory_space<hbm>> -> memref<1x26x64xf32, #tpu.memory_space<hbm>>
    %dma_start3A_304 = tpu.memref_squeeze %dma_start3A_303 : memref<1x26x64xf32, #tpu.memory_space<hbm>> -> memref<26x64xf32, #tpu.memory_space<hbm>>
    %dma_start3A_305 = arith.constant 0 : i32
    %dma_start3A_306 = arith.constant 0 : i32
    %dma_start3A_307 = tpu.memref_slice %arg6[%dma_start3A_289, %dma_start3A_305, %dma_start3A_306] : memref<4x104x64xf32, #tpu.memory_space<vmem>> -> memref<1x104x64xf32, #tpu.memory_space<vmem>>
    %dma_start3A_308 = tpu.memref_squeeze %dma_start3A_307 : memref<1x104x64xf32, #tpu.memory_space<vmem>> -> memref<104x64xf32, #tpu.memory_space<vmem>>
    %dma_start3A_309 = arith.constant 0 : i32
    %dma_start3A_310 = arith.constant 0 : i32
    %dma_start3A_311 = tpu.memref_slice %dma_start3A_308[%dma_start3A_309, %dma_start3A_310] : memref<104x64xf32, #tpu.memory_space<vmem>> -> memref<26x64xf32, #tpu.memory_space<vmem>>
    tpu.enqueue_dma source(%dma_start3A_311 : memref<26x64xf32, #tpu.memory_space<vmem>>) target(%dma_start3A_304 : memref<26x64xf32, #tpu.memory_space<hbm>>) target_semaphore(%arg8 : memref<!tpu.dma_semaphore, #tpu.memory_space<semaphore_mem>>)
    %add3A_312 = arith.constant 1 : i32
    %add3A_313 = arith.addi %mul3A_286, %add3A_312 : i32
    %dma_start3A_314 = arith.constant 1 : i32
    %dma_start3A_315 = arith.constant 0 : i32
    %dma_start3A_316 = arith.constant 0 : i32
    %dma_start3A_317 = tpu.memref_slice %arg6[%dma_start3A_314, %dma_start3A_315, %dma_start3A_316] : memref<4x104x64xf32, #tpu.memory_space<vmem>> -> memref<1x104x64xf32, #tpu.memory_space<vmem>>
    %dma_start3A_318 = tpu.memref_squeeze %dma_start3A_317 : memref<1x104x64xf32, #tpu.memory_space<vmem>> -> memref<104x64xf32, #tpu.memory_space<vmem>>
    %dma_start3A_319 = arith.constant 26 : i32
    %dma_start3A_320 = arith.constant 0 : i32
    %dma_start3A_321 = tpu.memref_slice %dma_start3A_318[%dma_start3A_319, %dma_start3A_320] : memref<104x64xf32, #tpu.memory_space<vmem>> -> memref<26x64xf32, #tpu.memory_space<vmem>>
    %dma_start3A_322 = arith.constant 0 : i32
    %dma_start3A_323 = arith.constant 0 : i32
    %dma_start3A_324 = tpu.memref_slice %arg4[%add3A_313, %dma_start3A_322, %dma_start3A_323] : memref<16384x32x128xf32, #tpu.memory_space<hbm>> -> memref<1x26x64xf32, #tpu.memory_space<hbm>>
    %dma_start3A_325 = tpu.memref_squeeze %dma_start3A_324 : memref<1x26x64xf32, #tpu.memory_space<hbm>> -> memref<26x64xf32, #tpu.memory_space<hbm>>
    %dma_start3A_326 = arith.constant 0 : i32
    %dma_start3A_327 = arith.constant 0 : i32
    %dma_start3A_328 = tpu.memref_slice %arg4[%add3A_313, %dma_start3A_326, %dma_start3A_327] : memref<16384x32x128xf32, #tpu.memory_space<hbm>> -> memref<1x26x64xf32, #tpu.memory_space<hbm>>
    %dma_start3A_329 = tpu.memref_squeeze %dma_start3A_328 : memref<1x26x64xf32, #tpu.memory_space<hbm>> -> memref<26x64xf32, #tpu.memory_space<hbm>>
    %dma_start3A_330 = arith.constant 0 : i32
    %dma_start3A_331 = arith.constant 0 : i32
    %dma_start3A_332 = tpu.memref_slice %arg6[%dma_start3A_314, %dma_start3A_330, %dma_start3A_331] : memref<4x104x64xf32, #tpu.memory_space<vmem>> -> memref<1x104x64xf32, #tpu.memory_space<vmem>>
    %dma_start3A_333 = tpu.memref_squeeze %dma_start3A_332 : memref<1x104x64xf32, #tpu.memory_space<vmem>> -> memref<104x64xf32, #tpu.memory_space<vmem>>
    %dma_start3A_334 = arith.constant 26 : i32
    %dma_start3A_335 = arith.constant 0 : i32
    %dma_start3A_336 = tpu.memref_slice %dma_start3A_333[%dma_start3A_334, %dma_start3A_335] : memref<104x64xf32, #tpu.memory_space<vmem>> -> memref<26x64xf32, #tpu.memory_space<vmem>>
    tpu.enqueue_dma source(%dma_start3A_336 : memref<26x64xf32, #tpu.memory_space<vmem>>) target(%dma_start3A_329 : memref<26x64xf32, #tpu.memory_space<hbm>>) target_semaphore(%arg8 : memref<!tpu.dma_semaphore, #tpu.memory_space<semaphore_mem>>)
    %add3A_337 = arith.constant 2 : i32
    %add3A_338 = arith.addi %mul3A_286, %add3A_337 : i32
    %dma_start3A_339 = arith.constant 1 : i32
    %dma_start3A_340 = arith.constant 0 : i32
    %dma_start3A_341 = arith.constant 0 : i32
    %dma_start3A_342 = tpu.memref_slice %arg6[%dma_start3A_339, %dma_start3A_340, %dma_start3A_341] : memref<4x104x64xf32, #tpu.memory_space<vmem>> -> memref<1x104x64xf32, #tpu.memory_space<vmem>>
    %dma_start3A_343 = tpu.memref_squeeze %dma_start3A_342 : memref<1x104x64xf32, #tpu.memory_space<vmem>> -> memref<104x64xf32, #tpu.memory_space<vmem>>
    %dma_start3A_344 = arith.constant 52 : i32
    %dma_start3A_345 = arith.constant 0 : i32
    %dma_start3A_346 = tpu.memref_slice %dma_start3A_343[%dma_start3A_344, %dma_start3A_345] : memref<104x64xf32, #tpu.memory_space<vmem>> -> memref<26x64xf32, #tpu.memory_space<vmem>>
    %dma_start3A_347 = arith.constant 0 : i32
    %dma_start3A_348 = arith.constant 0 : i32
    %dma_start3A_349 = tpu.memref_slice %arg4[%add3A_338, %dma_start3A_347, %dma_start3A_348] : memref<16384x32x128xf32, #tpu.memory_space<hbm>> -> memref<1x26x64xf32, #tpu.memory_space<hbm>>
    %dma_start3A_350 = tpu.memref_squeeze %dma_start3A_349 : memref<1x26x64xf32, #tpu.memory_space<hbm>> -> memref<26x64xf32, #tpu.memory_space<hbm>>
    %dma_start3A_351 = arith.constant 0 : i32
    %dma_start3A_352 = arith.constant 0 : i32
    %dma_start3A_353 = tpu.memref_slice %arg4[%add3A_338, %dma_start3A_351, %dma_start3A_352] : memref<16384x32x128xf32, #tpu.memory_space<hbm>> -> memref<1x26x64xf32, #tpu.memory_space<hbm>>
    %dma_start3A_354 = tpu.memref_squeeze %dma_start3A_353 : memref<1x26x64xf32, #tpu.memory_space<hbm>> -> memref<26x64xf32, #tpu.memory_space<hbm>>
    %dma_start3A_355 = arith.constant 0 : i32
    %dma_start3A_356 = arith.constant 0 : i32
    %dma_start3A_357 = tpu.memref_slice %arg6[%dma_start3A_339, %dma_start3A_355, %dma_start3A_356] : memref<4x104x64xf32, #tpu.memory_space<vmem>> -> memref<1x104x64xf32, #tpu.memory_space<vmem>>
    %dma_start3A_358 = tpu.memref_squeeze %dma_start3A_357 : memref<1x104x64xf32, #tpu.memory_space<vmem>> -> memref<104x64xf32, #tpu.memory_space<vmem>>
    %dma_start3A_359 = arith.constant 52 : i32
    %dma_start3A_360 = arith.constant 0 : i32
    %dma_start3A_361 = tpu.memref_slice %dma_start3A_358[%dma_start3A_359, %dma_start3A_360] : memref<104x64xf32, #tpu.memory_space<vmem>> -> memref<26x64xf32, #tpu.memory_space<vmem>>
    tpu.enqueue_dma source(%dma_start3A_361 : memref<26x64xf32, #tpu.memory_space<vmem>>) target(%dma_start3A_354 : memref<26x64xf32, #tpu.memory_space<hbm>>) target_semaphore(%arg8 : memref<!tpu.dma_semaphore, #tpu.memory_space<semaphore_mem>>)
    %add3A_362 = arith.constant 3 : i32
    %add3A_363 = arith.addi %mul3A_286, %add3A_362 : i32
    %dma_start3A_364 = arith.constant 1 : i32
    %dma_start3A_365 = arith.constant 0 : i32
    %dma_start3A_366 = arith.constant 0 : i32
    %dma_start3A_367 = tpu.memref_slice %arg6[%dma_start3A_364, %dma_start3A_365, %dma_start3A_366] : memref<4x104x64xf32, #tpu.memory_space<vmem>> -> memref<1x104x64xf32, #tpu.memory_space<vmem>>
    %dma_start3A_368 = tpu.memref_squeeze %dma_start3A_367 : memref<1x104x64xf32, #tpu.memory_space<vmem>> -> memref<104x64xf32, #tpu.memory_space<vmem>>
    %dma_start3A_369 = arith.constant 78 : i32
    %dma_start3A_370 = arith.constant 0 : i32
    %dma_start3A_371 = tpu.memref_slice %dma_start3A_368[%dma_start3A_369, %dma_start3A_370] : memref<104x64xf32, #tpu.memory_space<vmem>> -> memref<26x64xf32, #tpu.memory_space<vmem>>
    %dma_start3A_372 = arith.constant 0 : i32
    %dma_start3A_373 = arith.constant 0 : i32
    %dma_start3A_374 = tpu.memref_slice %arg4[%add3A_363, %dma_start3A_372, %dma_start3A_373] : memref<16384x32x128xf32, #tpu.memory_space<hbm>> -> memref<1x26x64xf32, #tpu.memory_space<hbm>>
    %dma_start3A_375 = tpu.memref_squeeze %dma_start3A_374 : memref<1x26x64xf32, #tpu.memory_space<hbm>> -> memref<26x64xf32, #tpu.memory_space<hbm>>
    %dma_start3A_376 = arith.constant 0 : i32
    %dma_start3A_377 = arith.constant 0 : i32
    %dma_start3A_378 = tpu.memref_slice %arg4[%add3A_363, %dma_start3A_376, %dma_start3A_377] : memref<16384x32x128xf32, #tpu.memory_space<hbm>> -> memref<1x26x64xf32, #tpu.memory_space<hbm>>
    %dma_start3A_379 = tpu.memref_squeeze %dma_start3A_378 : memref<1x26x64xf32, #tpu.memory_space<hbm>> -> memref<26x64xf32, #tpu.memory_space<hbm>>
    %dma_start3A_380 = arith.constant 0 : i32
    %dma_start3A_381 = arith.constant 0 : i32
    %dma_start3A_382 = tpu.memref_slice %arg6[%dma_start3A_364, %dma_start3A_380, %dma_start3A_381] : memref<4x104x64xf32, #tpu.memory_space<vmem>> -> memref<1x104x64xf32, #tpu.memory_space<vmem>>
    %dma_start3A_383 = tpu.memref_squeeze %dma_start3A_382 : memref<1x104x64xf32, #tpu.memory_space<vmem>> -> memref<104x64xf32, #tpu.memory_space<vmem>>
    %dma_start3A_384 = arith.constant 78 : i32
    %dma_start3A_385 = arith.constant 0 : i32
    %dma_start3A_386 = tpu.memref_slice %dma_start3A_383[%dma_start3A_384, %dma_start3A_385] : memref<104x64xf32, #tpu.memory_space<vmem>> -> memref<26x64xf32, #tpu.memory_space<vmem>>
    tpu.enqueue_dma source(%dma_start3A_386 : memref<26x64xf32, #tpu.memory_space<vmem>>) target(%dma_start3A_379 : memref<26x64xf32, #tpu.memory_space<hbm>>) target_semaphore(%arg8 : memref<!tpu.dma_semaphore, #tpu.memory_space<semaphore_mem>>)
    %dma_wait3A_387 = arith.constant 1 : i32
    %dma_wait3A_388 = arith.constant 0 : i32
    %dma_wait3A_389 = arith.constant 0 : i32
    %dma_wait3A_390 = arith.constant 0 : i32
    %dma_wait3A_391 = tpu.memref_slice %arg6[%dma_wait3A_387, %dma_wait3A_389, %dma_wait3A_390] : memref<4x104x64xf32, #tpu.memory_space<vmem>> -> memref<1x104x64xf32, #tpu.memory_space<vmem>>
    %dma_wait3A_392 = tpu.memref_squeeze %dma_wait3A_391 : memref<1x104x64xf32, #tpu.memory_space<vmem>> -> memref<104x64xf32, #tpu.memory_space<vmem>>
    %dma_wait3A_393 = arith.constant 0 : i32
    %dma_wait3A_394 = arith.constant 0 : i32
    %dma_wait3A_395 = tpu.memref_slice %dma_wait3A_392[%dma_wait3A_393, %dma_wait3A_394] : memref<104x64xf32, #tpu.memory_space<vmem>> -> memref<26x64xf32, #tpu.memory_space<vmem>>
    %dma_wait3A_396 = arith.constant 0 : i32
    %dma_wait3A_397 = arith.constant 0 : i32
    %dma_wait3A_398 = tpu.memref_slice %arg4[%dma_wait3A_388, %dma_wait3A_396, %dma_wait3A_397] : memref<16384x32x128xf32, #tpu.memory_space<hbm>> -> memref<1x26x64xf32, #tpu.memory_space<hbm>>
    %dma_wait3A_399 = tpu.memref_squeeze %dma_wait3A_398 : memref<1x26x64xf32, #tpu.memory_space<hbm>> -> memref<26x64xf32, #tpu.memory_space<hbm>>
    %dma_wait3A_400 = arith.constant 0 : i32
    %dma_wait3A_401 = arith.constant 0 : i32
    %dma_wait3A_402 = tpu.memref_slice %arg4[%dma_wait3A_388, %dma_wait3A_400, %dma_wait3A_401] : memref<16384x32x128xf32, #tpu.memory_space<hbm>> -> memref<1x26x64xf32, #tpu.memory_space<hbm>>
    %dma_wait3A_403 = tpu.memref_squeeze %dma_wait3A_402 : memref<1x26x64xf32, #tpu.memory_space<hbm>> -> memref<26x64xf32, #tpu.memory_space<hbm>>
    %dma_wait3A_404 = arith.constant 0 : i32
    %dma_wait3A_405 = arith.constant 0 : i32
    %dma_wait3A_406 = tpu.memref_slice %arg6[%dma_wait3A_387, %dma_wait3A_404, %dma_wait3A_405] : memref<4x104x64xf32, #tpu.memory_space<vmem>> -> memref<1x104x64xf32, #tpu.memory_space<vmem>>
    %dma_wait3A_407 = tpu.memref_squeeze %dma_wait3A_406 : memref<1x104x64xf32, #tpu.memory_space<vmem>> -> memref<104x64xf32, #tpu.memory_space<vmem>>
    %dma_wait3A_408 = arith.constant 0 : i32
    %dma_wait3A_409 = arith.constant 0 : i32
    %dma_wait3A_410 = tpu.memref_slice %dma_wait3A_407[%dma_wait3A_408, %dma_wait3A_409] : memref<104x64xf32, #tpu.memory_space<vmem>> -> memref<26x64xf32, #tpu.memory_space<vmem>>
    tpu.wait_dma2 semaphore(%arg8 : memref<!tpu.dma_semaphore, #tpu.memory_space<semaphore_mem>>) src(%dma_wait3A_410 : memref<26x64xf32, #tpu.memory_space<vmem>>) dst(%dma_wait3A_403 : memref<26x64xf32, #tpu.memory_space<hbm>>)
    %dma_wait3A_411 = arith.constant 1 : i32
    %dma_wait3A_412 = arith.constant 0 : i32
    %dma_wait3A_413 = arith.constant 0 : i32
    %dma_wait3A_414 = arith.constant 0 : i32
    %dma_wait3A_415 = tpu.memref_slice %arg6[%dma_wait3A_411, %dma_wait3A_413, %dma_wait3A_414] : memref<4x104x64xf32, #tpu.memory_space<vmem>> -> memref<1x104x64xf32, #tpu.memory_space<vmem>>
    %dma_wait3A_416 = tpu.memref_squeeze %dma_wait3A_415 : memref<1x104x64xf32, #tpu.memory_space<vmem>> -> memref<104x64xf32, #tpu.memory_space<vmem>>
    %dma_wait3A_417 = arith.constant 26 : i32
    %dma_wait3A_418 = arith.constant 0 : i32
    %dma_wait3A_419 = tpu.memref_slice %dma_wait3A_416[%dma_wait3A_417, %dma_wait3A_418] : memref<104x64xf32, #tpu.memory_space<vmem>> -> memref<26x64xf32, #tpu.memory_space<vmem>>
    %dma_wait3A_420 = arith.constant 0 : i32
    %dma_wait3A_421 = arith.constant 0 : i32
    %dma_wait3A_422 = tpu.memref_slice %arg4[%dma_wait3A_412, %dma_wait3A_420, %dma_wait3A_421] : memref<16384x32x128xf32, #tpu.memory_space<hbm>> -> memref<1x26x64xf32, #tpu.memory_space<hbm>>
    %dma_wait3A_423 = tpu.memref_squeeze %dma_wait3A_422 : memref<1x26x64xf32, #tpu.memory_space<hbm>> -> memref<26x64xf32, #tpu.memory_space<hbm>>
    %dma_wait3A_424 = arith.constant 0 : i32
    %dma_wait3A_425 = arith.constant 0 : i32
    %dma_wait3A_426 = tpu.memref_slice %arg4[%dma_wait3A_412, %dma_wait3A_424, %dma_wait3A_425] : memref<16384x32x128xf32, #tpu.memory_space<hbm>> -> memref<1x26x64xf32, #tpu.memory_space<hbm>>
    %dma_wait3A_427 = tpu.memref_squeeze %dma_wait3A_426 : memref<1x26x64xf32, #tpu.memory_space<hbm>> -> memref<26x64xf32, #tpu.memory_space<hbm>>
    %dma_wait3A_428 = arith.constant 0 : i32
    %dma_wait3A_429 = arith.constant 0 : i32
    %dma_wait3A_430 = tpu.memref_slice %arg6[%dma_wait3A_411, %dma_wait3A_428, %dma_wait3A_429] : memref<4x104x64xf32, #tpu.memory_space<vmem>> -> memref<1x104x64xf32, #tpu.memory_space<vmem>>
    %dma_wait3A_431 = tpu.memref_squeeze %dma_wait3A_430 : memref<1x104x64xf32, #tpu.memory_space<vmem>> -> memref<104x64xf32, #tpu.memory_space<vmem>>
    %dma_wait3A_432 = arith.constant 26 : i32
    %dma_wait3A_433 = arith.constant 0 : i32
    %dma_wait3A_434 = tpu.memref_slice %dma_wait3A_431[%dma_wait3A_432, %dma_wait3A_433] : memref<104x64xf32, #tpu.memory_space<vmem>> -> memref<26x64xf32, #tpu.memory_space<vmem>>
    tpu.wait_dma2 semaphore(%arg8 : memref<!tpu.dma_semaphore, #tpu.memory_space<semaphore_mem>>) src(%dma_wait3A_434 : memref<26x64xf32, #tpu.memory_space<vmem>>) dst(%dma_wait3A_427 : memref<26x64xf32, #tpu.memory_space<hbm>>)
    %dma_wait3A_435 = arith.constant 1 : i32
    %dma_wait3A_436 = arith.constant 0 : i32
    %dma_wait3A_437 = arith.constant 0 : i32
    %dma_wait3A_438 = arith.constant 0 : i32
    %dma_wait3A_439 = tpu.memref_slice %arg6[%dma_wait3A_435, %dma_wait3A_437, %dma_wait3A_438] : memref<4x104x64xf32, #tpu.memory_space<vmem>> -> memref<1x104x64xf32, #tpu.memory_space<vmem>>
    %dma_wait3A_440 = tpu.memref_squeeze %dma_wait3A_439 : memref<1x104x64xf32, #tpu.memory_space<vmem>> -> memref<104x64xf32, #tpu.memory_space<vmem>>
    %dma_wait3A_441 = arith.constant 52 : i32
    %dma_wait3A_442 = arith.constant 0 : i32
    %dma_wait3A_443 = tpu.memref_slice %dma_wait3A_440[%dma_wait3A_441, %dma_wait3A_442] : memref<104x64xf32, #tpu.memory_space<vmem>> -> memref<26x64xf32, #tpu.memory_space<vmem>>
    %dma_wait3A_444 = arith.constant 0 : i32
    %dma_wait3A_445 = arith.constant 0 : i32
    %dma_wait3A_446 = tpu.memref_slice %arg4[%dma_wait3A_436, %dma_wait3A_444, %dma_wait3A_445] : memref<16384x32x128xf32, #tpu.memory_space<hbm>> -> memref<1x26x64xf32, #tpu.memory_space<hbm>>
    %dma_wait3A_447 = tpu.memref_squeeze %dma_wait3A_446 : memref<1x26x64xf32, #tpu.memory_space<hbm>> -> memref<26x64xf32, #tpu.memory_space<hbm>>
    %dma_wait3A_448 = arith.constant 0 : i32
    %dma_wait3A_449 = arith.constant 0 : i32
    %dma_wait3A_450 = tpu.memref_slice %arg4[%dma_wait3A_436, %dma_wait3A_448, %dma_wait3A_449] : memref<16384x32x128xf32, #tpu.memory_space<hbm>> -> memref<1x26x64xf32, #tpu.memory_space<hbm>>
    %dma_wait3A_451 = tpu.memref_squeeze %dma_wait3A_450 : memref<1x26x64xf32, #tpu.memory_space<hbm>> -> memref<26x64xf32, #tpu.memory_space<hbm>>
    %dma_wait3A_452 = arith.constant 0 : i32
    %dma_wait3A_453 = arith.constant 0 : i32
    %dma_wait3A_454 = tpu.memref_slice %arg6[%dma_wait3A_435, %dma_wait3A_452, %dma_wait3A_453] : memref<4x104x64xf32, #tpu.memory_space<vmem>> -> memref<1x104x64xf32, #tpu.memory_space<vmem>>
    %dma_wait3A_455 = tpu.memref_squeeze %dma_wait3A_454 : memref<1x104x64xf32, #tpu.memory_space<vmem>> -> memref<104x64xf32, #tpu.memory_space<vmem>>
    %dma_wait3A_456 = arith.constant 52 : i32
    %dma_wait3A_457 = arith.constant 0 : i32
    %dma_wait3A_458 = tpu.memref_slice %dma_wait3A_455[%dma_wait3A_456, %dma_wait3A_457] : memref<104x64xf32, #tpu.memory_space<vmem>> -> memref<26x64xf32, #tpu.memory_space<vmem>>
    tpu.wait_dma2 semaphore(%arg8 : memref<!tpu.dma_semaphore, #tpu.memory_space<semaphore_mem>>) src(%dma_wait3A_458 : memref<26x64xf32, #tpu.memory_space<vmem>>) dst(%dma_wait3A_451 : memref<26x64xf32, #tpu.memory_space<hbm>>)
    %dma_wait3A_459 = arith.constant 1 : i32
    %dma_wait3A_460 = arith.constant 0 : i32
    %dma_wait3A_461 = arith.constant 0 : i32
    %dma_wait3A_462 = arith.constant 0 : i32
    %dma_wait3A_463 = tpu.memref_slice %arg6[%dma_wait3A_459, %dma_wait3A_461, %dma_wait3A_462] : memref<4x104x64xf32, #tpu.memory_space<vmem>> -> memref<1x104x64xf32, #tpu.memory_space<vmem>>
    %dma_wait3A_464 = tpu.memref_squeeze %dma_wait3A_463 : memref<1x104x64xf32, #tpu.memory_space<vmem>> -> memref<104x64xf32, #tpu.memory_space<vmem>>
    %dma_wait3A_465 = arith.constant 78 : i32
    %dma_wait3A_466 = arith.constant 0 : i32
    %dma_wait3A_467 = tpu.memref_slice %dma_wait3A_464[%dma_wait3A_465, %dma_wait3A_466] : memref<104x64xf32, #tpu.memory_space<vmem>> -> memref<26x64xf32, #tpu.memory_space<vmem>>
    %dma_wait3A_468 = arith.constant 0 : i32
    %dma_wait3A_469 = arith.constant 0 : i32
    %dma_wait3A_470 = tpu.memref_slice %arg4[%dma_wait3A_460, %dma_wait3A_468, %dma_wait3A_469] : memref<16384x32x128xf32, #tpu.memory_space<hbm>> -> memref<1x26x64xf32, #tpu.memory_space<hbm>>
    %dma_wait3A_471 = tpu.memref_squeeze %dma_wait3A_470 : memref<1x26x64xf32, #tpu.memory_space<hbm>> -> memref<26x64xf32, #tpu.memory_space<hbm>>
    %dma_wait3A_472 = arith.constant 0 : i32
    %dma_wait3A_473 = arith.constant 0 : i32
    %dma_wait3A_474 = tpu.memref_slice %arg4[%dma_wait3A_460, %dma_wait3A_472, %dma_wait3A_473] : memref<16384x32x128xf32, #tpu.memory_space<hbm>> -> memref<1x26x64xf32, #tpu.memory_space<hbm>>
    %dma_wait3A_475 = tpu.memref_squeeze %dma_wait3A_474 : memref<1x26x64xf32, #tpu.memory_space<hbm>> -> memref<26x64xf32, #tpu.memory_space<hbm>>
    %dma_wait3A_476 = arith.constant 0 : i32
    %dma_wait3A_477 = arith.constant 0 : i32
    %dma_wait3A_478 = tpu.memref_slice %arg6[%dma_wait3A_459, %dma_wait3A_476, %dma_wait3A_477] : memref<4x104x64xf32, #tpu.memory_space<vmem>> -> memref<1x104x64xf32, #tpu.memory_space<vmem>>
    %dma_wait3A_479 = tpu.memref_squeeze %dma_wait3A_478 : memref<1x104x64xf32, #tpu.memory_space<vmem>> -> memref<104x64xf32, #tpu.memory_space<vmem>>
    %dma_wait3A_480 = arith.constant 78 : i32
    %dma_wait3A_481 = arith.constant 0 : i32
    %dma_wait3A_482 = tpu.memref_slice %dma_wait3A_479[%dma_wait3A_480, %dma_wait3A_481] : memref<104x64xf32, #tpu.memory_space<vmem>> -> memref<26x64xf32, #tpu.memory_space<vmem>>
    tpu.wait_dma2 semaphore(%arg8 : memref<!tpu.dma_semaphore, #tpu.memory_space<semaphore_mem>>) src(%dma_wait3A_482 : memref<26x64xf32, #tpu.memory_space<vmem>>) dst(%dma_wait3A_475 : memref<26x64xf32, #tpu.memory_space<hbm>>)
    %dma_wait3A_483 = arith.constant 2 : i32
    %dma_wait3A_484 = arith.constant 0 : i32
    %dma_wait3A_485 = arith.constant 0 : i32
    %dma_wait3A_486 = tpu.memref_slice %arg6[%dma_wait3A_483, %dma_wait3A_484, %dma_wait3A_485] : memref<4x104x64xf32, #tpu.memory_space<vmem>> -> memref<1x104x64xf32, #tpu.memory_space<vmem>>
    %dma_wait3A_487 = tpu.memref_squeeze %dma_wait3A_486 : memref<1x104x64xf32, #tpu.memory_space<vmem>> -> memref<104x64xf32, #tpu.memory_space<vmem>>
    %dma_wait3A_488 = arith.constant 0 : i32
    %dma_wait3A_489 = arith.constant 0 : i32
    %dma_wait3A_490 = tpu.memref_slice %arg3[%dma_wait3A_488, %dma_wait3A_489] : memref<2000000x64xf32, #tpu.memory_space<hbm>> -> memref<104x64xf32, #tpu.memory_space<hbm>>
    %dma_wait3A_491 = arith.constant 0 : i32
    %dma_wait3A_492 = arith.constant 0 : i32
    %dma_wait3A_493 = tpu.memref_slice %arg6[%dma_wait3A_483, %dma_wait3A_491, %dma_wait3A_492] : memref<4x104x64xf32, #tpu.memory_space<vmem>> -> memref<1x104x64xf32, #tpu.memory_space<vmem>>
    %dma_wait3A_494 = tpu.memref_squeeze %dma_wait3A_493 : memref<1x104x64xf32, #tpu.memory_space<vmem>> -> memref<104x64xf32, #tpu.memory_space<vmem>>
    %dma_wait3A_495 = arith.constant 0 : i32
    %dma_wait3A_496 = arith.constant 0 : i32
    %dma_wait3A_497 = tpu.memref_slice %arg3[%dma_wait3A_495, %dma_wait3A_496] : memref<2000000x64xf32, #tpu.memory_space<hbm>> -> memref<104x64xf32, #tpu.memory_space<hbm>>
    tpu.wait_dma2 semaphore(%arg7 : memref<!tpu.dma_semaphore, #tpu.memory_space<semaphore_mem>>) src(%dma_wait3A_497 : memref<104x64xf32, #tpu.memory_space<hbm>>) dst(%dma_wait3A_494 : memref<104x64xf32, #tpu.memory_space<vmem>>)
    %add3A_498 = arith.constant 126 : i32
    %add3A_499 = arith.addi %mul3A_2, %add3A_498 : i32
    %mul3A_500 = arith.constant 4 : i32
    %mul3A_501 = arith.muli %add3A_499, %mul3A_500 : i32
    %add3A_502 = arith.constant 0 : i32
    %add3A_503 = arith.addi %mul3A_501, %add3A_502 : i32
    %dma_start3A_504 = arith.constant 2 : i32
    %dma_start3A_505 = arith.constant 0 : i32
    %dma_start3A_506 = arith.constant 0 : i32
    %dma_start3A_507 = tpu.memref_slice %arg6[%dma_start3A_504, %dma_start3A_505, %dma_start3A_506] : memref<4x104x64xf32, #tpu.memory_space<vmem>> -> memref<1x104x64xf32, #tpu.memory_space<vmem>>
    %dma_start3A_508 = tpu.memref_squeeze %dma_start3A_507 : memref<1x104x64xf32, #tpu.memory_space<vmem>> -> memref<104x64xf32, #tpu.memory_space<vmem>>
    %dma_start3A_509 = arith.constant 0 : i32
    %dma_start3A_510 = arith.constant 0 : i32
    %dma_start3A_511 = tpu.memref_slice %dma_start3A_508[%dma_start3A_509, %dma_start3A_510] : memref<104x64xf32, #tpu.memory_space<vmem>> -> memref<26x64xf32, #tpu.memory_space<vmem>>
    %dma_start3A_512 = arith.constant 0 : i32
    %dma_start3A_513 = arith.constant 0 : i32
    %dma_start3A_514 = tpu.memref_slice %arg4[%add3A_503, %dma_start3A_512, %dma_start3A_513] : memref<16384x32x128xf32, #tpu.memory_space<hbm>> -> memref<1x26x64xf32, #tpu.memory_space<hbm>>
    %dma_start3A_515 = tpu.memref_squeeze %dma_start3A_514 : memref<1x26x64xf32, #tpu.memory_space<hbm>> -> memref<26x64xf32, #tpu.memory_space<hbm>>
    %dma_start3A_516 = arith.constant 0 : i32
    %dma_start3A_517 = arith.constant 0 : i32
    %dma_start3A_518 = tpu.memref_slice %arg4[%add3A_503, %dma_start3A_516, %dma_start3A_517] : memref<16384x32x128xf32, #tpu.memory_space<hbm>> -> memref<1x26x64xf32, #tpu.memory_space<hbm>>
    %dma_start3A_519 = tpu.memref_squeeze %dma_start3A_518 : memref<1x26x64xf32, #tpu.memory_space<hbm>> -> memref<26x64xf32, #tpu.memory_space<hbm>>
    %dma_start3A_520 = arith.constant 0 : i32
    %dma_start3A_521 = arith.constant 0 : i32
    %dma_start3A_522 = tpu.memref_slice %arg6[%dma_start3A_504, %dma_start3A_520, %dma_start3A_521] : memref<4x104x64xf32, #tpu.memory_space<vmem>> -> memref<1x104x64xf32, #tpu.memory_space<vmem>>
    %dma_start3A_523 = tpu.memref_squeeze %dma_start3A_522 : memref<1x104x64xf32, #tpu.memory_space<vmem>> -> memref<104x64xf32, #tpu.memory_space<vmem>>
    %dma_start3A_524 = arith.constant 0 : i32
    %dma_start3A_525 = arith.constant 0 : i32
    %dma_start3A_526 = tpu.memref_slice %dma_start3A_523[%dma_start3A_524, %dma_start3A_525] : memref<104x64xf32, #tpu.memory_space<vmem>> -> memref<26x64xf32, #tpu.memory_space<vmem>>
    tpu.enqueue_dma source(%dma_start3A_526 : memref<26x64xf32, #tpu.memory_space<vmem>>) target(%dma_start3A_519 : memref<26x64xf32, #tpu.memory_space<hbm>>) target_semaphore(%arg8 : memref<!tpu.dma_semaphore, #tpu.memory_space<semaphore_mem>>)
    %add3A_527 = arith.constant 1 : i32
    %add3A_528 = arith.addi %mul3A_501, %add3A_527 : i32
    %dma_start3A_529 = arith.constant 2 : i32
    %dma_start3A_530 = arith.constant 0 : i32
    %dma_start3A_531 = arith.constant 0 : i32
    %dma_start3A_532 = tpu.memref_slice %arg6[%dma_start3A_529, %dma_start3A_530, %dma_start3A_531] : memref<4x104x64xf32, #tpu.memory_space<vmem>> -> memref<1x104x64xf32, #tpu.memory_space<vmem>>
    %dma_start3A_533 = tpu.memref_squeeze %dma_start3A_532 : memref<1x104x64xf32, #tpu.memory_space<vmem>> -> memref<104x64xf32, #tpu.memory_space<vmem>>
    %dma_start3A_534 = arith.constant 26 : i32
    %dma_start3A_535 = arith.constant 0 : i32
    %dma_start3A_536 = tpu.memref_slice %dma_start3A_533[%dma_start3A_534, %dma_start3A_535] : memref<104x64xf32, #tpu.memory_space<vmem>> -> memref<26x64xf32, #tpu.memory_space<vmem>>
    %dma_start3A_537 = arith.constant 0 : i32
    %dma_start3A_538 = arith.constant 0 : i32
    %dma_start3A_539 = tpu.memref_slice %arg4[%add3A_528, %dma_start3A_537, %dma_start3A_538] : memref<16384x32x128xf32, #tpu.memory_space<hbm>> -> memref<1x26x64xf32, #tpu.memory_space<hbm>>
    %dma_start3A_540 = tpu.memref_squeeze %dma_start3A_539 : memref<1x26x64xf32, #tpu.memory_space<hbm>> -> memref<26x64xf32, #tpu.memory_space<hbm>>
    %dma_start3A_541 = arith.constant 0 : i32
    %dma_start3A_542 = arith.constant 0 : i32
    %dma_start3A_543 = tpu.memref_slice %arg4[%add3A_528, %dma_start3A_541, %dma_start3A_542] : memref<16384x32x128xf32, #tpu.memory_space<hbm>> -> memref<1x26x64xf32, #tpu.memory_space<hbm>>
    %dma_start3A_544 = tpu.memref_squeeze %dma_start3A_543 : memref<1x26x64xf32, #tpu.memory_space<hbm>> -> memref<26x64xf32, #tpu.memory_space<hbm>>
    %dma_start3A_545 = arith.constant 0 : i32
    %dma_start3A_546 = arith.constant 0 : i32
    %dma_start3A_547 = tpu.memref_slice %arg6[%dma_start3A_529, %dma_start3A_545, %dma_start3A_546] : memref<4x104x64xf32, #tpu.memory_space<vmem>> -> memref<1x104x64xf32, #tpu.memory_space<vmem>>
    %dma_start3A_548 = tpu.memref_squeeze %dma_start3A_547 : memref<1x104x64xf32, #tpu.memory_space<vmem>> -> memref<104x64xf32, #tpu.memory_space<vmem>>
    %dma_start3A_549 = arith.constant 26 : i32
    %dma_start3A_550 = arith.constant 0 : i32
    %dma_start3A_551 = tpu.memref_slice %dma_start3A_548[%dma_start3A_549, %dma_start3A_550] : memref<104x64xf32, #tpu.memory_space<vmem>> -> memref<26x64xf32, #tpu.memory_space<vmem>>
    tpu.enqueue_dma source(%dma_start3A_551 : memref<26x64xf32, #tpu.memory_space<vmem>>) target(%dma_start3A_544 : memref<26x64xf32, #tpu.memory_space<hbm>>) target_semaphore(%arg8 : memref<!tpu.dma_semaphore, #tpu.memory_space<semaphore_mem>>)
    %add3A_552 = arith.constant 2 : i32
    %add3A_553 = arith.addi %mul3A_501, %add3A_552 : i32
    %dma_start3A_554 = arith.constant 2 : i32
    %dma_start3A_555 = arith.constant 0 : i32
    %dma_start3A_556 = arith.constant 0 : i32
    %dma_start3A_557 = tpu.memref_slice %arg6[%dma_start3A_554, %dma_start3A_555, %dma_start3A_556] : memref<4x104x64xf32, #tpu.memory_space<vmem>> -> memref<1x104x64xf32, #tpu.memory_space<vmem>>
    %dma_start3A_558 = tpu.memref_squeeze %dma_start3A_557 : memref<1x104x64xf32, #tpu.memory_space<vmem>> -> memref<104x64xf32, #tpu.memory_space<vmem>>
    %dma_start3A_559 = arith.constant 52 : i32
    %dma_start3A_560 = arith.constant 0 : i32
    %dma_start3A_561 = tpu.memref_slice %dma_start3A_558[%dma_start3A_559, %dma_start3A_560] : memref<104x64xf32, #tpu.memory_space<vmem>> -> memref<26x64xf32, #tpu.memory_space<vmem>>
    %dma_start3A_562 = arith.constant 0 : i32
    %dma_start3A_563 = arith.constant 0 : i32
    %dma_start3A_564 = tpu.memref_slice %arg4[%add3A_553, %dma_start3A_562, %dma_start3A_563] : memref<16384x32x128xf32, #tpu.memory_space<hbm>> -> memref<1x26x64xf32, #tpu.memory_space<hbm>>
    %dma_start3A_565 = tpu.memref_squeeze %dma_start3A_564 : memref<1x26x64xf32, #tpu.memory_space<hbm>> -> memref<26x64xf32, #tpu.memory_space<hbm>>
    %dma_start3A_566 = arith.constant 0 : i32
    %dma_start3A_567 = arith.constant 0 : i32
    %dma_start3A_568 = tpu.memref_slice %arg4[%add3A_553, %dma_start3A_566, %dma_start3A_567] : memref<16384x32x128xf32, #tpu.memory_space<hbm>> -> memref<1x26x64xf32, #tpu.memory_space<hbm>>
    %dma_start3A_569 = tpu.memref_squeeze %dma_start3A_568 : memref<1x26x64xf32, #tpu.memory_space<hbm>> -> memref<26x64xf32, #tpu.memory_space<hbm>>
    %dma_start3A_570 = arith.constant 0 : i32
    %dma_start3A_571 = arith.constant 0 : i32
    %dma_start3A_572 = tpu.memref_slice %arg6[%dma_start3A_554, %dma_start3A_570, %dma_start3A_571] : memref<4x104x64xf32, #tpu.memory_space<vmem>> -> memref<1x104x64xf32, #tpu.memory_space<vmem>>
    %dma_start3A_573 = tpu.memref_squeeze %dma_start3A_572 : memref<1x104x64xf32, #tpu.memory_space<vmem>> -> memref<104x64xf32, #tpu.memory_space<vmem>>
    %dma_start3A_574 = arith.constant 52 : i32
    %dma_start3A_575 = arith.constant 0 : i32
    %dma_start3A_576 = tpu.memref_slice %dma_start3A_573[%dma_start3A_574, %dma_start3A_575] : memref<104x64xf32, #tpu.memory_space<vmem>> -> memref<26x64xf32, #tpu.memory_space<vmem>>
    tpu.enqueue_dma source(%dma_start3A_576 : memref<26x64xf32, #tpu.memory_space<vmem>>) target(%dma_start3A_569 : memref<26x64xf32, #tpu.memory_space<hbm>>) target_semaphore(%arg8 : memref<!tpu.dma_semaphore, #tpu.memory_space<semaphore_mem>>)
    %add3A_577 = arith.constant 3 : i32
    %add3A_578 = arith.addi %mul3A_501, %add3A_577 : i32
    %dma_start3A_579 = arith.constant 2 : i32
    %dma_start3A_580 = arith.constant 0 : i32
    %dma_start3A_581 = arith.constant 0 : i32
    %dma_start3A_582 = tpu.memref_slice %arg6[%dma_start3A_579, %dma_start3A_580, %dma_start3A_581] : memref<4x104x64xf32, #tpu.memory_space<vmem>> -> memref<1x104x64xf32, #tpu.memory_space<vmem>>
    %dma_start3A_583 = tpu.memref_squeeze %dma_start3A_582 : memref<1x104x64xf32, #tpu.memory_space<vmem>> -> memref<104x64xf32, #tpu.memory_space<vmem>>
    %dma_start3A_584 = arith.constant 78 : i32
    %dma_start3A_585 = arith.constant 0 : i32
    %dma_start3A_586 = tpu.memref_slice %dma_start3A_583[%dma_start3A_584, %dma_start3A_585] : memref<104x64xf32, #tpu.memory_space<vmem>> -> memref<26x64xf32, #tpu.memory_space<vmem>>
    %dma_start3A_587 = arith.constant 0 : i32
    %dma_start3A_588 = arith.constant 0 : i32
    %dma_start3A_589 = tpu.memref_slice %arg4[%add3A_578, %dma_start3A_587, %dma_start3A_588] : memref<16384x32x128xf32, #tpu.memory_space<hbm>> -> memref<1x26x64xf32, #tpu.memory_space<hbm>>
    %dma_start3A_590 = tpu.memref_squeeze %dma_start3A_589 : memref<1x26x64xf32, #tpu.memory_space<hbm>> -> memref<26x64xf32, #tpu.memory_space<hbm>>
    %dma_start3A_591 = arith.constant 0 : i32
    %dma_start3A_592 = arith.constant 0 : i32
    %dma_start3A_593 = tpu.memref_slice %arg4[%add3A_578, %dma_start3A_591, %dma_start3A_592] : memref<16384x32x128xf32, #tpu.memory_space<hbm>> -> memref<1x26x64xf32, #tpu.memory_space<hbm>>
    %dma_start3A_594 = tpu.memref_squeeze %dma_start3A_593 : memref<1x26x64xf32, #tpu.memory_space<hbm>> -> memref<26x64xf32, #tpu.memory_space<hbm>>
    %dma_start3A_595 = arith.constant 0 : i32
    %dma_start3A_596 = arith.constant 0 : i32
    %dma_start3A_597 = tpu.memref_slice %arg6[%dma_start3A_579, %dma_start3A_595, %dma_start3A_596] : memref<4x104x64xf32, #tpu.memory_space<vmem>> -> memref<1x104x64xf32, #tpu.memory_space<vmem>>
    %dma_start3A_598 = tpu.memref_squeeze %dma_start3A_597 : memref<1x104x64xf32, #tpu.memory_space<vmem>> -> memref<104x64xf32, #tpu.memory_space<vmem>>
    %dma_start3A_599 = arith.constant 78 : i32
    %dma_start3A_600 = arith.constant 0 : i32
    %dma_start3A_601 = tpu.memref_slice %dma_start3A_598[%dma_start3A_599, %dma_start3A_600] : memref<104x64xf32, #tpu.memory_space<vmem>> -> memref<26x64xf32, #tpu.memory_space<vmem>>
    tpu.enqueue_dma source(%dma_start3A_601 : memref<26x64xf32, #tpu.memory_space<vmem>>) target(%dma_start3A_594 : memref<26x64xf32, #tpu.memory_space<hbm>>) target_semaphore(%arg8 : memref<!tpu.dma_semaphore, #tpu.memory_space<semaphore_mem>>)
    %dma_wait3A_602 = arith.constant 2 : i32
    %dma_wait3A_603 = arith.constant 0 : i32
    %dma_wait3A_604 = arith.constant 0 : i32
    %dma_wait3A_605 = arith.constant 0 : i32
    %dma_wait3A_606 = tpu.memref_slice %arg6[%dma_wait3A_602, %dma_wait3A_604, %dma_wait3A_605] : memref<4x104x64xf32, #tpu.memory_space<vmem>> -> memref<1x104x64xf32, #tpu.memory_space<vmem>>
    %dma_wait3A_607 = tpu.memref_squeeze %dma_wait3A_606 : memref<1x104x64xf32, #tpu.memory_space<vmem>> -> memref<104x64xf32, #tpu.memory_space<vmem>>
    %dma_wait3A_608 = arith.constant 0 : i32
    %dma_wait3A_609 = arith.constant 0 : i32
    %dma_wait3A_610 = tpu.memref_slice %dma_wait3A_607[%dma_wait3A_608, %dma_wait3A_609] : memref<104x64xf32, #tpu.memory_space<vmem>> -> memref<26x64xf32, #tpu.memory_space<vmem>>
    %dma_wait3A_611 = arith.constant 0 : i32
    %dma_wait3A_612 = arith.constant 0 : i32
    %dma_wait3A_613 = tpu.memref_slice %arg4[%dma_wait3A_603, %dma_wait3A_611, %dma_wait3A_612] : memref<16384x32x128xf32, #tpu.memory_space<hbm>> -> memref<1x26x64xf32, #tpu.memory_space<hbm>>
    %dma_wait3A_614 = tpu.memref_squeeze %dma_wait3A_613 : memref<1x26x64xf32, #tpu.memory_space<hbm>> -> memref<26x64xf32, #tpu.memory_space<hbm>>
    %dma_wait3A_615 = arith.constant 0 : i32
    %dma_wait3A_616 = arith.constant 0 : i32
    %dma_wait3A_617 = tpu.memref_slice %arg4[%dma_wait3A_603, %dma_wait3A_615, %dma_wait3A_616] : memref<16384x32x128xf32, #tpu.memory_space<hbm>> -> memref<1x26x64xf32, #tpu.memory_space<hbm>>
    %dma_wait3A_618 = tpu.memref_squeeze %dma_wait3A_617 : memref<1x26x64xf32, #tpu.memory_space<hbm>> -> memref<26x64xf32, #tpu.memory_space<hbm>>
    %dma_wait3A_619 = arith.constant 0 : i32
    %dma_wait3A_620 = arith.constant 0 : i32
    %dma_wait3A_621 = tpu.memref_slice %arg6[%dma_wait3A_602, %dma_wait3A_619, %dma_wait3A_620] : memref<4x104x64xf32, #tpu.memory_space<vmem>> -> memref<1x104x64xf32, #tpu.memory_space<vmem>>
    %dma_wait3A_622 = tpu.memref_squeeze %dma_wait3A_621 : memref<1x104x64xf32, #tpu.memory_space<vmem>> -> memref<104x64xf32, #tpu.memory_space<vmem>>
    %dma_wait3A_623 = arith.constant 0 : i32
    %dma_wait3A_624 = arith.constant 0 : i32
    %dma_wait3A_625 = tpu.memref_slice %dma_wait3A_622[%dma_wait3A_623, %dma_wait3A_624] : memref<104x64xf32, #tpu.memory_space<vmem>> -> memref<26x64xf32, #tpu.memory_space<vmem>>
    tpu.wait_dma2 semaphore(%arg8 : memref<!tpu.dma_semaphore, #tpu.memory_space<semaphore_mem>>) src(%dma_wait3A_625 : memref<26x64xf32, #tpu.memory_space<vmem>>) dst(%dma_wait3A_618 : memref<26x64xf32, #tpu.memory_space<hbm>>)
    %dma_wait3A_626 = arith.constant 2 : i32
    %dma_wait3A_627 = arith.constant 0 : i32
    %dma_wait3A_628 = arith.constant 0 : i32
    %dma_wait3A_629 = arith.constant 0 : i32
    %dma_wait3A_630 = tpu.memref_slice %arg6[%dma_wait3A_626, %dma_wait3A_628, %dma_wait3A_629] : memref<4x104x64xf32, #tpu.memory_space<vmem>> -> memref<1x104x64xf32, #tpu.memory_space<vmem>>
    %dma_wait3A_631 = tpu.memref_squeeze %dma_wait3A_630 : memref<1x104x64xf32, #tpu.memory_space<vmem>> -> memref<104x64xf32, #tpu.memory_space<vmem>>
    %dma_wait3A_632 = arith.constant 26 : i32
    %dma_wait3A_633 = arith.constant 0 : i32
    %dma_wait3A_634 = tpu.memref_slice %dma_wait3A_631[%dma_wait3A_632, %dma_wait3A_633] : memref<104x64xf32, #tpu.memory_space<vmem>> -> memref<26x64xf32, #tpu.memory_space<vmem>>
    %dma_wait3A_635 = arith.constant 0 : i32
    %dma_wait3A_636 = arith.constant 0 : i32
    %dma_wait3A_637 = tpu.memref_slice %arg4[%dma_wait3A_627, %dma_wait3A_635, %dma_wait3A_636] : memref<16384x32x128xf32, #tpu.memory_space<hbm>> -> memref<1x26x64xf32, #tpu.memory_space<hbm>>
    %dma_wait3A_638 = tpu.memref_squeeze %dma_wait3A_637 : memref<1x26x64xf32, #tpu.memory_space<hbm>> -> memref<26x64xf32, #tpu.memory_space<hbm>>
    %dma_wait3A_639 = arith.constant 0 : i32
    %dma_wait3A_640 = arith.constant 0 : i32
    %dma_wait3A_641 = tpu.memref_slice %arg4[%dma_wait3A_627, %dma_wait3A_639, %dma_wait3A_640] : memref<16384x32x128xf32, #tpu.memory_space<hbm>> -> memref<1x26x64xf32, #tpu.memory_space<hbm>>
    %dma_wait3A_642 = tpu.memref_squeeze %dma_wait3A_641 : memref<1x26x64xf32, #tpu.memory_space<hbm>> -> memref<26x64xf32, #tpu.memory_space<hbm>>
    %dma_wait3A_643 = arith.constant 0 : i32
    %dma_wait3A_644 = arith.constant 0 : i32
    %dma_wait3A_645 = tpu.memref_slice %arg6[%dma_wait3A_626, %dma_wait3A_643, %dma_wait3A_644] : memref<4x104x64xf32, #tpu.memory_space<vmem>> -> memref<1x104x64xf32, #tpu.memory_space<vmem>>
    %dma_wait3A_646 = tpu.memref_squeeze %dma_wait3A_645 : memref<1x104x64xf32, #tpu.memory_space<vmem>> -> memref<104x64xf32, #tpu.memory_space<vmem>>
    %dma_wait3A_647 = arith.constant 26 : i32
    %dma_wait3A_648 = arith.constant 0 : i32
    %dma_wait3A_649 = tpu.memref_slice %dma_wait3A_646[%dma_wait3A_647, %dma_wait3A_648] : memref<104x64xf32, #tpu.memory_space<vmem>> -> memref<26x64xf32, #tpu.memory_space<vmem>>
    tpu.wait_dma2 semaphore(%arg8 : memref<!tpu.dma_semaphore, #tpu.memory_space<semaphore_mem>>) src(%dma_wait3A_649 : memref<26x64xf32, #tpu.memory_space<vmem>>) dst(%dma_wait3A_642 : memref<26x64xf32, #tpu.memory_space<hbm>>)
    %dma_wait3A_650 = arith.constant 2 : i32
    %dma_wait3A_651 = arith.constant 0 : i32
    %dma_wait3A_652 = arith.constant 0 : i32
    %dma_wait3A_653 = arith.constant 0 : i32
    %dma_wait3A_654 = tpu.memref_slice %arg6[%dma_wait3A_650, %dma_wait3A_652, %dma_wait3A_653] : memref<4x104x64xf32, #tpu.memory_space<vmem>> -> memref<1x104x64xf32, #tpu.memory_space<vmem>>
    %dma_wait3A_655 = tpu.memref_squeeze %dma_wait3A_654 : memref<1x104x64xf32, #tpu.memory_space<vmem>> -> memref<104x64xf32, #tpu.memory_space<vmem>>
    %dma_wait3A_656 = arith.constant 52 : i32
    %dma_wait3A_657 = arith.constant 0 : i32
    %dma_wait3A_658 = tpu.memref_slice %dma_wait3A_655[%dma_wait3A_656, %dma_wait3A_657] : memref<104x64xf32, #tpu.memory_space<vmem>> -> memref<26x64xf32, #tpu.memory_space<vmem>>
    %dma_wait3A_659 = arith.constant 0 : i32
    %dma_wait3A_660 = arith.constant 0 : i32
    %dma_wait3A_661 = tpu.memref_slice %arg4[%dma_wait3A_651, %dma_wait3A_659, %dma_wait3A_660] : memref<16384x32x128xf32, #tpu.memory_space<hbm>> -> memref<1x26x64xf32, #tpu.memory_space<hbm>>
    %dma_wait3A_662 = tpu.memref_squeeze %dma_wait3A_661 : memref<1x26x64xf32, #tpu.memory_space<hbm>> -> memref<26x64xf32, #tpu.memory_space<hbm>>
    %dma_wait3A_663 = arith.constant 0 : i32
    %dma_wait3A_664 = arith.constant 0 : i32
    %dma_wait3A_665 = tpu.memref_slice %arg4[%dma_wait3A_651, %dma_wait3A_663, %dma_wait3A_664] : memref<16384x32x128xf32, #tpu.memory_space<hbm>> -> memref<1x26x64xf32, #tpu.memory_space<hbm>>
    %dma_wait3A_666 = tpu.memref_squeeze %dma_wait3A_665 : memref<1x26x64xf32, #tpu.memory_space<hbm>> -> memref<26x64xf32, #tpu.memory_space<hbm>>
    %dma_wait3A_667 = arith.constant 0 : i32
    %dma_wait3A_668 = arith.constant 0 : i32
    %dma_wait3A_669 = tpu.memref_slice %arg6[%dma_wait3A_650, %dma_wait3A_667, %dma_wait3A_668] : memref<4x104x64xf32, #tpu.memory_space<vmem>> -> memref<1x104x64xf32, #tpu.memory_space<vmem>>
    %dma_wait3A_670 = tpu.memref_squeeze %dma_wait3A_669 : memref<1x104x64xf32, #tpu.memory_space<vmem>> -> memref<104x64xf32, #tpu.memory_space<vmem>>
    %dma_wait3A_671 = arith.constant 52 : i32
    %dma_wait3A_672 = arith.constant 0 : i32
    %dma_wait3A_673 = tpu.memref_slice %dma_wait3A_670[%dma_wait3A_671, %dma_wait3A_672] : memref<104x64xf32, #tpu.memory_space<vmem>> -> memref<26x64xf32, #tpu.memory_space<vmem>>
    tpu.wait_dma2 semaphore(%arg8 : memref<!tpu.dma_semaphore, #tpu.memory_space<semaphore_mem>>) src(%dma_wait3A_673 : memref<26x64xf32, #tpu.memory_space<vmem>>) dst(%dma_wait3A_666 : memref<26x64xf32, #tpu.memory_space<hbm>>)
    %dma_wait3A_674 = arith.constant 2 : i32
    %dma_wait3A_675 = arith.constant 0 : i32
    %dma_wait3A_676 = arith.constant 0 : i32
    %dma_wait3A_677 = arith.constant 0 : i32
    %dma_wait3A_678 = tpu.memref_slice %arg6[%dma_wait3A_674, %dma_wait3A_676, %dma_wait3A_677] : memref<4x104x64xf32, #tpu.memory_space<vmem>> -> memref<1x104x64xf32, #tpu.memory_space<vmem>>
    %dma_wait3A_679 = tpu.memref_squeeze %dma_wait3A_678 : memref<1x104x64xf32, #tpu.memory_space<vmem>> -> memref<104x64xf32, #tpu.memory_space<vmem>>
    %dma_wait3A_680 = arith.constant 78 : i32
    %dma_wait3A_681 = arith.constant 0 : i32
    %dma_wait3A_682 = tpu.memref_slice %dma_wait3A_679[%dma_wait3A_680, %dma_wait3A_681] : memref<104x64xf32, #tpu.memory_space<vmem>> -> memref<26x64xf32, #tpu.memory_space<vmem>>
    %dma_wait3A_683 = arith.constant 0 : i32
    %dma_wait3A_684 = arith.constant 0 : i32
    %dma_wait3A_685 = tpu.memref_slice %arg4[%dma_wait3A_675, %dma_wait3A_683, %dma_wait3A_684] : memref<16384x32x128xf32, #tpu.memory_space<hbm>> -> memref<1x26x64xf32, #tpu.memory_space<hbm>>
    %dma_wait3A_686 = tpu.memref_squeeze %dma_wait3A_685 : memref<1x26x64xf32, #tpu.memory_space<hbm>> -> memref<26x64xf32, #tpu.memory_space<hbm>>
    %dma_wait3A_687 = arith.constant 0 : i32
    %dma_wait3A_688 = arith.constant 0 : i32
    %dma_wait3A_689 = tpu.memref_slice %arg4[%dma_wait3A_675, %dma_wait3A_687, %dma_wait3A_688] : memref<16384x32x128xf32, #tpu.memory_space<hbm>> -> memref<1x26x64xf32, #tpu.memory_space<hbm>>
    %dma_wait3A_690 = tpu.memref_squeeze %dma_wait3A_689 : memref<1x26x64xf32, #tpu.memory_space<hbm>> -> memref<26x64xf32, #tpu.memory_space<hbm>>
    %dma_wait3A_691 = arith.constant 0 : i32
    %dma_wait3A_692 = arith.constant 0 : i32
    %dma_wait3A_693 = tpu.memref_slice %arg6[%dma_wait3A_674, %dma_wait3A_691, %dma_wait3A_692] : memref<4x104x64xf32, #tpu.memory_space<vmem>> -> memref<1x104x64xf32, #tpu.memory_space<vmem>>
    %dma_wait3A_694 = tpu.memref_squeeze %dma_wait3A_693 : memref<1x104x64xf32, #tpu.memory_space<vmem>> -> memref<104x64xf32, #tpu.memory_space<vmem>>
    %dma_wait3A_695 = arith.constant 78 : i32
    %dma_wait3A_696 = arith.constant 0 : i32
    %dma_wait3A_697 = tpu.memref_slice %dma_wait3A_694[%dma_wait3A_695, %dma_wait3A_696] : memref<104x64xf32, #tpu.memory_space<vmem>> -> memref<26x64xf32, #tpu.memory_space<vmem>>
    tpu.wait_dma2 semaphore(%arg8 : memref<!tpu.dma_semaphore, #tpu.memory_space<semaphore_mem>>) src(%dma_wait3A_697 : memref<26x64xf32, #tpu.memory_space<vmem>>) dst(%dma_wait3A_690 : memref<26x64xf32, #tpu.memory_space<hbm>>)
    %dma_wait3A_698 = arith.constant 3 : i32
    %dma_wait3A_699 = arith.constant 0 : i32
    %dma_wait3A_700 = arith.constant 0 : i32
    %dma_wait3A_701 = tpu.memref_slice %arg6[%dma_wait3A_698, %dma_wait3A_699, %dma_wait3A_700] : memref<4x104x64xf32, #tpu.memory_space<vmem>> -> memref<1x104x64xf32, #tpu.memory_space<vmem>>
    %dma_wait3A_702 = tpu.memref_squeeze %dma_wait3A_701 : memref<1x104x64xf32, #tpu.memory_space<vmem>> -> memref<104x64xf32, #tpu.memory_space<vmem>>
    %dma_wait3A_703 = arith.constant 0 : i32
    %dma_wait3A_704 = arith.constant 0 : i32
    %dma_wait3A_705 = tpu.memref_slice %arg3[%dma_wait3A_703, %dma_wait3A_704] : memref<2000000x64xf32, #tpu.memory_space<hbm>> -> memref<104x64xf32, #tpu.memory_space<hbm>>
    %dma_wait3A_706 = arith.constant 0 : i32
    %dma_wait3A_707 = arith.constant 0 : i32
    %dma_wait3A_708 = tpu.memref_slice %arg6[%dma_wait3A_698, %dma_wait3A_706, %dma_wait3A_707] : memref<4x104x64xf32, #tpu.memory_space<vmem>> -> memref<1x104x64xf32, #tpu.memory_space<vmem>>
    %dma_wait3A_709 = tpu.memref_squeeze %dma_wait3A_708 : memref<1x104x64xf32, #tpu.memory_space<vmem>> -> memref<104x64xf32, #tpu.memory_space<vmem>>
    %dma_wait3A_710 = arith.constant 0 : i32
    %dma_wait3A_711 = arith.constant 0 : i32
    %dma_wait3A_712 = tpu.memref_slice %arg3[%dma_wait3A_710, %dma_wait3A_711] : memref<2000000x64xf32, #tpu.memory_space<hbm>> -> memref<104x64xf32, #tpu.memory_space<hbm>>
    tpu.wait_dma2 semaphore(%arg7 : memref<!tpu.dma_semaphore, #tpu.memory_space<semaphore_mem>>) src(%dma_wait3A_712 : memref<104x64xf32, #tpu.memory_space<hbm>>) dst(%dma_wait3A_709 : memref<104x64xf32, #tpu.memory_space<vmem>>)
    %add3A_713 = arith.constant 127 : i32
    %add3A_714 = arith.addi %mul3A_2, %add3A_713 : i32
    %mul3A_715 = arith.constant 4 : i32
    %mul3A_716 = arith.muli %add3A_714, %mul3A_715 : i32
    %add3A_717 = arith.constant 0 : i32
    %add3A_718 = arith.addi %mul3A_716, %add3A_717 : i32
    %dma_start3A_719 = arith.constant 3 : i32
    %dma_start3A_720 = arith.constant 0 : i32
    %dma_start3A_721 = arith.constant 0 : i32
    %dma_start3A_722 = tpu.memref_slice %arg6[%dma_start3A_719, %dma_start3A_720, %dma_start3A_721] : memref<4x104x64xf32, #tpu.memory_space<vmem>> -> memref<1x104x64xf32, #tpu.memory_space<vmem>>
    %dma_start3A_723 = tpu.memref_squeeze %dma_start3A_722 : memref<1x104x64xf32, #tpu.memory_space<vmem>> -> memref<104x64xf32, #tpu.memory_space<vmem>>
    %dma_start3A_724 = arith.constant 0 : i32
    %dma_start3A_725 = arith.constant 0 : i32
    %dma_start3A_726 = tpu.memref_slice %dma_start3A_723[%dma_start3A_724, %dma_start3A_725] : memref<104x64xf32, #tpu.memory_space<vmem>> -> memref<26x64xf32, #tpu.memory_space<vmem>>
    %dma_start3A_727 = arith.constant 0 : i32
    %dma_start3A_728 = arith.constant 0 : i32
    %dma_start3A_729 = tpu.memref_slice %arg4[%add3A_718, %dma_start3A_727, %dma_start3A_728] : memref<16384x32x128xf32, #tpu.memory_space<hbm>> -> memref<1x26x64xf32, #tpu.memory_space<hbm>>
    %dma_start3A_730 = tpu.memref_squeeze %dma_start3A_729 : memref<1x26x64xf32, #tpu.memory_space<hbm>> -> memref<26x64xf32, #tpu.memory_space<hbm>>
    %dma_start3A_731 = arith.constant 0 : i32
    %dma_start3A_732 = arith.constant 0 : i32
    %dma_start3A_733 = tpu.memref_slice %arg4[%add3A_718, %dma_start3A_731, %dma_start3A_732] : memref<16384x32x128xf32, #tpu.memory_space<hbm>> -> memref<1x26x64xf32, #tpu.memory_space<hbm>>
    %dma_start3A_734 = tpu.memref_squeeze %dma_start3A_733 : memref<1x26x64xf32, #tpu.memory_space<hbm>> -> memref<26x64xf32, #tpu.memory_space<hbm>>
    %dma_start3A_735 = arith.constant 0 : i32
    %dma_start3A_736 = arith.constant 0 : i32
    %dma_start3A_737 = tpu.memref_slice %arg6[%dma_start3A_719, %dma_start3A_735, %dma_start3A_736] : memref<4x104x64xf32, #tpu.memory_space<vmem>> -> memref<1x104x64xf32, #tpu.memory_space<vmem>>
    %dma_start3A_738 = tpu.memref_squeeze %dma_start3A_737 : memref<1x104x64xf32, #tpu.memory_space<vmem>> -> memref<104x64xf32, #tpu.memory_space<vmem>>
    %dma_start3A_739 = arith.constant 0 : i32
    %dma_start3A_740 = arith.constant 0 : i32
    %dma_start3A_741 = tpu.memref_slice %dma_start3A_738[%dma_start3A_739, %dma_start3A_740] : memref<104x64xf32, #tpu.memory_space<vmem>> -> memref<26x64xf32, #tpu.memory_space<vmem>>
    tpu.enqueue_dma source(%dma_start3A_741 : memref<26x64xf32, #tpu.memory_space<vmem>>) target(%dma_start3A_734 : memref<26x64xf32, #tpu.memory_space<hbm>>) target_semaphore(%arg8 : memref<!tpu.dma_semaphore, #tpu.memory_space<semaphore_mem>>)
    %add3A_742 = arith.constant 1 : i32
    %add3A_743 = arith.addi %mul3A_716, %add3A_742 : i32
    %dma_start3A_744 = arith.constant 3 : i32
    %dma_start3A_745 = arith.constant 0 : i32
    %dma_start3A_746 = arith.constant 0 : i32
    %dma_start3A_747 = tpu.memref_slice %arg6[%dma_start3A_744, %dma_start3A_745, %dma_start3A_746] : memref<4x104x64xf32, #tpu.memory_space<vmem>> -> memref<1x104x64xf32, #tpu.memory_space<vmem>>
    %dma_start3A_748 = tpu.memref_squeeze %dma_start3A_747 : memref<1x104x64xf32, #tpu.memory_space<vmem>> -> memref<104x64xf32, #tpu.memory_space<vmem>>
    %dma_start3A_749 = arith.constant 26 : i32
    %dma_start3A_750 = arith.constant 0 : i32
    %dma_start3A_751 = tpu.memref_slice %dma_start3A_748[%dma_start3A_749, %dma_start3A_750] : memref<104x64xf32, #tpu.memory_space<vmem>> -> memref<26x64xf32, #tpu.memory_space<vmem>>
    %dma_start3A_752 = arith.constant 0 : i32
    %dma_start3A_753 = arith.constant 0 : i32
    %dma_start3A_754 = tpu.memref_slice %arg4[%add3A_743, %dma_start3A_752, %dma_start3A_753] : memref<16384x32x128xf32, #tpu.memory_space<hbm>> -> memref<1x26x64xf32, #tpu.memory_space<hbm>>
    %dma_start3A_755 = tpu.memref_squeeze %dma_start3A_754 : memref<1x26x64xf32, #tpu.memory_space<hbm>> -> memref<26x64xf32, #tpu.memory_space<hbm>>
    %dma_start3A_756 = arith.constant 0 : i32
    %dma_start3A_757 = arith.constant 0 : i32
    %dma_start3A_758 = tpu.memref_slice %arg4[%add3A_743, %dma_start3A_756, %dma_start3A_757] : memref<16384x32x128xf32, #tpu.memory_space<hbm>> -> memref<1x26x64xf32, #tpu.memory_space<hbm>>
    %dma_start3A_759 = tpu.memref_squeeze %dma_start3A_758 : memref<1x26x64xf32, #tpu.memory_space<hbm>> -> memref<26x64xf32, #tpu.memory_space<hbm>>
    %dma_start3A_760 = arith.constant 0 : i32
    %dma_start3A_761 = arith.constant 0 : i32
    %dma_start3A_762 = tpu.memref_slice %arg6[%dma_start3A_744, %dma_start3A_760, %dma_start3A_761] : memref<4x104x64xf32, #tpu.memory_space<vmem>> -> memref<1x104x64xf32, #tpu.memory_space<vmem>>
    %dma_start3A_763 = tpu.memref_squeeze %dma_start3A_762 : memref<1x104x64xf32, #tpu.memory_space<vmem>> -> memref<104x64xf32, #tpu.memory_space<vmem>>
    %dma_start3A_764 = arith.constant 26 : i32
    %dma_start3A_765 = arith.constant 0 : i32
    %dma_start3A_766 = tpu.memref_slice %dma_start3A_763[%dma_start3A_764, %dma_start3A_765] : memref<104x64xf32, #tpu.memory_space<vmem>> -> memref<26x64xf32, #tpu.memory_space<vmem>>
    tpu.enqueue_dma source(%dma_start3A_766 : memref<26x64xf32, #tpu.memory_space<vmem>>) target(%dma_start3A_759 : memref<26x64xf32, #tpu.memory_space<hbm>>) target_semaphore(%arg8 : memref<!tpu.dma_semaphore, #tpu.memory_space<semaphore_mem>>)
    %add3A_767 = arith.constant 2 : i32
    %add3A_768 = arith.addi %mul3A_716, %add3A_767 : i32
    %dma_start3A_769 = arith.constant 3 : i32
    %dma_start3A_770 = arith.constant 0 : i32
    %dma_start3A_771 = arith.constant 0 : i32
    %dma_start3A_772 = tpu.memref_slice %arg6[%dma_start3A_769, %dma_start3A_770, %dma_start3A_771] : memref<4x104x64xf32, #tpu.memory_space<vmem>> -> memref<1x104x64xf32, #tpu.memory_space<vmem>>
    %dma_start3A_773 = tpu.memref_squeeze %dma_start3A_772 : memref<1x104x64xf32, #tpu.memory_space<vmem>> -> memref<104x64xf32, #tpu.memory_space<vmem>>
    %dma_start3A_774 = arith.constant 52 : i32
    %dma_start3A_775 = arith.constant 0 : i32
    %dma_start3A_776 = tpu.memref_slice %dma_start3A_773[%dma_start3A_774, %dma_start3A_775] : memref<104x64xf32, #tpu.memory_space<vmem>> -> memref<26x64xf32, #tpu.memory_space<vmem>>
    %dma_start3A_777 = arith.constant 0 : i32
    %dma_start3A_778 = arith.constant 0 : i32
    %dma_start3A_779 = tpu.memref_slice %arg4[%add3A_768, %dma_start3A_777, %dma_start3A_778] : memref<16384x32x128xf32, #tpu.memory_space<hbm>> -> memref<1x26x64xf32, #tpu.memory_space<hbm>>
    %dma_start3A_780 = tpu.memref_squeeze %dma_start3A_779 : memref<1x26x64xf32, #tpu.memory_space<hbm>> -> memref<26x64xf32, #tpu.memory_space<hbm>>
    %dma_start3A_781 = arith.constant 0 : i32
    %dma_start3A_782 = arith.constant 0 : i32
    %dma_start3A_783 = tpu.memref_slice %arg4[%add3A_768, %dma_start3A_781, %dma_start3A_782] : memref<16384x32x128xf32, #tpu.memory_space<hbm>> -> memref<1x26x64xf32, #tpu.memory_space<hbm>>
    %dma_start3A_784 = tpu.memref_squeeze %dma_start3A_783 : memref<1x26x64xf32, #tpu.memory_space<hbm>> -> memref<26x64xf32, #tpu.memory_space<hbm>>
    %dma_start3A_785 = arith.constant 0 : i32
    %dma_start3A_786 = arith.constant 0 : i32
    %dma_start3A_787 = tpu.memref_slice %arg6[%dma_start3A_769, %dma_start3A_785, %dma_start3A_786] : memref<4x104x64xf32, #tpu.memory_space<vmem>> -> memref<1x104x64xf32, #tpu.memory_space<vmem>>
    %dma_start3A_788 = tpu.memref_squeeze %dma_start3A_787 : memref<1x104x64xf32, #tpu.memory_space<vmem>> -> memref<104x64xf32, #tpu.memory_space<vmem>>
    %dma_start3A_789 = arith.constant 52 : i32
    %dma_start3A_790 = arith.constant 0 : i32
    %dma_start3A_791 = tpu.memref_slice %dma_start3A_788[%dma_start3A_789, %dma_start3A_790] : memref<104x64xf32, #tpu.memory_space<vmem>> -> memref<26x64xf32, #tpu.memory_space<vmem>>
    tpu.enqueue_dma source(%dma_start3A_791 : memref<26x64xf32, #tpu.memory_space<vmem>>) target(%dma_start3A_784 : memref<26x64xf32, #tpu.memory_space<hbm>>) target_semaphore(%arg8 : memref<!tpu.dma_semaphore, #tpu.memory_space<semaphore_mem>>)
    %add3A_792 = arith.constant 3 : i32
    %add3A_793 = arith.addi %mul3A_716, %add3A_792 : i32
    %dma_start3A_794 = arith.constant 3 : i32
    %dma_start3A_795 = arith.constant 0 : i32
    %dma_start3A_796 = arith.constant 0 : i32
    %dma_start3A_797 = tpu.memref_slice %arg6[%dma_start3A_794, %dma_start3A_795, %dma_start3A_796] : memref<4x104x64xf32, #tpu.memory_space<vmem>> -> memref<1x104x64xf32, #tpu.memory_space<vmem>>
    %dma_start3A_798 = tpu.memref_squeeze %dma_start3A_797 : memref<1x104x64xf32, #tpu.memory_space<vmem>> -> memref<104x64xf32, #tpu.memory_space<vmem>>
    %dma_start3A_799 = arith.constant 78 : i32
    %dma_start3A_800 = arith.constant 0 : i32
    %dma_start3A_801 = tpu.memref_slice %dma_start3A_798[%dma_start3A_799, %dma_start3A_800] : memref<104x64xf32, #tpu.memory_space<vmem>> -> memref<26x64xf32, #tpu.memory_space<vmem>>
    %dma_start3A_802 = arith.constant 0 : i32
    %dma_start3A_803 = arith.constant 0 : i32
    %dma_start3A_804 = tpu.memref_slice %arg4[%add3A_793, %dma_start3A_802, %dma_start3A_803] : memref<16384x32x128xf32, #tpu.memory_space<hbm>> -> memref<1x26x64xf32, #tpu.memory_space<hbm>>
    %dma_start3A_805 = tpu.memref_squeeze %dma_start3A_804 : memref<1x26x64xf32, #tpu.memory_space<hbm>> -> memref<26x64xf32, #tpu.memory_space<hbm>>
    %dma_start3A_806 = arith.constant 0 : i32
    %dma_start3A_807 = arith.constant 0 : i32
    %dma_start3A_808 = tpu.memref_slice %arg4[%add3A_793, %dma_start3A_806, %dma_start3A_807] : memref<16384x32x128xf32, #tpu.memory_space<hbm>> -> memref<1x26x64xf32, #tpu.memory_space<hbm>>
    %dma_start3A_809 = tpu.memref_squeeze %dma_start3A_808 : memref<1x26x64xf32, #tpu.memory_space<hbm>> -> memref<26x64xf32, #tpu.memory_space<hbm>>
    %dma_start3A_810 = arith.constant 0 : i32
    %dma_start3A_811 = arith.constant 0 : i32
    %dma_start3A_812 = tpu.memref_slice %arg6[%dma_start3A_794, %dma_start3A_810, %dma_start3A_811] : memref<4x104x64xf32, #tpu.memory_space<vmem>> -> memref<1x104x64xf32, #tpu.memory_space<vmem>>
    %dma_start3A_813 = tpu.memref_squeeze %dma_start3A_812 : memref<1x104x64xf32, #tpu.memory_space<vmem>> -> memref<104x64xf32, #tpu.memory_space<vmem>>
    %dma_start3A_814 = arith.constant 78 : i32
    %dma_start3A_815 = arith.constant 0 : i32
    %dma_start3A_816 = tpu.memref_slice %dma_start3A_813[%dma_start3A_814, %dma_start3A_815] : memref<104x64xf32, #tpu.memory_space<vmem>> -> memref<26x64xf32, #tpu.memory_space<vmem>>
    tpu.enqueue_dma source(%dma_start3A_816 : memref<26x64xf32, #tpu.memory_space<vmem>>) target(%dma_start3A_809 : memref<26x64xf32, #tpu.memory_space<hbm>>) target_semaphore(%arg8 : memref<!tpu.dma_semaphore, #tpu.memory_space<semaphore_mem>>)
    %dma_wait3A_817 = arith.constant 3 : i32
    %dma_wait3A_818 = arith.constant 0 : i32
    %dma_wait3A_819 = arith.constant 0 : i32
    %dma_wait3A_820 = arith.constant 0 : i32
    %dma_wait3A_821 = tpu.memref_slice %arg6[%dma_wait3A_817, %dma_wait3A_819, %dma_wait3A_820] : memref<4x104x64xf32, #tpu.memory_space<vmem>> -> memref<1x104x64xf32, #tpu.memory_space<vmem>>
    %dma_wait3A_822 = tpu.memref_squeeze %dma_wait3A_821 : memref<1x104x64xf32, #tpu.memory_space<vmem>> -> memref<104x64xf32, #tpu.memory_space<vmem>>
    %dma_wait3A_823 = arith.constant 0 : i32
    %dma_wait3A_824 = arith.constant 0 : i32
    %dma_wait3A_825 = tpu.memref_slice %dma_wait3A_822[%dma_wait3A_823, %dma_wait3A_824] : memref<104x64xf32, #tpu.memory_space<vmem>> -> memref<26x64xf32, #tpu.memory_space<vmem>>
    %dma_wait3A_826 = arith.constant 0 : i32
    %dma_wait3A_827 = arith.constant 0 : i32
    %dma_wait3A_828 = tpu.memref_slice %arg4[%dma_wait3A_818, %dma_wait3A_826, %dma_wait3A_827] : memref<16384x32x128xf32, #tpu.memory_space<hbm>> -> memref<1x26x64xf32, #tpu.memory_space<hbm>>
    %dma_wait3A_829 = tpu.memref_squeeze %dma_wait3A_828 : memref<1x26x64xf32, #tpu.memory_space<hbm>> -> memref<26x64xf32, #tpu.memory_space<hbm>>
    %dma_wait3A_830 = arith.constant 0 : i32
    %dma_wait3A_831 = arith.constant 0 : i32
    %dma_wait3A_832 = tpu.memref_slice %arg4[%dma_wait3A_818, %dma_wait3A_830, %dma_wait3A_831] : memref<16384x32x128xf32, #tpu.memory_space<hbm>> -> memref<1x26x64xf32, #tpu.memory_space<hbm>>
    %dma_wait3A_833 = tpu.memref_squeeze %dma_wait3A_832 : memref<1x26x64xf32, #tpu.memory_space<hbm>> -> memref<26x64xf32, #tpu.memory_space<hbm>>
    %dma_wait3A_834 = arith.constant 0 : i32
    %dma_wait3A_835 = arith.constant 0 : i32
    %dma_wait3A_836 = tpu.memref_slice %arg6[%dma_wait3A_817, %dma_wait3A_834, %dma_wait3A_835] : memref<4x104x64xf32, #tpu.memory_space<vmem>> -> memref<1x104x64xf32, #tpu.memory_space<vmem>>
    %dma_wait3A_837 = tpu.memref_squeeze %dma_wait3A_836 : memref<1x104x64xf32, #tpu.memory_space<vmem>> -> memref<104x64xf32, #tpu.memory_space<vmem>>
    %dma_wait3A_838 = arith.constant 0 : i32
    %dma_wait3A_839 = arith.constant 0 : i32
    %dma_wait3A_840 = tpu.memref_slice %dma_wait3A_837[%dma_wait3A_838, %dma_wait3A_839] : memref<104x64xf32, #tpu.memory_space<vmem>> -> memref<26x64xf32, #tpu.memory_space<vmem>>
    tpu.wait_dma2 semaphore(%arg8 : memref<!tpu.dma_semaphore, #tpu.memory_space<semaphore_mem>>) src(%dma_wait3A_840 : memref<26x64xf32, #tpu.memory_space<vmem>>) dst(%dma_wait3A_833 : memref<26x64xf32, #tpu.memory_space<hbm>>)
    %dma_wait3A_841 = arith.constant 3 : i32
    %dma_wait3A_842 = arith.constant 0 : i32
    %dma_wait3A_843 = arith.constant 0 : i32
    %dma_wait3A_844 = arith.constant 0 : i32
    %dma_wait3A_845 = tpu.memref_slice %arg6[%dma_wait3A_841, %dma_wait3A_843, %dma_wait3A_844] : memref<4x104x64xf32, #tpu.memory_space<vmem>> -> memref<1x104x64xf32, #tpu.memory_space<vmem>>
    %dma_wait3A_846 = tpu.memref_squeeze %dma_wait3A_845 : memref<1x104x64xf32, #tpu.memory_space<vmem>> -> memref<104x64xf32, #tpu.memory_space<vmem>>
    %dma_wait3A_847 = arith.constant 26 : i32
    %dma_wait3A_848 = arith.constant 0 : i32
    %dma_wait3A_849 = tpu.memref_slice %dma_wait3A_846[%dma_wait3A_847, %dma_wait3A_848] : memref<104x64xf32, #tpu.memory_space<vmem>> -> memref<26x64xf32, #tpu.memory_space<vmem>>
    %dma_wait3A_850 = arith.constant 0 : i32
    %dma_wait3A_851 = arith.constant 0 : i32
    %dma_wait3A_852 = tpu.memref_slice %arg4[%dma_wait3A_842, %dma_wait3A_850, %dma_wait3A_851] : memref<16384x32x128xf32, #tpu.memory_space<hbm>> -> memref<1x26x64xf32, #tpu.memory_space<hbm>>
    %dma_wait3A_853 = tpu.memref_squeeze %dma_wait3A_852 : memref<1x26x64xf32, #tpu.memory_space<hbm>> -> memref<26x64xf32, #tpu.memory_space<hbm>>
    %dma_wait3A_854 = arith.constant 0 : i32
    %dma_wait3A_855 = arith.constant 0 : i32
    %dma_wait3A_856 = tpu.memref_slice %arg4[%dma_wait3A_842, %dma_wait3A_854, %dma_wait3A_855] : memref<16384x32x128xf32, #tpu.memory_space<hbm>> -> memref<1x26x64xf32, #tpu.memory_space<hbm>>
    %dma_wait3A_857 = tpu.memref_squeeze %dma_wait3A_856 : memref<1x26x64xf32, #tpu.memory_space<hbm>> -> memref<26x64xf32, #tpu.memory_space<hbm>>
    %dma_wait3A_858 = arith.constant 0 : i32
    %dma_wait3A_859 = arith.constant 0 : i32
    %dma_wait3A_860 = tpu.memref_slice %arg6[%dma_wait3A_841, %dma_wait3A_858, %dma_wait3A_859] : memref<4x104x64xf32, #tpu.memory_space<vmem>> -> memref<1x104x64xf32, #tpu.memory_space<vmem>>
    %dma_wait3A_861 = tpu.memref_squeeze %dma_wait3A_860 : memref<1x104x64xf32, #tpu.memory_space<vmem>> -> memref<104x64xf32, #tpu.memory_space<vmem>>
    %dma_wait3A_862 = arith.constant 26 : i32
    %dma_wait3A_863 = arith.constant 0 : i32
    %dma_wait3A_864 = tpu.memref_slice %dma_wait3A_861[%dma_wait3A_862, %dma_wait3A_863] : memref<104x64xf32, #tpu.memory_space<vmem>> -> memref<26x64xf32, #tpu.memory_space<vmem>>
    tpu.wait_dma2 semaphore(%arg8 : memref<!tpu.dma_semaphore, #tpu.memory_space<semaphore_mem>>) src(%dma_wait3A_864 : memref<26x64xf32, #tpu.memory_space<vmem>>) dst(%dma_wait3A_857 : memref<26x64xf32, #tpu.memory_space<hbm>>)
    %dma_wait3A_865 = arith.constant 3 : i32
    %dma_wait3A_866 = arith.constant 0 : i32
    %dma_wait3A_867 = arith.constant 0 : i32
    %dma_wait3A_868 = arith.constant 0 : i32
    %dma_wait3A_869 = tpu.memref_slice %arg6[%dma_wait3A_865, %dma_wait3A_867, %dma_wait3A_868] : memref<4x104x64xf32, #tpu.memory_space<vmem>> -> memref<1x104x64xf32, #tpu.memory_space<vmem>>
    %dma_wait3A_870 = tpu.memref_squeeze %dma_wait3A_869 : memref<1x104x64xf32, #tpu.memory_space<vmem>> -> memref<104x64xf32, #tpu.memory_space<vmem>>
    %dma_wait3A_871 = arith.constant 52 : i32
    %dma_wait3A_872 = arith.constant 0 : i32
    %dma_wait3A_873 = tpu.memref_slice %dma_wait3A_870[%dma_wait3A_871, %dma_wait3A_872] : memref<104x64xf32, #tpu.memory_space<vmem>> -> memref<26x64xf32, #tpu.memory_space<vmem>>
    %dma_wait3A_874 = arith.constant 0 : i32
    %dma_wait3A_875 = arith.constant 0 : i32
    %dma_wait3A_876 = tpu.memref_slice %arg4[%dma_wait3A_866, %dma_wait3A_874, %dma_wait3A_875] : memref<16384x32x128xf32, #tpu.memory_space<hbm>> -> memref<1x26x64xf32, #tpu.memory_space<hbm>>
    %dma_wait3A_877 = tpu.memref_squeeze %dma_wait3A_876 : memref<1x26x64xf32, #tpu.memory_space<hbm>> -> memref<26x64xf32, #tpu.memory_space<hbm>>
    %dma_wait3A_878 = arith.constant 0 : i32
    %dma_wait3A_879 = arith.constant 0 : i32
    %dma_wait3A_880 = tpu.memref_slice %arg4[%dma_wait3A_866, %dma_wait3A_878, %dma_wait3A_879] : memref<16384x32x128xf32, #tpu.memory_space<hbm>> -> memref<1x26x64xf32, #tpu.memory_space<hbm>>
    %dma_wait3A_881 = tpu.memref_squeeze %dma_wait3A_880 : memref<1x26x64xf32, #tpu.memory_space<hbm>> -> memref<26x64xf32, #tpu.memory_space<hbm>>
    %dma_wait3A_882 = arith.constant 0 : i32
    %dma_wait3A_883 = arith.constant 0 : i32
    %dma_wait3A_884 = tpu.memref_slice %arg6[%dma_wait3A_865, %dma_wait3A_882, %dma_wait3A_883] : memref<4x104x64xf32, #tpu.memory_space<vmem>> -> memref<1x104x64xf32, #tpu.memory_space<vmem>>
    %dma_wait3A_885 = tpu.memref_squeeze %dma_wait3A_884 : memref<1x104x64xf32, #tpu.memory_space<vmem>> -> memref<104x64xf32, #tpu.memory_space<vmem>>
    %dma_wait3A_886 = arith.constant 52 : i32
    %dma_wait3A_887 = arith.constant 0 : i32
    %dma_wait3A_888 = tpu.memref_slice %dma_wait3A_885[%dma_wait3A_886, %dma_wait3A_887] : memref<104x64xf32, #tpu.memory_space<vmem>> -> memref<26x64xf32, #tpu.memory_space<vmem>>
    tpu.wait_dma2 semaphore(%arg8 : memref<!tpu.dma_semaphore, #tpu.memory_space<semaphore_mem>>) src(%dma_wait3A_888 : memref<26x64xf32, #tpu.memory_space<vmem>>) dst(%dma_wait3A_881 : memref<26x64xf32, #tpu.memory_space<hbm>>)
    %dma_wait3A_889 = arith.constant 3 : i32
    %dma_wait3A_890 = arith.constant 0 : i32
    %dma_wait3A_891 = arith.constant 0 : i32
    %dma_wait3A_892 = arith.constant 0 : i32
    %dma_wait3A_893 = tpu.memref_slice %arg6[%dma_wait3A_889, %dma_wait3A_891, %dma_wait3A_892] : memref<4x104x64xf32, #tpu.memory_space<vmem>> -> memref<1x104x64xf32, #tpu.memory_space<vmem>>
    %dma_wait3A_894 = tpu.memref_squeeze %dma_wait3A_893 : memref<1x104x64xf32, #tpu.memory_space<vmem>> -> memref<104x64xf32, #tpu.memory_space<vmem>>
    %dma_wait3A_895 = arith.constant 78 : i32
    %dma_wait3A_896 = arith.constant 0 : i32
    %dma_wait3A_897 = tpu.memref_slice %dma_wait3A_894[%dma_wait3A_895, %dma_wait3A_896] : memref<104x64xf32, #tpu.memory_space<vmem>> -> memref<26x64xf32, #tpu.memory_space<vmem>>
    %dma_wait3A_898 = arith.constant 0 : i32
    %dma_wait3A_899 = arith.constant 0 : i32
    %dma_wait3A_900 = tpu.memref_slice %arg4[%dma_wait3A_890, %dma_wait3A_898, %dma_wait3A_899] : memref<16384x32x128xf32, #tpu.memory_space<hbm>> -> memref<1x26x64xf32, #tpu.memory_space<hbm>>
    %dma_wait3A_901 = tpu.memref_squeeze %dma_wait3A_900 : memref<1x26x64xf32, #tpu.memory_space<hbm>> -> memref<26x64xf32, #tpu.memory_space<hbm>>
    %dma_wait3A_902 = arith.constant 0 : i32
    %dma_wait3A_903 = arith.constant 0 : i32
    %dma_wait3A_904 = tpu.memref_slice %arg4[%dma_wait3A_890, %dma_wait3A_902, %dma_wait3A_903] : memref<16384x32x128xf32, #tpu.memory_space<hbm>> -> memref<1x26x64xf32, #tpu.memory_space<hbm>>
    %dma_wait3A_905 = tpu.memref_squeeze %dma_wait3A_904 : memref<1x26x64xf32, #tpu.memory_space<hbm>> -> memref<26x64xf32, #tpu.memory_space<hbm>>
    %dma_wait3A_906 = arith.constant 0 : i32
    %dma_wait3A_907 = arith.constant 0 : i32
    %dma_wait3A_908 = tpu.memref_slice %arg6[%dma_wait3A_889, %dma_wait3A_906, %dma_wait3A_907] : memref<4x104x64xf32, #tpu.memory_space<vmem>> -> memref<1x104x64xf32, #tpu.memory_space<vmem>>
    %dma_wait3A_909 = tpu.memref_squeeze %dma_wait3A_908 : memref<1x104x64xf32, #tpu.memory_space<vmem>> -> memref<104x64xf32, #tpu.memory_space<vmem>>
    %dma_wait3A_910 = arith.constant 78 : i32
    %dma_wait3A_911 = arith.constant 0 : i32
    %dma_wait3A_912 = tpu.memref_slice %dma_wait3A_909[%dma_wait3A_910, %dma_wait3A_911] : memref<104x64xf32, #tpu.memory_space<vmem>> -> memref<26x64xf32, #tpu.memory_space<vmem>>
    tpu.wait_dma2 semaphore(%arg8 : memref<!tpu.dma_semaphore, #tpu.memory_space<semaphore_mem>>) src(%dma_wait3A_912 : memref<26x64xf32, #tpu.memory_space<vmem>>) dst(%dma_wait3A_905 : memref<26x64xf32, #tpu.memory_space<hbm>>)
    return
  }
}

</mosaic_0001>

<sc_bundles>
// kernel: kernel.3.cloned.1.call-start
scs
__scs_entry_jumppad:
0x0: {  	(pc) =	sbr.rel $0x88, $3  }
0x1: {  	(tag) =	ssettag $0x0;
	lr =	simm.s32 $0x1  }
0x2: {  	[smem:$0x3F9F] =	sst lr;
	_ =	strace $0xD0000000  }
0x3: {  	_ = 	snop  }
0x4: {  	_ = 	snop  }
0x5: {  	_ = 	snop  }
0x6: {  	_ = 	snop  }
0x7: {  	_ = 	snop  }
__scs_overlays_trampoline_lowered:
0x8: {  	[smem:$0x3FAE] =	sst s0  }
0x9: {  	[smem:$0x3FAF] =	sst s1  }
0xa: {  	[smem:$0x3FB0] =	sst s2  }
0xb: {  	[smem:$0x3FB1] =	sst s3  }
0xc: {  	[smem:$0x3FB2] =	sst s4  }
0xd: {  	[smem:$0x3FB3] =	sst s5  }
0xe: {  	[smem:$0x3FB4] =	sst s6  }
0xf: {  	[smem:$0x3FB5] =	sst s7  }
0x10: {  	[smem:$0x3FB6] =	sst s8  }
0x11: {  	[smem:$0x3FB7] =	sst s9;
	s0 =	simm.s32 @!p0 $0x0  }
0x12: {  	s1 =	sld [smem:$0x3F9D];
	s0 =	simm.s32 @p0 $0x1  }
0x13: {  	[smem:$0x3FB8] =	sst s0;
	s0 =	simm.s32 @!p1 $0x0  }
0x14: {  	s2 =	sld [smem:$0x3F9C];
	s0 =	simm.s32 @p1 $0x1  }
0x15: {  	[smem:$0x3FB9] =	sst s0;
	s0 =	simm.s32 @!p2 $0x0  }
0x16: {  	s3 =	sld [smem:$0x3FDB];
	s0 =	simm.s32 @p2 $0x1  }
0x17: {  	s4 =	simm.s32 $0x1BF5;
	[smem:$0x3FBB] =	sst s0  }
0x18: {  	s0 =	sld [smem:$0x3F9E];
	_ =	swait.ge [sflag:s4], $0x0  }
0x19: {  	s7 =	sld [smem:$0x3F9F]  }
0x1a: {  	s8 =	sadd.s32 $0xFFFFE003, lr  }
0x1b: {  	s9 =	sadd.s32 $0xFFFFFEF7, lr;
	s5 =	simm.s32 $0xFFFFFFFF;
	p2 =	slt.u32 s8, $0xFFFFF086  }
0x1c: {  	p1 =	slt.u32 s9, $0xF7A;
	s5 =	simm.s32 @!p2 $0x0  }
0x1d: {  	s5 =	simm.s32 @p1 $0x1;
	p0 =	seq.s32 s7, s2  }
0x1e: {  	s7 =	smul.u32 @!p0 $0xF7A, s2;
	p2 =	seq.s32 @!p0 s5, $0x0  }
0x1f: {  	s9 =	smul.u32 $0xF7A, s1;
	s8 =	simm.s32 @!p0 $0x1BF5;
	p2 =	por !p2, p0  }
0x20: {  	[sflag:s8] =	ssyncset.s32 @!p0 $0xFFFFF086;
	s6 =	sadd.s32 @!p0 s3, s7;
	s7 =	simm.s32 @!p0 $0x108  }
0x21: {  	s3 =	sadd.s32 s3, s9;
	s6 =	sadd.s32 @!p0 $0x88, s6;
	s7 =	simm.s32 @p2 $0x1082  }
0x22: {  	[simem:s7], [sflag:s8] =	dma.local @!p0 [hbm:s6], $0xF7A  }
0x23: {  	s9 =	sor.u32 $0xD0000000, s2;
	s6 =	simm.s32 $0x108;
	_ =	swait.ge @!p0 [sflag:s8], $0x0  }
0x24: {  	s3 =	sadd.s32 $0x88, s3;
	s6 =	simm.s32 @!p1 $0x1082;
	[sflag:s4] =	ssyncset.s32 $0xFFFFF086  }
0x25: {  	[simem:s6], [sflag:s4] =	dma.local [hbm:s3], $0xF7A  }
0x26: {  	[smem:$0x3F9F] =	sst s1;
	(tag) =	ssettag s2;
	_ =	strace s9  }
0x27: {  	s1 =	sld [smem:$0x3FAF]  }
0x28: {  	s2 =	sld [smem:$0x3FB0]  }
0x29: {  	s4 =	sld [smem:$0x3FB2]  }
0x2a: {  	p0 =	seq.s32 s5, $0x0;
	s5 =	sld [smem:$0x3FB3]  }
0x2b: {  	s6 =	sld [smem:$0x3FB4]  }
0x2c: {  	s7 =	sld [smem:$0x3FB5]  }
0x2d: {  	s3 =	simm.s32 $0x108;
	s8 =	sld [smem:$0x3FB6]  }
0x2e: {  	s3 =	simm.s32 @!p0 $0x1082;
	s9 =	sld [smem:$0x3FB7]  }
0x2f: {  	lr =	sadd.s32 s0, s3;
	s0 =	sld [smem:$0x3FAE]  }
0x30: {  	s3 =	sld [smem:$0x3FB1]  }
0x31: {  	[smem:$0x3FBA] =	sst s10  }
0x32: {  	s10 =	sld [smem:$0x3FB8];
	_ =	sdelay $0x3  }
0x33: {  	p0 =	seq.s32 s10, $0x1;
	s10 =	sld [smem:$0x3FBA];
	_ =	sdelay $0x3  }
0x34: {  	[smem:$0x3FBA] =	sst s10  }
0x35: {  	s10 =	sld [smem:$0x3FB9];
	_ =	sdelay $0x3  }
0x36: {  	p1 =	seq.s32 s10, $0x1;
	s10 =	sld [smem:$0x3FBA];
	_ =	sdelay $0x3  }
0x37: {  	[smem:$0x3FBA] =	sst s10  }
0x38: {  	s10 =	sld [smem:$0x3FBB]  }
0x39: {  	_ = 	snop;
	(pc) =	sbr.ind lr, $3  }
0x3a: {  	_ = 	snop  }
0x3b: {  	_ = 	snop  }
0x3c: {  	p2 =	seq.s32 s10, $0x1;
	s10 =	sld [smem:$0x3FBA]  }
0x3d: {  	_ =	shalt  }
0x3e: {  	_ =	shalt  }
0x3f: {  	_ =	shalt  }
0x40: {  	_ =	shalt  }
0x41: {  	_ =	shalt  }
0x42: {  	_ =	shalt  }
0x43: {  	_ =	shalt  }
0x44: {  	_ =	shalt  }
0x45: {  	_ =	shalt  }
0x46: {  	_ =	shalt  }
0x47: {  	_ =	shalt  }
0x48: {  	_ =	shalt  }
0x49: {  	_ =	shalt  }
0x4a: {  	_ =	shalt  }
0x4b: {  	_ =	shalt  }
0x4c: {  	_ =	shalt  }
0x4d: {  	_ =	shalt  }
0x4e: {  	_ =	shalt  }
0x4f: {  	_ =	shalt  }
0x50: {  	_ =	shalt  }
0x51: {  	_ =	shalt  }
0x52: {  	_ =	shalt  }
0x53: {  	_ =	shalt  }
0x54: {  	_ =	shalt  }
0x55: {  	_ =	shalt  }
0x56: {  	_ =	shalt  }
0x57: {  	_ =	shalt  }
0x58: {  	_ =	shalt  }
0x59: {  	_ =	shalt  }
0x5a: {  	_ =	shalt  }
0x5b: {  	_ =	shalt  }
0x5c: {  	_ =	shalt  }
0x5d: {  	_ =	shalt  }
0x5e: {  	_ =	shalt  }
0x5f: {  	_ =	shalt  }
0x60: {  	_ =	shalt  }
0x61: {  	_ =	shalt  }
0x62: {  	_ =	shalt  }
0x63: {  	_ =	shalt  }
0x64: {  	_ =	shalt  }
0x65: {  	_ =	shalt  }
0x66: {  	_ =	shalt  }
0x67: {  	_ =	shalt  }
0x68: {  	_ =	shalt  }
0x69: {  	_ =	shalt  }
0x6a: {  	_ =	shalt  }
0x6b: {  	_ =	shalt  }
0x6c: {  	_ =	shalt  }
0x6d: {  	_ =	shalt  }
0x6e: {  	_ =	shalt  }
0x6f: {  	_ =	shalt  }
0x70: {  	_ =	shalt  }
0x71: {  	_ =	shalt  }
0x72: {  	_ =	shalt  }
0x73: {  	_ =	shalt  }
0x74: {  	_ =	shalt  }
0x75: {  	_ =	shalt  }
0x76: {  	_ =	shalt  }
0x77: {  	_ =	shalt  }
0x78: {  	_ =	shalt  }
0x79: {  	_ =	shalt  }
0x7a: {  	_ =	shalt  }
0x7b: {  	_ =	shalt  }
0x7c: {  	_ =	shalt  }
0x7d: {  	_ =	shalt  }
0x7e: {  	_ =	shalt  }
0x7f: {  	_ =	shalt  }
0x80: {  	_ =	shalt  }
0x81: {  	_ =	shalt  }
0x82: {  	_ =	shalt  }
0x83: {  	_ =	shalt  }
0x84: {  	_ =	shalt  }
0x85: {  	_ =	shalt  }
0x86: {  	_ =	shalt  }
0x87: {  	_ =	shalt  }
.Lfunc_end0:
.L_simem_size_0:
called_computation.2_lowered:
.L_overlay_start_0:
0x88: {  	s2 =	sld [smem:$0x3FD9]  }
0x89: {  	s3 =	sld [smem:$0x3FFE];
	_ =	sdelay $0x1  }
0x8a: {  	s1 =	srdreg.scid  }
0x8b: {  	s0 =	sand.u32 $0x1, s1  }
0x8c: {  	s17 =	sshll.u32 s0, $0xA;
	s2 =	sadd.s32 s3, s2  }
0x8d: {  	s2 =	sadd.s32 s2, s17  }
0x8e: {  	[smem:$0x3FC6] =	sst s2  }
0x8f: {  	_ = 	snop  }
0x90: {  	s2 =	sld [smem:$0x3FD0];
	(tm) =	ssettm $0x1  }
0x91: {  	s18 =	sld [smem:$0x3FFB];
	_ =	sdelay $0x3  }
0x92: {  	_ =	strace s18  }
0x93: {  	s3 =	sld [smem:$0x3FFC];
	_ =	sdelay $0x3  }
0x94: {  	_ =	strace s3  }
0x95: {  	s3 =	sld [smem:$0x3FFD];
	_ =	sdelay $0x3  }
0x96: {  	_ =	strace s3  }
0x97: {  	_ =	strace $0x8FFFFFFF  }
0x98: {  	s19 =	sld [smem:$0x3FDB];
	_ =	sdelay $0x1  }
0x99: {  	s4 =	simm.s32 $_scs_section_size  }
0x9a: {  	s5 =	simm.s32 $_size__tile_overlayer_lowered;
	s6 =	simm.s32 $_tile_overlayer_lowered  }
0x9b: {  	s22 =	simm.s32 $0x1BFF;
	s21 =	sshll.u32 s6, $0x1;
	s3 =	sadd.s32 s4, s19  }
0x9c: {  	s7 =	simm.s32 $0x0;
	s20 =	sshll.u32 s5, $0x1;
	s5 =	sadd.s32 s21, s3  }
0x9d: {  	[timem:s7], [sflag:s22] =	dma.local [hbm:s5], s20  }
0x9e: {  	_ =	swait.ge [sflag:s22], s20  }
0x9f: {  	s4 =	ssub.s32 $0x0, s20;
	[sflag:s22] =	ssyncset.done $0x0  }
0xa0: {  	[sflag:s22] =	ssyncadd.s32 s4;
	_ =	sdelay $0x1  }
0xa1: {  	s23 =	simm.s32 $0x1B8B  }
0xa2: {  	_ =	swait.ge [sflag:s23], $0x1  }
0xa3: {  	[sflag:s23] =	ssyncset.done $0x0  }
0xa4: {  	s25 =	simm.s32 $0x1B8E;
	s24 =	sld [smem:$0x3FFE];
	[sflag:s23] =	ssyncadd.s32 $0xFFFFFFFF  }
0xa5: {  	s26 =	simm.s32 $execute0_lowered;
	[smem:$0x3FD2] =	sst s25  }
0xa6: {  	s5 =	sshll.u32 s26, $0x1;
	_ =	strace $0x80000049;
	[dreg:$0x1] =	wrdreg $0xFFFFFFFF  }
0xa7: {  	s28 =	simm.s32 $_size_execute0_lowered;
	s3 =	sadd.s32 s3, s5;
	[dreg:$0x0] =	wrdreg $0x0  }
0xa8: {  	s5 =	sshll.u32 s28, $0x1;
	[dreg:$0x2] =	wrdreg s3  }
0xa9: {  	[dreg:$0x3] =	wrdreg s5  }
0xaa: {  	[dreg:$0x4] =	wrdreg $0xC0  }
0xab: {  	_ =	task [dreg:s7], $0x5FFFF  }
0xac: {  	[dreg:$0x1] =	wrdreg $0xFFFFFFFF  }
0xad: {  	[dreg:$0x0] =	wrdreg $0x60  }
0xae: {  	[dreg:$0x2] =	wrdreg s2  }
0xaf: {  	[dreg:$0x3] =	wrdreg s24  }
0xb0: {  	[dreg:$0x4] =	wrdreg $0x9  }
0xb1: {  	_ =	task.clear_ibuf [dreg:s7], $0x5FFFF;
	_ =	strace $0x90000049  }
0xb2: {  	s29 =	simm.s32 $0x9;
	_ =	strace $0x8000004B  }
0xb3: {  	_ =	swait.ge [sflag:s29], $0x1  }
0xb4: {  	[sflag:s29] =	ssyncadd.s32 $0xFFFFFFFF  }
0xb5: {  	_ =	strace $0x9000004B  }
0xb6: {  	_ =	sfence  }
0xb7: {  	s30 =	sld [smem:$0x0];
	_ =	sdelay $0x2  }
0xb8: {  	s31 =	sshll.u32 s1, $0xD;
	s1 =	sshrl.u32 s1, $0x2  }
0xb9: {  	s3 =	sand.u32 $0x4000, s31;
	s1 =	sadd.s32 s1, s30  }
0xba: {  	s0 =	sor.u32 s3, s0;
	s1 =	sshll.u32 s1, $0x11  }
0xbb: {  	s0 =	sor.u32 s1, s0  }
0xbc: {  	s0 =	sadd.s32 $0x8F2B, s0  }
0xbd: {  	[sflag:s0] =	ssyncadd.remote.s32 $0x1  }
0xbe: {  	_ =	sfence.sel $0xFFFF  }
0xbf: {  	[dreg:$0x0] =	wrdreg $0xFFFFFFFF;
	(pc) =	sbr.abs _section_cstart, $3  }
0xc0: {  	[dreg:$0x1] =	wrdreg $0xFFFFFFFF  }
0xc1: {  	_ =	task.clear_ibuf [dreg:s7], $0x2FFFF;
	_ =	strace $0x9FFFFFFF  }
0xc2: {  	(tm) =	ssettm $0x7FFFFFFF  }
0xc3: {  	_ =	shalt  }
tec
execute0_lowered:
.L_overlay_start_1:
0x0: {  	(tag) =	ssettag $0x1  }
0x1: {  	s2 =	srdreg.scid  }
0x2: {  	s3 =	stileid.u32;
	s2 =	sand.u32 $0x1, s2  }
0x3: {  	s0 =	rddreg [dreg:$0x0];
	s3 =	sshll.u32 s3, $0x8;
	s4 =	sshll.u32 s2, $0x7  }
0x4: {  	s1 =	rddreg [dreg:$0x1];
	s2 =	ssub.s32 $0x2, s2;
	s10 =	sor.u32 s4, s3  }
0x5: {  	s5 =	simm.s32 $0x0;
	s6 =	sshrl.u32 s2, $0x1;
	s7 =	smul.u32 $0xD, s10  }
0x6: {  	[smem:$0x7FF] =	sst s5;
	s4 =	sadd.s32 $0xE00, s1;
	s2 =	ssub.s32 s2, s6  }
0x7: {  	s28 =	smax.u32 s2, $0x1;
	s0 =	sadd.s32 s0, s7;
	s7 =	sshll.u32 s10, $0xB  }
0x8: {  	_ =	strace $0x8000004A;
	[dreg:$0x14] =	wrdreg s28;
	s11 =	sadd.s32 s7, s4  }
0x9: {  	[dreg:$0x3] =	wrdreg s0;
	s12 =	sadd.s32 $0x3E000, s11  }
0xa: {  	s13 =	sadd.s32 $0x3E200, s11;
	[dreg:$0x4] =	wrdreg s12  }
0xb: {  	s14 =	sadd.s32 $0x3E400, s11;
	[dreg:$0x5] =	wrdreg s13  }
0xc: {  	s15 =	sadd.s32 $0x3E600, s11;
	[dreg:$0x6] =	wrdreg s14  }
0xd: {  	s16 =	sadd.s32 $0x3E800, s11;
	[dreg:$0x7] =	wrdreg s15  }
0xe: {  	s17 =	sadd.s32 $0x3EA00, s11;
	[dreg:$0x8] =	wrdreg s16  }
0xf: {  	s29 =	simm.s32 $0x68;
	s18 =	sadd.s32 $0x3EC00, s11;
	[dreg:$0x9] =	wrdreg s17  }
0x10: {  	s30 =	simm.s32 $0x3400;
	s19 =	sadd.s32 $0x3EE00, s11;
	[dreg:$0xa] =	wrdreg s18  }
0x11: {  	s31 =	simm.s32 $0x4E00;
	s20 =	sadd.s32 $0x3F000, s11;
	[dreg:$0xb] =	wrdreg s19  }
0x12: {  	s8 =	sadd.s32 $0x1200, s1;
	s21 =	sadd.s32 $0x3F200, s11;
	[dreg:$0xc] =	wrdreg s20  }
0x13: {  	s9 =	sadd.s32 $0x1400, s1;
	s22 =	sadd.s32 $0x3F400, s11;
	[dreg:$0xd] =	wrdreg s21  }
0x14: {  	s5 =	simm.s32 $0x1;
	s23 =	sadd.s32 $0x3F600, s11;
	[dreg:$0xe] =	wrdreg s22  }
0x15: {  	s3 =	sadd.s32 $0xF43200, s1;
	s24 =	sadd.s32 $0x3F800, s11;
	[dreg:$0xf] =	wrdreg s23  }
0x16: {  	s6 =	sadd.s32 $0x1000, s1;
	s25 =	sadd.s32 $0x3FA00, s11;
	[dreg:$0x10] =	wrdreg s24  }
0x17: {  	s1 =	simm.s32 $0x6800;
	s26 =	sadd.s32 $0x3FC00, s11;
	[dreg:$0x11] =	wrdreg s25  }
0x18: {  	s10 =	simm.s32 $0x40;
	s0 =	sadd.s32 $0x3FE00, s11;
	[dreg:$0x12] =	wrdreg s26  }
0x19: {  	s11 =	simm.s32 $0x80;
	[dreg:$0x13] =	wrdreg s0;
	s0 =	simm.s32 $0x8200  }
0x1a: {  	s15 =	simm.s32 $0x2;
	s18 =	simm.s32 $0x6180;
	s19 =	simm.s32 $0x6E80  }
0x1b: {  	s20 =	simm.s32 $0x7500;
	s21 =	simm.s32 $0x7B80;
	s22 =	simm.s32 $0x8880  }
0x1c: {  	s23 =	simm.s32 $0x8F00;
	s24 =	simm.s32 $0x9580;
	s12 =	simm.s32 $0x0  }
.LBB2_1:
0x1d: {  	[dreg:$0x15] =	wrdreg s12  }
0x1e: {  	s2 =	simm.s32 $0x0;
	s16 =	rddreg [dreg:$0x3];
	s17 =	simm.s32 $0x3  }
0x1f: {  	[tilespmem:s2], [sflag:$0x3] =	stream.linear.gather [hbm4b:s16+s2], $0x3400, $0x38;
	[tilespmem:$0x9C00] =	vst v63  }
0x20: {  	_ =	swait.ge [sflag:s17], $0x3400  }
0x21: {  	[sflag:s17] =	ssyncset.done $0x0  }
0x22: {  	[sflag:s17] =	ssyncadd.s32 $0xFFFFCC00  }
0x23: {  	[tilespmem:s30], [sflag:$0x1] =	stream.indirect.gather [hbm4b:s3+s29], $0x40, s2, s29, $0xb8;
	[tilespmem:$0x9C00] =	vst v63  }
0x24: {  	_ = 	snop  }
0x25: {  	[tilespmem:s31], [sflag:$0x1] =	stream.indirect.gather [hbm4b:s3+s29], $0x40, s29, s29, $0xb8;
	[tilespmem:$0x9C00] =	vst v63  }
0x26: {  	s25 =	simm.s32 $0xD0  }
0x27: {  	[tilespmem:s1], [sflag:$0x1] =	stream.indirect.gather [hbm4b:s3+s29], $0x40, s25, s29, $0xb8;
	[tilespmem:$0x9C00] =	vst v63  }
0x28: {  	s26 =	simm.s32 $0x138  }
0x29: {  	[tilespmem:s0], [sflag:$0x1] =	stream.indirect.gather [hbm4b:s3+s29], $0x40, s26, s29, $0xb8;
	[tilespmem:$0x9C00] =	vst v63  }
0x2a: {  	_ =	swait.ge [sflag:s5], $0x1A00  }
0x2b: {  	s2 =	sor.u32 s7, s2;
	[sflag:s5] =	ssyncset.done $0x0  }
0x2c: {  	s13 =	sadd.s32 s4, s2;
	[sflag:s5] =	ssyncadd.s32 $0xFFFFE600  }
0x2d: {  	[hbm4b:s13+s10] =	stream.strided.scatter [tilespmem:s30], [sflag:$0x2], $0x680, s11, s10, $0x38;
	[tilespmem:$0x9C00] =	vst v63  }
0x2e: {  	s14 =	sadd.s32 s2, s6;
	s13 =	simm.s32 $0x3A80  }
0x2f: {  	[hbm4b:s14+s10] =	stream.strided.scatter [tilespmem:s13], [sflag:$0x2], $0x680, s11, s10, $0x38;
	[tilespmem:$0x9C00] =	vst v63  }
0x30: {  	s17 =	simm.s32 $0x4100;
	s16 =	sadd.s32 s2, s8  }
0x31: {  	[hbm4b:s16+s10] =	stream.strided.scatter [tilespmem:s17], [sflag:$0x2], $0x680, s11, s10, $0x38;
	[tilespmem:$0x9C00] =	vst v63  }
0x32: {  	s25 =	sadd.s32 s2, s9;
	s26 =	simm.s32 $0x4780  }
0x33: {  	[hbm4b:s25+s10] =	stream.strided.scatter [tilespmem:s26], [sflag:$0x2], $0x680, s11, s10, $0x38;
	[tilespmem:$0x9C00] =	vst v63  }
0x34: {  	_ =	swait.ge [sflag:s15], $0x680  }
0x35: {  	[sflag:s15] =	ssyncset.done $0x0  }
0x36: {  	[sflag:s15] =	ssyncadd.s32 $0xFFFFF980  }
0x37: {  	_ =	swait.ge [sflag:s15], $0x680  }
0x38: {  	[sflag:s15] =	ssyncset.done $0x0  }
0x39: {  	[sflag:s15] =	ssyncadd.s32 $0xFFFFF980  }
0x3a: {  	_ =	swait.ge [sflag:s15], $0x680  }
0x3b: {  	[sflag:s15] =	ssyncset.done $0x0  }
0x3c: {  	[sflag:s15] =	ssyncadd.s32 $0xFFFFF980  }
0x3d: {  	_ =	swait.ge [sflag:s15], $0x680  }
0x3e: {  	[sflag:s15] =	ssyncset.done $0x0  }
0x3f: {  	s14 =	simm.s32 $0x1A0;
	[sflag:s15] =	ssyncadd.s32 $0xFFFFF980  }
0x40: {  	[tilespmem:s30], [sflag:$0x1] =	stream.indirect.gather [hbm4b:s3+s29], $0x40, s14, s29, $0xb8;
	[tilespmem:$0x9C00] =	vst v63  }
0x41: {  	_ =	swait.ge [sflag:s5], $0x1A00  }
0x42: {  	s16 =	sor.u32 $0x800, s2;
	[sflag:s5] =	ssyncset.done $0x0  }
0x43: {  	s25 =	sadd.s32 s4, s16;
	[sflag:s5] =	ssyncadd.s32 $0xFFFFE600  }
0x44: {  	[hbm4b:s25+s10] =	stream.strided.scatter [tilespmem:s31], [sflag:$0x2], $0x680, s11, s10, $0x38;
	[tilespmem:$0x9C00] =	vst v63  }
0x45: {  	s17 =	sadd.s32 s16, s6;
	s26 =	simm.s32 $0x5480  }
0x46: {  	[hbm4b:s17+s10] =	stream.strided.scatter [tilespmem:s26], [sflag:$0x2], $0x680, s11, s10, $0x38;
	[tilespmem:$0x9C00] =	vst v63  }
0x47: {  	s13 =	sadd.s32 s16, s8;
	s14 =	simm.s32 $0x5B00  }
0x48: {  	[hbm4b:s13+s10] =	stream.strided.scatter [tilespmem:s14], [sflag:$0x2], $0x680, s11, s10, $0x38;
	[tilespmem:$0x9C00] =	vst v63  }
0x49: {  	s12 =	sadd.s32 s16, s9  }
0x4a: {  	[hbm4b:s12+s10] =	stream.strided.scatter [tilespmem:s18], [sflag:$0x2], $0x680, s11, s10, $0x38;
	[tilespmem:$0x9C00] =	vst v63  }
0x4b: {  	_ =	swait.ge [sflag:s15], $0x680  }
0x4c: {  	[sflag:s15] =	ssyncset.done $0x0  }
0x4d: {  	[sflag:s15] =	ssyncadd.s32 $0xFFFFF980  }
0x4e: {  	_ =	swait.ge [sflag:s15], $0x680  }
0x4f: {  	[sflag:s15] =	ssyncset.done $0x0  }
0x50: {  	[sflag:s15] =	ssyncadd.s32 $0xFFFFF980  }
0x51: {  	_ =	swait.ge [sflag:s15], $0x680  }
0x52: {  	[sflag:s15] =	ssyncset.done $0x0  }
0x53: {  	[sflag:s15] =	ssyncadd.s32 $0xFFFFF980  }
0x54: {  	_ =	swait.ge [sflag:s15], $0x680  }
0x55: {  	[sflag:s15] =	ssyncset.done $0x0  }
0x56: {  	s16 =	simm.s32 $0x208;
	[sflag:s15] =	ssyncadd.s32 $0xFFFFF980  }
0x57: {  	[tilespmem:s31], [sflag:$0x1] =	stream.indirect.gather [hbm4b:s3+s29], $0x40, s16, s29, $0xb8;
	[tilespmem:$0x9C00] =	vst v63  }
0x58: {  	_ =	swait.ge [sflag:s5], $0x1A00  }
0x59: {  	s17 =	sor.u32 $0x1000, s2;
	[sflag:s5] =	ssyncset.done $0x0  }
0x5a: {  	s26 =	sadd.s32 s4, s17;
	[sflag:s5] =	ssyncadd.s32 $0xFFFFE600  }
0x5b: {  	[hbm4b:s26+s10] =	stream.strided.scatter [tilespmem:s1], [sflag:$0x2], $0x680, s11, s10, $0x38;
	[tilespmem:$0x9C00] =	vst v63  }
0x5c: {  	s13 =	sadd.s32 s17, s6  }
0x5d: {  	[hbm4b:s13+s10] =	stream.strided.scatter [tilespmem:s19], [sflag:$0x2], $0x680, s11, s10, $0x38;
	[tilespmem:$0x9C00] =	vst v63  }
0x5e: {  	s14 =	sadd.s32 s17, s8  }
0x5f: {  	[hbm4b:s14+s10] =	stream.strided.scatter [tilespmem:s20], [sflag:$0x2], $0x680, s11, s10, $0x38;
	[tilespmem:$0x9C00] =	vst v63  }
0x60: {  	s12 =	sadd.s32 s17, s9  }
0x61: {  	[hbm4b:s12+s10] =	stream.strided.scatter [tilespmem:s21], [sflag:$0x2], $0x680, s11, s10, $0x38;
	[tilespmem:$0x9C00] =	vst v63  }
0x62: {  	_ =	swait.ge [sflag:s15], $0x680  }
0x63: {  	[sflag:s15] =	ssyncset.done $0x0  }
0x64: {  	[sflag:s15] =	ssyncadd.s32 $0xFFFFF980  }
0x65: {  	_ =	swait.ge [sflag:s15], $0x680  }
0x66: {  	[sflag:s15] =	ssyncset.done $0x0  }
0x67: {  	[sflag:s15] =	ssyncadd.s32 $0xFFFFF980  }
0x68: {  	_ =	swait.ge [sflag:s15], $0x680  }
0x69: {  	[sflag:s15] =	ssyncset.done $0x0  }
0x6a: {  	[sflag:s15] =	ssyncadd.s32 $0xFFFFF980  }
0x6b: {  	_ =	swait.ge [sflag:s15], $0x680  }
0x6c: {  	[sflag:s15] =	ssyncset.done $0x0  }
0x6d: {  	s16 =	simm.s32 $0x270;
	[sflag:s15] =	ssyncadd.s32 $0xFFFFF980  }
0x6e: {  	[tilespmem:s1], [sflag:$0x1] =	stream.indirect.gather [hbm4b:s3+s29], $0x40, s16, s29, $0xb8;
	[tilespmem:$0x9C00] =	vst v63  }
0x6f: {  	_ =	swait.ge [sflag:s5], $0x1A00  }
0x70: {  	s2 =	sor.u32 $0x1800, s2;
	[sflag:s5] =	ssyncset.done $0x0  }
0x71: {  	s17 =	sadd.s32 s4, s2;
	[sflag:s5] =	ssyncadd.s32 $0xFFFFE600  }
0x72: {  	[hbm4b:s17+s10] =	stream.strided.scatter [tilespmem:s0], [sflag:$0x2], $0x680, s11, s10, $0x38;
	[tilespmem:$0x9C00] =	vst v63  }
0x73: {  	s25 =	sadd.s32 s2, s6  }
0x74: {  	[hbm4b:s25+s10] =	stream.strided.scatter [tilespmem:s22], [sflag:$0x2], $0x680, s11, s10, $0x38;
	[tilespmem:$0x9C00] =	vst v63  }
0x75: {  	s26 =	sadd.s32 s2, s8  }
0x76: {  	[hbm4b:s26+s10] =	stream.strided.scatter [tilespmem:s23], [sflag:$0x2], $0x680, s11, s10, $0x38;
	[tilespmem:$0x9C00] =	vst v63  }
0x77: {  	s2 =	sadd.s32 s2, s9  }
0x78: {  	[hbm4b:s2+s10] =	stream.strided.scatter [tilespmem:s24], [sflag:$0x2], $0x680, s11, s10, $0x38;
	[tilespmem:$0x9C00] =	vst v63  }
0x79: {  	_ =	swait.ge [sflag:s15], $0x680  }
0x7a: {  	[sflag:s15] =	ssyncset.done $0x0  }
0x7b: {  	[sflag:s15] =	ssyncadd.s32 $0xFFFFF980  }
0x7c: {  	_ =	swait.ge [sflag:s15], $0x680  }
0x7d: {  	[sflag:s15] =	ssyncset.done $0x0  }
0x7e: {  	[sflag:s15] =	ssyncadd.s32 $0xFFFFF980  }
0x7f: {  	_ =	swait.ge [sflag:s15], $0x680  }
0x80: {  	[sflag:s15] =	ssyncset.done $0x0  }
0x81: {  	[sflag:s15] =	ssyncadd.s32 $0xFFFFF980  }
0x82: {  	_ =	swait.ge [sflag:s15], $0x680  }
0x83: {  	s28 =	simm.s32 $0x478;
	[sflag:s15] =	ssyncset.done $0x0  }
0x84: {  	s26 =	simm.s32 $0x2D8;
	s2 =	simm.s32 $0x2000;
	[sflag:s15] =	ssyncadd.s32 $0xFFFFF980  }
.LBB2_2:
0x85: {  	[tilespmem:s0], [sflag:$0x1] =	stream.indirect.gather [hbm4b:s3+s29], $0x40, s26, s29, $0xb8;
	[tilespmem:$0x9C00] =	vst v63  }
0x86: {  	s12 =	smov.u32 s2;
	s26 =	smov.u32 s28  }
0x87: {  	p0 =	sne.s32 s2, $0x3C000;
	s2 =	sadd.s32 $0x2000, s2;
	_ =	swait.ge [sflag:s5], $0x1A00  }
0x88: {  	s17 =	simm.s32 $0x3A80;
	s13 =	sor.u32 s7, s12;
	[sflag:s5] =	ssyncset.done $0x0  }
0x89: {  	s12 =	sadd.s32 s4, s13;
	s14 =	sor.u32 $0x800, s13;
	[sflag:s5] =	ssyncadd.s32 $0xFFFFE600  }
0x8a: {  	[hbm4b:s12+s10] =	stream.strided.scatter [tilespmem:s30], [sflag:$0x2], $0x680, s11, s10, $0x38;
	[tilespmem:$0x9C00] =	vst v63  }
0x8b: {  	s16 =	sadd.s32 s13, s6;
	s25 =	sor.u32 $0x1800, s13;
	s12 =	sor.u32 $0x1000, s13  }
0x8c: {  	[hbm4b:s16+s10] =	stream.strided.scatter [tilespmem:s17], [sflag:$0x2], $0x680, s11, s10, $0x38;
	[tilespmem:$0x9C00] =	vst v63  }
0x8d: {  	s16 =	sadd.s32 s13, s8;
	s17 =	simm.s32 $0x4100  }
0x8e: {  	[hbm4b:s16+s10] =	stream.strided.scatter [tilespmem:s17], [sflag:$0x2], $0x680, s11, s10, $0x38;
	[tilespmem:$0x9C00] =	vst v63  }
0x8f: {  	s13 =	sadd.s32 s13, s9;
	s16 =	simm.s32 $0x4780  }
0x90: {  	[hbm4b:s13+s10] =	stream.strided.scatter [tilespmem:s16], [sflag:$0x2], $0x680, s11, s10, $0x38;
	[tilespmem:$0x9C00] =	vst v63  }
0x91: {  	_ =	swait.ge [sflag:s15], $0x680  }
0x92: {  	[sflag:s15] =	ssyncset.done $0x0  }
0x93: {  	[sflag:s15] =	ssyncadd.s32 $0xFFFFF980  }
0x94: {  	_ =	swait.ge [sflag:s15], $0x680  }
0x95: {  	[sflag:s15] =	ssyncset.done $0x0  }
0x96: {  	[sflag:s15] =	ssyncadd.s32 $0xFFFFF980  }
0x97: {  	_ =	swait.ge [sflag:s15], $0x680  }
0x98: {  	[sflag:s15] =	ssyncset.done $0x0  }
0x99: {  	[sflag:s15] =	ssyncadd.s32 $0xFFFFF980  }
0x9a: {  	_ =	swait.ge [sflag:s15], $0x680  }
0x9b: {  	[sflag:s15] =	ssyncset.done $0x0  }
0x9c: {  	s13 =	sadd.s32 $0xFFFFFEC8, s28;
	[sflag:s15] =	ssyncadd.s32 $0xFFFFF980  }
0x9d: {  	[tilespmem:s30], [sflag:$0x1] =	stream.indirect.gather [hbm4b:s3+s29], $0x40, s13, s29, $0xb8;
	[tilespmem:$0x9C00] =	vst v63  }
0x9e: {  	_ =	swait.ge [sflag:s5], $0x1A00  }
0x9f: {  	[sflag:s5] =	ssyncset.done $0x0  }
0xa0: {  	s13 =	sadd.s32 s4, s14;
	[sflag:s5] =	ssyncadd.s32 $0xFFFFE600  }
0xa1: {  	[hbm4b:s13+s10] =	stream.strided.scatter [tilespmem:s31], [sflag:$0x2], $0x680, s11, s10, $0x38;
	[tilespmem:$0x9C00] =	vst v63  }
0xa2: {  	s16 =	simm.s32 $0x5480;
	s13 =	sadd.s32 s14, s6  }
0xa3: {  	[hbm4b:s13+s10] =	stream.strided.scatter [tilespmem:s16], [sflag:$0x2], $0x680, s11, s10, $0x38;
	[tilespmem:$0x9C00] =	vst v63  }
0xa4: {  	s13 =	sadd.s32 s14, s8;
	s16 =	simm.s32 $0x5B00  }
0xa5: {  	[hbm4b:s13+s10] =	stream.strided.scatter [tilespmem:s16], [sflag:$0x2], $0x680, s11, s10, $0x38;
	[tilespmem:$0x9C00] =	vst v63  }
0xa6: {  	s13 =	sadd.s32 s14, s9  }
0xa7: {  	[hbm4b:s13+s10] =	stream.strided.scatter [tilespmem:s18], [sflag:$0x2], $0x680, s11, s10, $0x38;
	[tilespmem:$0x9C00] =	vst v63  }
0xa8: {  	_ =	swait.ge [sflag:s15], $0x680  }
0xa9: {  	[sflag:s15] =	ssyncset.done $0x0  }
0xaa: {  	[sflag:s15] =	ssyncadd.s32 $0xFFFFF980  }
0xab: {  	_ =	swait.ge [sflag:s15], $0x680  }
0xac: {  	[sflag:s15] =	ssyncset.done $0x0  }
0xad: {  	[sflag:s15] =	ssyncadd.s32 $0xFFFFF980  }
0xae: {  	_ =	swait.ge [sflag:s15], $0x680  }
0xaf: {  	[sflag:s15] =	ssyncset.done $0x0  }
0xb0: {  	[sflag:s15] =	ssyncadd.s32 $0xFFFFF980  }
0xb1: {  	_ =	swait.ge [sflag:s15], $0x680  }
0xb2: {  	[sflag:s15] =	ssyncset.done $0x0  }
0xb3: {  	s13 =	sadd.s32 $0xFFFFFF30, s28;
	[sflag:s15] =	ssyncadd.s32 $0xFFFFF980  }
0xb4: {  	[tilespmem:s31], [sflag:$0x1] =	stream.indirect.gather [hbm4b:s3+s29], $0x40, s13, s29, $0xb8;
	[tilespmem:$0x9C00] =	vst v63  }
0xb5: {  	_ =	swait.ge [sflag:s5], $0x1A00  }
0xb6: {  	[sflag:s5] =	ssyncset.done $0x0  }
0xb7: {  	s13 =	sadd.s32 s4, s12;
	[sflag:s5] =	ssyncadd.s32 $0xFFFFE600  }
0xb8: {  	[hbm4b:s13+s10] =	stream.strided.scatter [tilespmem:s1], [sflag:$0x2], $0x680, s11, s10, $0x38;
	[tilespmem:$0x9C00] =	vst v63  }
0xb9: {  	s13 =	sadd.s32 s12, s6  }
0xba: {  	[hbm4b:s13+s10] =	stream.strided.scatter [tilespmem:s19], [sflag:$0x2], $0x680, s11, s10, $0x38;
	[tilespmem:$0x9C00] =	vst v63  }
0xbb: {  	s13 =	sadd.s32 s12, s8  }
0xbc: {  	[hbm4b:s13+s10] =	stream.strided.scatter [tilespmem:s20], [sflag:$0x2], $0x680, s11, s10, $0x38;
	[tilespmem:$0x9C00] =	vst v63  }
0xbd: {  	s12 =	sadd.s32 s12, s9  }
0xbe: {  	[hbm4b:s12+s10] =	stream.strided.scatter [tilespmem:s21], [sflag:$0x2], $0x680, s11, s10, $0x38;
	[tilespmem:$0x9C00] =	vst v63  }
0xbf: {  	_ =	swait.ge [sflag:s15], $0x680  }
0xc0: {  	[sflag:s15] =	ssyncset.done $0x0  }
0xc1: {  	[sflag:s15] =	ssyncadd.s32 $0xFFFFF980  }
0xc2: {  	_ =	swait.ge [sflag:s15], $0x680  }
0xc3: {  	[sflag:s15] =	ssyncset.done $0x0  }
0xc4: {  	[sflag:s15] =	ssyncadd.s32 $0xFFFFF980  }
0xc5: {  	_ =	swait.ge [sflag:s15], $0x680  }
0xc6: {  	[sflag:s15] =	ssyncset.done $0x0  }
0xc7: {  	[sflag:s15] =	ssyncadd.s32 $0xFFFFF980  }
0xc8: {  	_ =	swait.ge [sflag:s15], $0x680  }
0xc9: {  	[sflag:s15] =	ssyncset.done $0x0  }
0xca: {  	s12 =	sadd.s32 $0xFFFFFF98, s28;
	[sflag:s15] =	ssyncadd.s32 $0xFFFFF980  }
0xcb: {  	[tilespmem:s1], [sflag:$0x1] =	stream.indirect.gather [hbm4b:s3+s29], $0x40, s12, s29, $0xb8;
	[tilespmem:$0x9C00] =	vst v63  }
0xcc: {  	_ =	swait.ge [sflag:s5], $0x1A00  }
0xcd: {  	[sflag:s5] =	ssyncset.done $0x0  }
0xce: {  	s12 =	sadd.s32 s4, s25;
	[sflag:s5] =	ssyncadd.s32 $0xFFFFE600  }
0xcf: {  	[hbm4b:s12+s10] =	stream.strided.scatter [tilespmem:s0], [sflag:$0x2], $0x680, s11, s10, $0x38;
	[tilespmem:$0x9C00] =	vst v63  }
0xd0: {  	s12 =	sadd.s32 s25, s6  }
0xd1: {  	[hbm4b:s12+s10] =	stream.strided.scatter [tilespmem:s22], [sflag:$0x2], $0x680, s11, s10, $0x38;
	[tilespmem:$0x9C00] =	vst v63  }
0xd2: {  	s12 =	sadd.s32 s25, s8  }
0xd3: {  	[hbm4b:s12+s10] =	stream.strided.scatter [tilespmem:s23], [sflag:$0x2], $0x680, s11, s10, $0x38;
	[tilespmem:$0x9C00] =	vst v63  }
0xd4: {  	s12 =	sadd.s32 s25, s9  }
0xd5: {  	[hbm4b:s12+s10] =	stream.strided.scatter [tilespmem:s24], [sflag:$0x2], $0x680, s11, s10, $0x38;
	[tilespmem:$0x9C00] =	vst v63  }
0xd6: {  	_ =	swait.ge [sflag:s15], $0x680  }
0xd7: {  	[sflag:s15] =	ssyncset.done $0x0  }
0xd8: {  	[sflag:s15] =	ssyncadd.s32 $0xFFFFF980  }
0xd9: {  	_ =	swait.ge [sflag:s15], $0x680  }
0xda: {  	[sflag:s15] =	ssyncset.done $0x0  }
0xdb: {  	[sflag:s15] =	ssyncadd.s32 $0xFFFFF980  }
0xdc: {  	_ =	swait.ge [sflag:s15], $0x680  }
.Ltmp0:
0xdd: {  	[sflag:s15] =	ssyncset.done $0x0;
	(pc) =	sbr.rel @p0 .LBB2_2-.Ltmp0, $4  }
0xde: {  	[sflag:s15] =	ssyncadd.s32 $0xFFFFF980  }
0xdf: {  	_ =	swait.ge [sflag:s15], $0x680  }
0xe0: {  	[sflag:s15] =	ssyncset.done $0x0  }
0xe1: {  	s28 =	sadd.s32 $0x1A0, s28;
	[sflag:s15] =	ssyncadd.s32 $0xFFFFF980  }
0xe2: {  	[tilespmem:s0], [sflag:$0x1] =	stream.indirect.gather [hbm4b:s3+s29], $0x40, s26, s29, $0xb8;
	[tilespmem:$0x9C00] =	vst v63  }
0xe3: {  	_ =	swait.ge [sflag:s5], $0x1A00  }
0xe4: {  	[sflag:s5] =	ssyncset.done $0x0  }
0xe5: {  	s2 =	rddreg [dreg:$0x4];
	[sflag:s5] =	ssyncadd.s32 $0xFFFFE600  }
0xe6: {  	[hbm4b:s2+s10] =	stream.strided.scatter [tilespmem:s30], [sflag:$0x2], $0x680, s11, s10, $0x38;
	[tilespmem:$0x9C00] =	vst v63  }
0xe7: {  	s12 =	simm.s32 $0x3A80;
	s16 =	rddreg [dreg:$0x5]  }
0xe8: {  	[hbm4b:s16+s10] =	stream.strided.scatter [tilespmem:s12], [sflag:$0x2], $0x680, s11, s10, $0x38;
	[tilespmem:$0x9C00] =	vst v63  }
0xe9: {  	s25 =	simm.s32 $0x4100;
	s17 =	rddreg [dreg:$0x6]  }
0xea: {  	[hbm4b:s17+s10] =	stream.strided.scatter [tilespmem:s25], [sflag:$0x2], $0x680, s11, s10, $0x38;
	[tilespmem:$0x9C00] =	vst v63  }
0xeb: {  	s28 =	simm.s32 $0x4780;
	s26 =	rddreg [dreg:$0x7]  }
0xec: {  	[hbm4b:s26+s10] =	stream.strided.scatter [tilespmem:s28], [sflag:$0x2], $0x680, s11, s10, $0x38;
	[tilespmem:$0x9C00] =	vst v63  }
0xed: {  	_ =	swait.ge [sflag:s15], $0x680  }
0xee: {  	[sflag:s15] =	ssyncset.done $0x0  }
0xef: {  	[sflag:s15] =	ssyncadd.s32 $0xFFFFF980  }
0xf0: {  	_ =	swait.ge [sflag:s15], $0x680  }
0xf1: {  	[sflag:s15] =	ssyncset.done $0x0  }
0xf2: {  	[sflag:s15] =	ssyncadd.s32 $0xFFFFF980  }
0xf3: {  	_ =	swait.ge [sflag:s15], $0x680  }
0xf4: {  	[sflag:s15] =	ssyncset.done $0x0  }
0xf5: {  	[sflag:s15] =	ssyncadd.s32 $0xFFFFF980  }
0xf6: {  	_ =	swait.ge [sflag:s15], $0x680  }
0xf7: {  	[sflag:s15] =	ssyncset.done $0x0  }
0xf8: {  	[sflag:s15] =	ssyncadd.s32 $0xFFFFF980  }
0xf9: {  	_ =	swait.ge [sflag:s5], $0x1A00  }
0xfa: {  	[sflag:s5] =	ssyncset.done $0x0  }
0xfb: {  	s12 =	rddreg [dreg:$0x8];
	[sflag:s5] =	ssyncadd.s32 $0xFFFFE600  }
0xfc: {  	[hbm4b:s12+s10] =	stream.strided.scatter [tilespmem:s31], [sflag:$0x2], $0x680, s11, s10, $0x38;
	[tilespmem:$0x9C00] =	vst v63  }
0xfd: {  	s14 =	simm.s32 $0x5480;
	s13 =	rddreg [dreg:$0x9]  }
0xfe: {  	[hbm4b:s13+s10] =	stream.strided.scatter [tilespmem:s14], [sflag:$0x2], $0x680, s11, s10, $0x38;
	[tilespmem:$0x9C00] =	vst v63  }
0xff: {  	s17 =	simm.s32 $0x5B00;
	s16 =	rddreg [dreg:$0xa]  }
0x100: {  	[hbm4b:s16+s10] =	stream.strided.scatter [tilespmem:s17], [sflag:$0x2], $0x680, s11, s10, $0x38;
	[tilespmem:$0x9C00] =	vst v63  }
0x101: {  	s25 =	rddreg [dreg:$0xb]  }
0x102: {  	[hbm4b:s25+s10] =	stream.strided.scatter [tilespmem:s18], [sflag:$0x2], $0x680, s11, s10, $0x38;
	[tilespmem:$0x9C00] =	vst v63  }
0x103: {  	_ =	swait.ge [sflag:s15], $0x680  }
0x104: {  	[sflag:s15] =	ssyncset.done $0x0  }
0x105: {  	[sflag:s15] =	ssyncadd.s32 $0xFFFFF980  }
0x106: {  	_ =	swait.ge [sflag:s15], $0x680  }
0x107: {  	[sflag:s15] =	ssyncset.done $0x0  }
0x108: {  	[sflag:s15] =	ssyncadd.s32 $0xFFFFF980  }
0x109: {  	_ =	swait.ge [sflag:s15], $0x680  }
0x10a: {  	[sflag:s15] =	ssyncset.done $0x0  }
0x10b: {  	[sflag:s15] =	ssyncadd.s32 $0xFFFFF980  }
0x10c: {  	_ =	swait.ge [sflag:s15], $0x680  }
0x10d: {  	[sflag:s15] =	ssyncset.done $0x0  }
0x10e: {  	[sflag:s15] =	ssyncadd.s32 $0xFFFFF980  }
0x10f: {  	_ =	swait.ge [sflag:s5], $0x1A00  }
0x110: {  	[sflag:s5] =	ssyncset.done $0x0  }
0x111: {  	s26 =	rddreg [dreg:$0xc];
	[sflag:s5] =	ssyncadd.s32 $0xFFFFE600  }
0x112: {  	[hbm4b:s26+s10] =	stream.strided.scatter [tilespmem:s1], [sflag:$0x2], $0x680, s11, s10, $0x38;
	[tilespmem:$0x9C00] =	vst v63  }
0x113: {  	s28 =	rddreg [dreg:$0xd]  }
0x114: {  	[hbm4b:s28+s10] =	stream.strided.scatter [tilespmem:s19], [sflag:$0x2], $0x680, s11, s10, $0x38;
	[tilespmem:$0x9C00] =	vst v63  }
0x115: {  	s12 =	rddreg [dreg:$0xe]  }
0x116: {  	[hbm4b:s12+s10] =	stream.strided.scatter [tilespmem:s20], [sflag:$0x2], $0x680, s11, s10, $0x38;
	[tilespmem:$0x9C00] =	vst v63  }
0x117: {  	s13 =	rddreg [dreg:$0xf]  }
0x118: {  	[hbm4b:s13+s10] =	stream.strided.scatter [tilespmem:s21], [sflag:$0x2], $0x680, s11, s10, $0x38;
	[tilespmem:$0x9C00] =	vst v63  }
0x119: {  	_ =	swait.ge [sflag:s15], $0x680  }
0x11a: {  	[sflag:s15] =	ssyncset.done $0x0  }
0x11b: {  	[sflag:s15] =	ssyncadd.s32 $0xFFFFF980  }
0x11c: {  	_ =	swait.ge [sflag:s15], $0x680  }
0x11d: {  	[sflag:s15] =	ssyncset.done $0x0  }
0x11e: {  	[sflag:s15] =	ssyncadd.s32 $0xFFFFF980  }
0x11f: {  	_ =	swait.ge [sflag:s15], $0x680  }
0x120: {  	[sflag:s15] =	ssyncset.done $0x0  }
0x121: {  	[sflag:s15] =	ssyncadd.s32 $0xFFFFF980  }
0x122: {  	_ =	swait.ge [sflag:s15], $0x680  }
0x123: {  	[sflag:s15] =	ssyncset.done $0x0  }
0x124: {  	[sflag:s15] =	ssyncadd.s32 $0xFFFFF980  }
0x125: {  	_ =	swait.ge [sflag:s5], $0x1A00  }
0x126: {  	[sflag:s5] =	ssyncset.done $0x0  }
0x127: {  	s14 =	rddreg [dreg:$0x10];
	[sflag:s5] =	ssyncadd.s32 $0xFFFFE600  }
0x128: {  	[hbm4b:s14+s10] =	stream.strided.scatter [tilespmem:s0], [sflag:$0x2], $0x680, s11, s10, $0x38;
	[tilespmem:$0x9C00] =	vst v63  }
0x129: {  	s16 =	rddreg [dreg:$0x11]  }
0x12a: {  	[hbm4b:s16+s10] =	stream.strided.scatter [tilespmem:s22], [sflag:$0x2], $0x680, s11, s10, $0x38;
	[tilespmem:$0x9C00] =	vst v63  }
0x12b: {  	s17 =	rddreg [dreg:$0x12]  }
0x12c: {  	[hbm4b:s17+s10] =	stream.strided.scatter [tilespmem:s23], [sflag:$0x2], $0x680, s11, s10, $0x38;
	[tilespmem:$0x9C00] =	vst v63  }
0x12d: {  	s25 =	rddreg [dreg:$0x13]  }
0x12e: {  	[hbm4b:s25+s10] =	stream.strided.scatter [tilespmem:s24], [sflag:$0x2], $0x680, s11, s10, $0x38;
	[tilespmem:$0x9C00] =	vst v63  }
0x12f: {  	_ =	swait.ge [sflag:s15], $0x680  }
0x130: {  	[sflag:s15] =	ssyncset.done $0x0  }
0x131: {  	[sflag:s15] =	ssyncadd.s32 $0xFFFFF980  }
0x132: {  	_ =	swait.ge [sflag:s15], $0x680  }
0x133: {  	[sflag:s15] =	ssyncset.done $0x0  }
0x134: {  	[sflag:s15] =	ssyncadd.s32 $0xFFFFF980  }
0x135: {  	_ =	swait.ge [sflag:s15], $0x680  }
0x136: {  	[sflag:s15] =	ssyncset.done $0x0  }
0x137: {  	[sflag:s15] =	ssyncadd.s32 $0xFFFFF980  }
0x138: {  	_ =	swait.ge [sflag:s15], $0x680  }
0x139: {  	s26 =	rddreg [dreg:$0x15]  }
0x13a: {  	s28 =	rddreg [dreg:$0x14];
	s12 =	sadd.s32 $0x1, s26  }
0x13b: {  	p0 =	sne.s32 s12, s28  }
.Ltmp1:
0x13c: {  	_ = 	snop;
	(pc) =	sbr.rel @p0 .LBB2_1-.Ltmp1, $3  }
0x13d: {  	_ =	sdelay $0x1  }
0x13e: {  	[sflag:s15] =	ssyncset.done $0x0  }
0x13f: {  	[sflag:s15] =	ssyncadd.s32 $0xFFFFF980  }
0x140: {  	_ =	sfence.sel $0x180000  }
0x141: {  	[bflag:$0x0] =	sbarrier.arrive $0xFFFF  }
0x142: {  	_ =	strace $0x9000004A  }
0x143: {  	s0 =	stileid.u32;
	[bflag:$0x2] =	sbarrier.arrive $0xFFFF  }
0x144: {  	p0 =	sne.s32 s0, $0x0;
	s0 =	rddreg [dreg:$0x2]  }
0x145: {  	s0 =	sadd.s32 @!p0 $0x100000, s0  }
0x146: {  	[sflag:s0] =	ssyncadd.tile.s32 @!p0 $0x1;
	_ =	shalt  }
.Lfunc_end2:
_tile_overlayer_lowered:
.L_overlay_start_2:
0x147: {  	(tag) =	ssettag $0x2  }
0x148: {  	s0 =	rddreg [dreg:$0x0];
	s2 =	stileid.u32  }
0x149: {  	s1 =	rddreg [dreg:$0x1];
	p0 =	sne.s32 s2, $0x0  }
0x14a: {  	s3 =	rddreg [dreg:$0x2];
	[bflag:$0x3] =	sbarrier.arrive $0xFFFF;
	s2 =	simm.s32 @!p0 $0x1C03  }
0x14b: {  	[timem:s3], [sflag:s2] =	dma.local @!p0 [hbm:s0], s1  }
0x14c: {  	s0 =	simm.s32 @!p0 $0x3  }
0x14d: {  	_ =	swait.ge @!p0 [sflag:s0], s1  }
0x14e: {  	s1 =	ssub.s32 @!p0 $0x0, s1;
	[sflag:s0] =	ssyncset.done @!p0 $0x0  }
0x14f: {  	[sflag:s0] =	ssyncadd.s32 @!p0 s1  }
0x150: {  	[bflag:$0x3] =	sbarrier.arrive $0xFFFF  }
0x151: {  	_ =	shalt  }

// kernel: sparse-core-data-format-call.1.cloned.1.call-start
scs
called_computation.1_lowered:
.L_overlay_start_0:
0x0: {  	s2 =	sld [smem:$0x3FD9]  }
0x1: {  	s3 =	sld [smem:$0x3FFE];
	_ =	sdelay $0x1  }
0x2: {  	s1 =	srdreg.scid  }
0x3: {  	s0 =	sand.u32 $0x1, s1  }
0x4: {  	s18 =	sshll.u32 s0, $0xA;
	s2 =	sadd.s32 s3, s2  }
0x5: {  	s2 =	sadd.s32 s2, s18  }
0x6: {  	[smem:$0x3FC6] =	sst s2  }
0x7: {  	_ = 	snop  }
0x8: {  	s2 =	sld [smem:$0x3FC8];
	(tm) =	ssettm $0x1  }
0x9: {  	s19 =	sld [smem:$0x3FFB];
	_ =	sdelay $0x3  }
0xa: {  	_ =	strace s19  }
0xb: {  	s3 =	sld [smem:$0x3FFC];
	_ =	sdelay $0x3  }
0xc: {  	_ =	strace s3  }
0xd: {  	s3 =	sld [smem:$0x3FFD];
	_ =	sdelay $0x3  }
0xe: {  	_ =	strace s3  }
0xf: {  	_ =	strace $0x8FFFFFFF  }
0x10: {  	s20 =	sld [smem:$0x3FDB];
	_ =	sdelay $0x1  }
0x11: {  	s4 =	simm.s32 $_scs_section_size  }
0x12: {  	s5 =	simm.s32 $_size__tile_overlayer_lowered;
	s6 =	simm.s32 $_tile_overlayer_lowered  }
0x13: {  	s23 =	simm.s32 $0x1BFF;
	s22 =	sshll.u32 s6, $0x1;
	s3 =	sadd.s32 s4, s20  }
0x14: {  	s7 =	simm.s32 $0x0;
	s21 =	sshll.u32 s5, $0x1;
	s5 =	sadd.s32 s22, s3  }
0x15: {  	[timem:s7], [sflag:s23] =	dma.local [hbm:s5], s21  }
0x16: {  	_ =	swait.ge [sflag:s23], s21  }
0x17: {  	s4 =	ssub.s32 $0x0, s21;
	[sflag:s23] =	ssyncset.done $0x0  }
0x18: {  	[sflag:s23] =	ssyncadd.s32 s4;
	_ =	sdelay $0x1  }
0x19: {  	s24 =	simm.s32 $0x1B8B  }
0x1a: {  	_ =	swait.ge [sflag:s24], $0x1  }
0x1b: {  	[sflag:s24] =	ssyncset.done $0x0  }
0x1c: {  	s26 =	simm.s32 $0x1B8E;
	s25 =	sld [smem:$0x3FFE];
	[sflag:s24] =	ssyncadd.s32 $0xFFFFFFFF  }
0x1d: {  	s27 =	simm.s32 $execute0_lowered;
	[smem:$0x3FD2] =	sst s26  }
0x1e: {  	s5 =	sshll.u32 s27, $0x1;
	_ =	strace $0x80000046;
	[dreg:$0x1] =	wrdreg $0xFFFFFFFF  }
0x1f: {  	s28 =	simm.s32 $_size_execute0_lowered;
	s3 =	sadd.s32 s3, s5;
	[dreg:$0x0] =	wrdreg $0x0  }
0x20: {  	s5 =	sshll.u32 s28, $0x1;
	[dreg:$0x2] =	wrdreg s3  }
0x21: {  	[dreg:$0x3] =	wrdreg s5  }
0x22: {  	[dreg:$0x4] =	wrdreg $0xC0  }
0x23: {  	_ =	task [dreg:s7], $0x5FFFF  }
0x24: {  	[dreg:$0x1] =	wrdreg $0xFFFFFFFF  }
0x25: {  	[dreg:$0x0] =	wrdreg $0x60  }
0x26: {  	[dreg:$0x2] =	wrdreg s2  }
0x27: {  	[dreg:$0x3] =	wrdreg s25  }
0x28: {  	[dreg:$0x4] =	wrdreg $0x9  }
0x29: {  	_ =	task.clear_ibuf [dreg:s7], $0x5FFFF;
	_ =	strace $0x90000046  }
0x2a: {  	s29 =	simm.s32 $0x9;
	_ =	strace $0x80000048  }
0x2b: {  	_ =	swait.ge [sflag:s29], $0x1  }
0x2c: {  	[sflag:s29] =	ssyncadd.s32 $0xFFFFFFFF  }
0x2d: {  	_ =	strace $0x90000048  }
0x2e: {  	_ =	sfence  }
0x2f: {  	s30 =	sld [smem:$0x0];
	_ =	sdelay $0x2  }
0x30: {  	s31 =	sshll.u32 s1, $0xD;
	s1 =	sshrl.u32 s1, $0x2  }
0x31: {  	s3 =	sand.u32 $0x4000, s31;
	s1 =	sadd.s32 s1, s30  }
0x32: {  	s0 =	sor.u32 s3, s0;
	s1 =	sshll.u32 s1, $0x11  }
0x33: {  	s0 =	sor.u32 s1, s0  }
0x34: {  	s0 =	sadd.s32 $0x8F2B, s0  }
0x35: {  	[sflag:s0] =	ssyncadd.remote.s32 $0x1  }
0x36: {  	_ =	sfence.sel $0xFFFF  }
0x37: {  	[dreg:$0x0] =	wrdreg $0xFFFFFFFF;
	(pc) =	sbr.abs _section_cstart, $3  }
0x38: {  	[dreg:$0x1] =	wrdreg $0xFFFFFFFF  }
0x39: {  	_ =	task.clear_ibuf [dreg:s7], $0x2FFFF;
	_ =	strace $0x9FFFFFFF  }
0x3a: {  	(tm) =	ssettm $0x7FFFFFFF  }
0x3b: {  	_ =	shalt  }
tec
execute0_lowered:
.L_overlay_start_1:
0x0: {  	(tag) =	ssettag $0x1  }
0x1: {  	s0 =	srdreg.scid;
	s2 =	rddreg [dreg:$0x0]  }
0x2: {  	s5 =	rddreg [dreg:$0x1];
	s1 =	stileid.u32  }
0x3: {  	s4 =	simm.s32 $0x1;
	s6 =	simm.s32 $0x2;
	s15 =	simm.s32 $0x0  }
0x4: {  	p0 =	por $0x0, $0x0;
	s8 =	simm.s32 $0x80;
	s0 =	sshll.u32 s0, $0x4  }
0x5: {  	s14 =	simm.s32 $0x0;
	s9 =	simm.s32 $0x0;
	s3 =	sand.u32 $0x10, s0  }
.Ltmp0:
0x6: {  	s10 =	simm.s32 $0x0;
	s3 =	sor.u32 s1, s3;
	(pc) =	sbr.rel .LBB1_1-.Ltmp0, $4  }
0x7: {  	s0 =	rddreg [dreg:$0x2];
	_ =	strace $0x80000047;
	s3 =	sshll.u32 s3, $0x7  }
0x8: {  	s12 =	simm.s32 $0x0;
	[sflag:s4] =	ssyncpa.u1 $0x0;
	s7 =	ssub.s32 $0xF4200, s3  }
0x9: {  	s13 =	simm.s32 $0x0;
	[sflag:s6] =	ssyncpa.u1 $0x0;
	s6 =	sshrl.u32 s7, $0xC  }
0xa: {  	s5 =	sadd.s32 $0xE00, s5;
	s11 =	smov.u32 s3;
	s7 =	sadd.s32 $0x2, s6  }
.LBB1_5:
0xb: {  	p1 =	slt.u32 s13, $0x2  }
0xc: {  	s17 =	smov.u32 s15;
	p2 =	sgt.s32 @!p1 s15, $0xF41C0;
	s16 =	sshra.s32 @!p1 s15, $0x1F  }
0xd: {  	p3 =	sgt.s32 @!p1 s14, $0x40;
	s18 =	sshra.s32 @!p1 s14, $0x1F;
	p2 =	por !p2, p1  }
0xe: {  	s15 =	sand.u32 @!p1 s16, s15;
	p3 =	por !p3, p1;
	s16 =	smov.u32 s14  }
0xf: {  	s14 =	sand.u32 @!p1 s18, s14;
	s17 =	simm.s32 @p2 $0xF41C0;
	s16 =	simm.s32 @p3 $0x40  }
0x10: {  	s15 =	ssub.s32 @!p1 s17, s15;
	s14 =	ssub.s32 @!p1 s16, s14  }
0x11: {  	s18 =	smov.u32 s12;
	s16 =	sadd.s32 @!p1 $0xFFF0BE40, s15;
	s17 =	sadd.s32 @!p1 $0xFFFFFFC0, s14  }
0x12: {  	s15 =	ssub.s32 @!p1 $0xF4240, s15;
	p2 =	sgt.s32 @!p1 s16, $0x7F;
	p3 =	sgt.s32 @!p1 s17, $0x3F  }
0x13: {  	s14 =	ssub.s32 @!p1 $0x80, s14;
	p2 =	por !p2, p1;
	p3 =	por !p3, p1  }
0x14: {  	s16 =	sadd.s32 $0x1000, s11;
	s15 =	simm.s32 @!p2 $0x0;
	s14 =	simm.s32 @!p3 $0x0  }
0x15: {  	p2 =	sgt.s32 s16, $0xF423F;
	s14 =	smul.u32 @!p1 s14, s15;
	s15 =	sadd.s32 $0x40, s12  }
0x16: {  	s18 =	smov.u32 @p2 s15  }
0x17: {  	s16 =	smov.u32 @p2 s3;
	p2 =	sgt.s32 s18, $0x3F  }
0x18: {  	s18 =	simm.s32 @p2 $0x0;
	p2 =	sne.s32 s13, s7  }
.Ltmp1:
0x19: {  	p0 =	por !p0, !p0;
	s17 =	simm.s32 @!p1 $0x2;
	(pc) =	sbr.rel @!p2 .LBB1_6-.Ltmp1, $4  }
0x1a: {  	s15 =	smov.u32 s9;
	s9 =	smov.u32 s11;
	s14 =	sand.u32 @!p1 $0x3FFFFFFF, s14  }
0x1b: {  	s11 =	smov.u32 s16;
	_ =	swait.ge @!p1 [sflag:s17], s14;
	s19 =	ssub.s32 @!p1 $0x0, s14  }
0x1c: {  	s14 =	smov.u32 s10;
	s13 =	sadd.s32 $0x1, s13;
	[sflag:s17] =	ssyncset.done @!p1 $0x0  }
0x1d: {  	s10 =	smov.u32 s12;
	s12 =	smov.u32 s18;
	[sflag:s17] =	ssyncadd.s32 @!p1 s19  }
.LBB1_1:
0x1e: {  	p1 =	sgt.u32 s13, s6  }
0x1f: {  	s16 =	sshrl.u32 @!p1 s12, $0x3  }
0x20: {  	s17 =	sshll.u32 @!p1 s11, $0x3;
	s16 =	smul.u32 @!p1 $0x7A1400, s16  }
0x21: {  	s18 =	sshll.u32 @!p1 s12, $0x7;
	s17 =	sand.u32 @!p1 $0xFFFFFC00, s17  }
0x22: {  	s16 =	sadd.s32 @!p1 s16, s17;
	s17 =	sand.u32 @!p1 $0x380, s18  }
0x23: {  	s18 =	sand.u32 @!p1 $0x7F, s11;
	s16 =	sor.u32 @!p1 s17, s16  }
0x24: {  	s17 =	sor.u32 @!p1 s18, s16  }
0x25: {  	s18 =	smulhi.u32 @!p1 $0x218D6287, s17;
	_ =	sdelay $0x1  }
0x26: {  	s16 =	smulhi.u32 @!p1 $0x218D6287, s16;
	s18 =	sshrl.u32 @!p1 s18, $0x11  }
0x27: {  	s18 =	smul.u32 @!p1 $0xF4280, s18  }
0x28: {  	s19 =	sxor.u32 @!p1 $0xFFFFFFFF, s13;
	s16 =	sshrl.u32 @!p1 s16, $0x11  }
0x29: {  	s19 =	sshll.u32 @!p1 s19, $0xD;
	s16 =	sand.u32 @!p1 $0x3F, s16;
	s17 =	ssub.s32 @!p1 s17, s18  }
0x2a: {  	s16 =	smul.u32 @!p1 $0x1E850, s16;
	s18 =	sshrl.u32 @!p1 s17, $0x3;
	s17 =	sand.u32 @!p1 $0x7, s17  }
0x2b: {  	s19 =	sand.u32 @!p1 $0x2000, s19;
	s18 =	sadd.s32 @!p1 s2, s18;
	s17 =	sshll.u32 @!p1 s17, $0x12  }
0x2c: {  	s16 =	sadd.s32 @!p1 s16, s18;
	s17 =	sor.u32 @!p1 $0x400, s17;
	s18 =	simm.s32 @!p1 $0x7A1400  }
0x2d: {  	[tilespmem:s19], [sflag:$0x1] =	stream.strided.gather @!p1 [hbm4b:s16+s17], $0x2000, s18, s17, $0x38;
	[tilespmem:$0x8100] =	vst v63  }
0x2e: {  	p1 =	seq.s32 s13, $0x0  }
0x2f: {  	p2 =	sge.u32 @!p1 s13, s7  }
0x30: {  	p1 =	por p1, p2  }
.Ltmp2:
0x31: {  	_ = 	snop;
	(pc) =	sbr.rel @p1 .LBB1_5-.Ltmp2, $1  }
0x32: {  	_ =	sdelay $0x3  }
0x33: {  	s16 =	simm.s32 $0x1  }
0x34: {  	_ =	swait.ge [sflag:s4], $0x2000;
	s16 =	simm.s32 @!p0 $0x0  }
0x35: {  	[sflag:s4] =	ssyncset.done $0x0;
	s17 =	sshll.u32 s16, $0xD  }
0x36: {  	[sflag:s4] =	ssyncadd.s32 $0xFFFFE000;
	s17 =	sor.u32 $0x40, s17  }
0x37: {  	s16 =	smul.u32 $0x8200, s16;
	v0 =	vld [tilespmem:s17+$0x30]  }
0x38: {  	v1 =	vld [tilespmem:s17+$0xFFFFFFD0]  }
0x39: {  	s16 =	sshrl.u32 s16, $0x2;
	v5 =	vld [tilespmem:s17+$0xFFFFFFE0]  }
0x3a: {  	v6 =	vld [tilespmem:s17+$0xFFFFFFF0];
	s19 =	sor.u32 $0x4000, s16  }
0x3b: {  	s31 =	sand.u32 $0x1, s13;
	v4 =	vld [tilespmem:s17+$0x0];
	s18 =	sadd.s32 $0x0, s19  }
0x3c: {  	v3 =	vld [tilespmem:s17+$0x10];
	s16 =	smul.u32 $0x8200, s31;
	[tilespmem:s18+$0x1C70 ss:$0x41] =	vst.msk $0xffff, v0  }
0x3d: {  	v2 =	vld [tilespmem:s17+$0x20];
	[tilespmem:s18+$0x410 ss:$0x41] =	vst.msk $0xffff, v1  }
0x3e: {  	s16 =	sshrl.u32 s16, $0x2;
	v1 =	vld [tilespmem:s17+$0xFFFFFFC0];
	[tilespmem:s18+$0x820 ss:$0x41] =	vst.msk $0xffff, v5;
	s17 =	sadd.s32 $0x80, s17  }
0x3f: {  	s20 =	simm.s32 $0x4;
	s21 =	simm.s32 $0x8;
	s16 =	sor.u32 $0x4000, s16;
	[tilespmem:s18+$0xC30 ss:$0x41] =	vst.msk $0xffff, v6;
	v0 =	vld [tilespmem:s17+$0x30]  }
.LBB1_3:
0x40: {  	p1 =	sne.s32 s21, $0xFC;
	v5 =	vld [tilespmem:s17+$0xFFFFFFD0];
	[tilespmem:s18+$0x1040 ss:$0x41] =	vst.msk $0xffff, v4  }
0x41: {  	v6 =	vld [tilespmem:s17+$0xFFFFFFE0];
	[tilespmem:s18+$0x1450 ss:$0x41] =	vst.msk $0xffff, v3  }
0x42: {  	s22 =	sshra.s32 s20, $0x2;
	s20 =	smov.u32 s21;
	v7 =	vld [tilespmem:s17+$0xFFFFFFF0];
	[tilespmem:s18+$0x1860 ss:$0x41] =	vst.msk $0xffff, v2  }
.Ltmp3:
0x43: {  	v4 =	vld [tilespmem:s17+$0x0];
	[tilespmem:s18+$0x0 ss:$0x41] =	vst.msk $0xffff, v1;
	s18 =	sadd.s32 s22, s19;
	(pc) =	sbr.rel @p1 .LBB1_3-.Ltmp3, $4  }
0x44: {  	v3 =	vld [tilespmem:s17+$0x10];
	[tilespmem:s18+$0x1C70 ss:$0x41] =	vst.msk $0xffff, v0  }
0x45: {  	[tilespmem:s18+$0x410 ss:$0x41] =	vst.msk $0xffff, v5;
	v2 =	vld [tilespmem:s17+$0x20]  }
0x46: {  	v1 =	vld [tilespmem:s17+$0xFFFFFFC0];
	[tilespmem:s18+$0x820 ss:$0x41] =	vst.msk $0xffff, v6;
	s17 =	sadd.s32 $0x80, s17  }
0x47: {  	s21 =	sadd.s32 $0x4, s21;
	v0 =	vld [tilespmem:s17+$0x30];
	[tilespmem:s18+$0xC30 ss:$0x41] =	vst.msk $0xffff, v7  }
0x48: {  	s21 =	sshll.u32 s9, $0x7;
	s22 =	sshll.u32 s10, $0x3;
	s20 =	sshra.s32 s20, $0x2  }
0x49: {  	p1 =	sgt.s32 s9, $0xF41C0;
	s30 =	sshra.s32 s9, $0x1F;
	s25 =	sshra.s32 s10, $0x1F  }
0x4a: {  	v5 =	vld [tilespmem:s17+$0xFFFFFFD0];
	s28 =	sshrl.u32 s10, $0x3;
	s23 =	sand.u32 $0xFFFFFC00, s21;
	s22 =	sand.u32 $0xFFFFFC00, s22  }
0x4b: {  	[tilespmem:s18+$0x1040 ss:$0x41] =	vst.msk $0xffff, v4;
	v58 =	vld [tilespmem:s17+$0xFFFFFFE0];
	s21 =	sand.u32 $0x380, s21;
	s19 =	sadd.s32 s20, s19;
	s22 =	sadd.s32 s22, s23  }
0x4c: {  	v59 =	vld [tilespmem:s17+$0xFFFFFFF0];
	[tilespmem:s18+$0x1450 ss:$0x41] =	vst.msk $0xffff, v3;
	s29 =	sor.u32 s21, s22;
	s21 =	smov.u32 s9;
	s22 =	sand.u32 s30, s9  }
0x4d: {  	v60 =	vld [tilespmem:s17+$0x0];
	[tilespmem:s18+$0x1860 ss:$0x41] =	vst.msk $0xffff, v2;
	s30 =	sand.u32 $0x7, s10;
	s20 =	sshrl.u32 s29, $0x7;
	s21 =	simm.s32 @!p1 $0xF41C0  }
0x4e: {  	v61 =	vld [tilespmem:s17+$0x10];
	[tilespmem:s18+$0x0 ss:$0x41] =	vst.msk $0xffff, v1;
	p1 =	sgt.s32 s10, $0x40;
	s24 =	ssub.s32 s21, s22;
	s21 =	smov.u32 s10  }
0x4f: {  	v62 =	vld [tilespmem:s17+$0x20];
	[tilespmem:s19+$0x1C70 ss:$0x41] =	vst.msk $0xffff, v0;
	s31 =	smulhi.u32 $0x218DEF5, s20;
	s22 =	sand.u32 s25, s10;
	s21 =	simm.s32 @!p1 $0x40  }
0x50: {  	v63 =	vld [tilespmem:s17+$0xFFFFFFC0];
	[tilespmem:s19+$0x410 ss:$0x41] =	vst.msk $0xffff, v5;
	s26 =	sadd.s32 $0xFFF0BE40, s24;
	s17 =	ssub.s32 $0xF4240, s24;
	s21 =	ssub.s32 s21, s22  }
0x51: {  	[tilespmem:s19+$0x820 ss:$0x41] =	vst.msk $0xffff, v58;
	s23 =	sshrl.u32 s31, $0xD;
	p1 =	sgt.s32 s26, $0x7F;
	s27 =	sadd.s32 $0xFFFFFFC0, s21  }
0x52: {  	[tilespmem:s19+$0xC30 ss:$0x41] =	vst.msk $0xffff, v59;
	s23 =	smul.u32 $0xF4240, s23;
	s18 =	ssub.s32 $0x80, s21;
	p2 =	sgt.s32 s27, $0x3F  }
.Ltmp4:
0x53: {  	[tilespmem:s19+$0x1040 ss:$0x41] =	vst.msk $0xffff, v60;
	s17 =	simm.s32 @p1 $0x0;
	s18 =	simm.s32 @p2 $0x0;
	(pc) =	sbr.rel .LBB1_5-.Ltmp4, $4  }
0x54: {  	s29 =	sand.u32 $0xF, s28;
	[tilespmem:s19+$0x1450 ss:$0x41] =	vst.msk $0xffff, v61;
	s20 =	ssub.s32 s20, s23;
	s17 =	smul.u32 s18, s17  }
0x55: {  	[tilespmem:s19+$0x1860 ss:$0x41] =	vst.msk $0xffff, v62;
	s21 =	sshll.u32 s30, $0x12;
	s20 =	sshll.u32 s20, $0x4;
	s18 =	sadd.s32 s5, s29  }
0x56: {  	[tilespmem:s19+$0x0 ss:$0x41] =	vst.msk $0xffff, v63;
	s31 =	sor.u32 $0x40, s21;
	s18 =	sadd.s32 s20, s18;
	s17 =	sand.u32 $0x3FFFFFFF, s17  }
0x57: {  	[hbm4b:s18+s31] =	stream.strided.scatter [tilespmem:s16], [sflag:$0x2], s17, s8, s31, $0x18;
	[tilespmem:$0x8100] =	vst v63  }
.LBB1_6:
0x58: {  	_ =	sfence.sel $0x180000  }
0x59: {  	s2 =	simm.s32 $0x1;
	[bflag:$0x0] =	sbarrier.arrive $0xFFFF  }
0x5a: {  	s31 =	simm.s32 $0x2;
	[sflag:s2] =	ssyncpa.u1 $0x1  }
0x5b: {  	[sflag:s31] =	ssyncpa.u1 $0x1  }
0x5c: {  	p0 =	sne.s32 s1, $0x0;
	_ =	strace $0x90000047  }
0x5d: {  	s0 =	sadd.s32 @!p0 $0x100000, s0;
	[bflag:$0x2] =	sbarrier.arrive $0xFFFF  }
0x5e: {  	[sflag:s0] =	ssyncadd.tile.s32 @!p0 $0x1;
	_ =	shalt  }
.Lfunc_end1:
_tile_overlayer_lowered:
.L_overlay_start_2:
0x5f: {  	(tag) =	ssettag $0x2  }
0x60: {  	s0 =	rddreg [dreg:$0x0];
	s2 =	stileid.u32  }
0x61: {  	s1 =	rddreg [dreg:$0x1];
	p0 =	sne.s32 s2, $0x0  }
0x62: {  	s3 =	rddreg [dreg:$0x2];
	[bflag:$0x3] =	sbarrier.arrive $0xFFFF;
	s2 =	simm.s32 @!p0 $0x1C01  }
0x63: {  	[timem:s3], [sflag:s2] =	dma.local @!p0 [hbm:s0], s1  }
0x64: {  	s0 =	simm.s32 @!p0 $0x1  }
0x65: {  	_ =	swait.ge @!p0 [sflag:s0], s1  }
0x66: {  	s1 =	ssub.s32 @!p0 $0x0, s1;
	[sflag:s0] =	ssyncset.done @!p0 $0x0  }
0x67: {  	[sflag:s0] =	ssyncadd.s32 @!p0 s1  }
0x68: {  	[bflag:$0x3] =	sbarrier.arrive $0xFFFF  }
0x69: {  	_ =	shalt  }

// kernel: sparse-core-data-format-call.cloned.1.call-start
scs
called_computation_lowered:
.L_overlay_start_0:
0x0: {  	s2 =	sld [smem:$0x3FD9]  }
0x1: {  	s3 =	sld [smem:$0x3FFE];
	_ =	sdelay $0x1  }
0x2: {  	s1 =	srdreg.scid  }
0x3: {  	s0 =	sand.u32 $0x1, s1  }
0x4: {  	s18 =	sshll.u32 s0, $0xA;
	s2 =	sadd.s32 s3, s2  }
0x5: {  	s2 =	sadd.s32 s2, s18  }
0x6: {  	[smem:$0x3FC6] =	sst s2  }
0x7: {  	_ = 	snop  }
0x8: {  	s2 =	sld [smem:$0x3FD0];
	(tm) =	ssettm $0x1  }
0x9: {  	s19 =	sld [smem:$0x3FFB];
	_ =	sdelay $0x3  }
0xa: {  	_ =	strace s19  }
0xb: {  	s3 =	sld [smem:$0x3FFC];
	_ =	sdelay $0x3  }
0xc: {  	_ =	strace s3  }
0xd: {  	s3 =	sld [smem:$0x3FFD];
	_ =	sdelay $0x3  }
0xe: {  	_ =	strace s3  }
0xf: {  	_ =	strace $0x8FFFFFFF  }
0x10: {  	s20 =	sld [smem:$0x3FDB];
	_ =	sdelay $0x1  }
0x11: {  	s4 =	simm.s32 $_scs_section_size  }
0x12: {  	s5 =	simm.s32 $_size__tile_overlayer_lowered;
	s6 =	simm.s32 $_tile_overlayer_lowered  }
0x13: {  	s23 =	simm.s32 $0x1BFF;
	s22 =	sshll.u32 s6, $0x1;
	s3 =	sadd.s32 s4, s20  }
0x14: {  	s7 =	simm.s32 $0x0;
	s21 =	sshll.u32 s5, $0x1;
	s5 =	sadd.s32 s22, s3  }
0x15: {  	[timem:s7], [sflag:s23] =	dma.local [hbm:s5], s21  }
0x16: {  	_ =	swait.ge [sflag:s23], s21  }
0x17: {  	s4 =	ssub.s32 $0x0, s21;
	[sflag:s23] =	ssyncset.done $0x0  }
0x18: {  	[sflag:s23] =	ssyncadd.s32 s4;
	_ =	sdelay $0x1  }
0x19: {  	s24 =	simm.s32 $0x1B8B  }
0x1a: {  	_ =	swait.ge [sflag:s24], $0x1  }
0x1b: {  	[sflag:s24] =	ssyncset.done $0x0  }
0x1c: {  	s26 =	simm.s32 $0x1B8E;
	s25 =	sld [smem:$0x3FFE];
	[sflag:s24] =	ssyncadd.s32 $0xFFFFFFFF  }
0x1d: {  	s27 =	simm.s32 $execute0_lowered;
	[smem:$0x3FD2] =	sst s26  }
0x1e: {  	s5 =	sshll.u32 s27, $0x1;
	_ =	strace $0x8000004C;
	[dreg:$0x1] =	wrdreg $0xFFFFFFFF  }
0x1f: {  	s28 =	simm.s32 $_size_execute0_lowered;
	s3 =	sadd.s32 s3, s5;
	[dreg:$0x0] =	wrdreg $0x0  }
0x20: {  	s5 =	sshll.u32 s28, $0x1;
	[dreg:$0x2] =	wrdreg s3  }
0x21: {  	[dreg:$0x3] =	wrdreg s5  }
0x22: {  	[dreg:$0x4] =	wrdreg $0xC0  }
0x23: {  	_ =	task [dreg:s7], $0x5FFFF  }
0x24: {  	[dreg:$0x1] =	wrdreg $0xFFFFFFFF  }
0x25: {  	[dreg:$0x0] =	wrdreg $0x60  }
0x26: {  	[dreg:$0x2] =	wrdreg s25  }
0x27: {  	[dreg:$0x3] =	wrdreg s2  }
0x28: {  	[dreg:$0x4] =	wrdreg $0x9  }
0x29: {  	_ =	task.clear_ibuf [dreg:s7], $0x5FFFF;
	_ =	strace $0x9000004C  }
0x2a: {  	s29 =	simm.s32 $0x9;
	_ =	strace $0x8000004E  }
0x2b: {  	_ =	swait.ge [sflag:s29], $0x1  }
0x2c: {  	[sflag:s29] =	ssyncadd.s32 $0xFFFFFFFF  }
0x2d: {  	_ =	strace $0x9000004E  }
0x2e: {  	_ =	sfence  }
0x2f: {  	s30 =	sld [smem:$0x0];
	_ =	sdelay $0x2  }
0x30: {  	s31 =	sshll.u32 s1, $0xD;
	s1 =	sshrl.u32 s1, $0x2  }
0x31: {  	s3 =	sand.u32 $0x4000, s31;
	s1 =	sadd.s32 s1, s30  }
0x32: {  	s0 =	sor.u32 s3, s0;
	s1 =	sshll.u32 s1, $0x11  }
0x33: {  	s0 =	sor.u32 s1, s0  }
0x34: {  	s0 =	sadd.s32 $0x8F2B, s0  }
0x35: {  	[sflag:s0] =	ssyncadd.remote.s32 $0x1  }
0x36: {  	_ =	sfence.sel $0xFFFF  }
0x37: {  	[dreg:$0x0] =	wrdreg $0xFFFFFFFF;
	(pc) =	sbr.abs _section_cstart, $3  }
0x38: {  	[dreg:$0x1] =	wrdreg $0xFFFFFFFF  }
0x39: {  	_ =	task.clear_ibuf [dreg:s7], $0x2FFFF;
	_ =	strace $0x9FFFFFFF  }
0x3a: {  	(tm) =	ssettm $0x7FFFFFFF  }
0x3b: {  	_ =	shalt  }
tec
execute0_lowered:
.L_overlay_start_1:
0x0: {  	(tag) =	ssettag $0x1  }
0x1: {  	s0 =	srdreg.scid  }
0x2: {  	s1 =	sshll.u32 s0, $0x4  }
0x3: {  	s0 =	stileid.u32;
	s1 =	sand.u32 $0x10, s1  }
0x4: {  	s1 =	sor.u32 s0, s1  }
0x5: {  	s6 =	rddreg [dreg:$0x0];
	s4 =	simm.s32 $0x1;
	s2 =	sshll.u32 s1, $0x7  }
0x6: {  	s7 =	simm.s32 $0x2;
	s12 =	simm.s32 $0x0;
	s1 =	ssub.s32 $0x4000, s2  }
0x7: {  	s8 =	simm.s32 $0x20000;
	s13 =	simm.s32 $0x0;
	s3 =	sand.u32 $0xF80, s1  }
0x8: {  	s9 =	simm.s32 $0x0;
	s5 =	sshrl.u32 s1, $0xC;
	p0 =	sne.s32 s3, $0x0  }
.Ltmp0:
0x9: {  	s1 =	rddreg [dreg:$0x2];
	s4 =	simm.s32 @!p0 $0x0;
	(pc) =	sbr.rel .LBB1_1-.Ltmp0, $4  }
0xa: {  	s11 =	simm.s32 $0x0;
	s3 =	rddreg [dreg:$0x1];
	s5 =	sadd.s32 s4, s5  }
0xb: {  	_ =	strace $0x8000004D;
	s4 =	simm.s32 $0x1;
	s5 =	smul.u32 $0x1A, s5  }
0xc: {  	s6 =	sadd.s32 $0xE00, s6;
	s10 =	smov.u32 s2;
	[sflag:s4] =	ssyncpa.u1 $0x0  }
0xd: {  	p0 =	por $0x0, $0x0;
	[sflag:s7] =	ssyncpa.u1 $0x0;
	s7 =	sor.u32 $0x1, s5  }
.LBB1_4:
0xe: {  	s16 =	sshll.u32 s13, $0x3;
	s17 =	sand.u32 $0x78, s13  }
0xf: {  	s30 =	sand.u32 $0x1F800, s13;
	s12 =	sshll.u32 s12, $0x11;
	s16 =	sand.u32 $0x3C00, s16  }
0x10: {  	[tilespmem:s15+$0x810 ss:$0x81] =	vst.msk $0xffff, v2;
	s31 =	sand.u32 $0x7, s13;
	s16 =	sor.u32 s17, s16;
	s17 =	sadd.s32 s3, s30  }
0x11: {  	[tilespmem:s15+$0x1020 ss:$0x81] =	vst.msk $0xffff, v0;
	s13 =	sshll.u32 s31, $0x12;
	s12 =	sadd.s32 s12, s17;
	s16 =	sshrl.u32 s16, $0x3  }
0x12: {  	[tilespmem:s15+$0x0 ss:$0x81] =	vst.msk $0xffff, v1;
	s13 =	sor.u32 $0x400, s13;
	s12 =	sadd.s32 s16, s12  }
0x13: {  	[hbm4b:s12+s13] =	stream.strided.scatter [tilespmem:s14], [sflag:$0x2], $0x2000, s8, s13, $0x20;
	[tilespmem:$0x8080] =	vst v63  }
.LBB1_5:
0x14: {  	s14 =	sadd.s32 $0x1, s9  }
0x15: {  	s12 =	sadd.s32 $0x1000, s10;
	s16 =	smov.u32 s10;
	p2 =	sgt.s32 s14, $0x19  }
0x16: {  	s16 =	smov.u32 @p2 s12  }
0x17: {  	s14 =	simm.s32 @p2 $0x0;
	p2 =	sgt.s32 s16, $0x3FFF  }
0x18: {  	s16 =	smov.u32 @p2 s2;
	p2 =	sne.s32 s11, s7  }
.Ltmp1:
0x19: {  	p1 =	slt.u32 s11, $0x2;
	(pc) =	sbr.rel @!p2 .LBB1_6-.Ltmp1, $4  }
0x1a: {  	s15 =	simm.s32 @!p1 $0x2  }
0x1b: {  	s13 =	smov.u32 s10;
	p0 =	por !p0, !p0;
	_ =	swait.ge @!p1 [sflag:s15], $0x2000  }
0x1c: {  	s12 =	smov.u32 s9;
	[sflag:s15] =	ssyncset.done @!p1 $0x0;
	s9 =	smov.u32 s14  }
0x1d: {  	s11 =	sadd.s32 $0x1, s11;
	[sflag:s15] =	ssyncadd.s32 @!p1 $0xFFFFE000;
	s10 =	smov.u32 s16  }
.LBB1_1:
0x1e: {  	p1 =	sge.u32 s11, s5  }
0x1f: {  	s31 =	sadd.s32 $0xFFFFFFFF, s11;
	s14 =	sxor.u32 @!p1 $0xFFFFFFFF, s11  }
0x20: {  	s15 =	sshll.u32 @!p1 s10, $0x9;
	s16 =	sshll.u32 @!p1 s9, $0x4;
	s17 =	simm.s32 @!p1 $0x1000  }
0x21: {  	s14 =	sshll.u32 @!p1 s14, $0xD;
	s16 =	sand.u32 @!p1 $0x1F0, s16;
	s15 =	sadd.s32 @!p1 s6, s15  }
0x22: {  	s14 =	sand.u32 @!p1 $0x2000, s14;
	s15 =	sadd.s32 @!p1 s16, s15;
	s16 =	simm.s32 @!p1 $0x40  }
0x23: {  	[tilespmem:s14], [sflag:$0x1] =	stream.strided.gather @!p1 [hbm4b:s15+s16], $0x2000, s17, s16, $0x38;
	[tilespmem:$0x8080] =	vst v63  }
0x24: {  	p1 =	sge.u32 s31, s5  }
.Ltmp2:
0x25: {  	_ = 	snop;
	(pc) =	sbr.rel @p1 .LBB1_5-.Ltmp2, $1  }
0x26: {  	_ =	sdelay $0x3  }
0x27: {  	s14 =	simm.s32 $0x1  }
0x28: {  	_ =	swait.ge [sflag:s4], $0x2000;
	s14 =	simm.s32 @!p0 $0x0  }
0x29: {  	[sflag:s4] =	ssyncset.done $0x0;
	s15 =	sshll.u32 s14, $0xD  }
0x2a: {  	[sflag:s4] =	ssyncadd.s32 $0xFFFFE000;
	s18 =	sor.u32 $0x20, s15  }
0x2b: {  	s14 =	smul.u32 $0x8100, s14;
	v3 =	vld [tilespmem:s18+$0x10]  }
0x2c: {  	s30 =	sand.u32 $0x1, s11;
	v2 =	vld [tilespmem:s18+$0xFFFFFFF0]  }
0x2d: {  	s15 =	smul.u32 $0x8100, s30;
	s14 =	sshrl.u32 s14, $0x2;
	v0 =	vld [tilespmem:s18+$0x0]  }
0x2e: {  	v1 =	vld [tilespmem:s18+$0xFFFFFFE0];
	s16 =	sor.u32 $0x4000, s14  }
0x2f: {  	s31 =	sshrl.u32 s15, $0x2;
	s15 =	sadd.s32 $0x0, s16  }
0x30: {  	s17 =	simm.s32 $0x4;
	s18 =	sadd.s32 $0x40, s18;
	s14 =	sor.u32 $0x4000, s31;
	[tilespmem:s15+$0x1830 ss:$0x81] =	vst.msk $0xffff, v3  }
.LBB1_3:
0x31: {  	v3 =	vld [tilespmem:s18+$0x10];
	p1 =	sne.s32 s17, $0x1FC;
	[tilespmem:s15+$0x810 ss:$0x81] =	vst.msk $0xffff, v2;
	s19 =	smov.u32 s17;
	s17 =	sadd.s32 $0x4, s17  }
.Ltmp3:
0x32: {  	v2 =	vld [tilespmem:s18+$0xFFFFFFF0];
	[tilespmem:s15+$0x1020 ss:$0x81] =	vst.msk $0xffff, v0;
	(pc) =	sbr.rel @p1 .LBB1_3-.Ltmp3, $4  }
0x33: {  	v0 =	vld [tilespmem:s18+$0x0];
	[tilespmem:s15+$0x0 ss:$0x81] =	vst.msk $0xffff, v1  }
0x34: {  	s15 =	sshra.s32 s19, $0x2;
	v1 =	vld [tilespmem:s18+$0xFFFFFFE0]  }
0x35: {  	s15 =	sadd.s32 s15, s16  }
0x36: {  	s18 =	sadd.s32 $0x40, s18;
	[tilespmem:s15+$0x1830 ss:$0x81] =	vst.msk $0xffff, v3  }
.Ltmp4:
0x37: {  	_ = 	snop;
	(pc) =	sbr.rel .LBB1_4-.Ltmp4, $1  }
0x38: {  	_ =	sdelay $0x3  }
.LBB1_6:
0x39: {  	_ =	sfence.sel $0x180000  }
0x3a: {  	s2 =	simm.s32 $0x1;
	[bflag:$0x0] =	sbarrier.arrive $0xFFFF  }
0x3b: {  	s31 =	simm.s32 $0x2;
	[sflag:s2] =	ssyncpa.u1 $0x1  }
0x3c: {  	[sflag:s31] =	ssyncpa.u1 $0x1  }
0x3d: {  	p0 =	sne.s32 s0, $0x0;
	_ =	strace $0x9000004D  }
0x3e: {  	s0 =	sadd.s32 @!p0 $0x100000, s1;
	[bflag:$0x2] =	sbarrier.arrive $0xFFFF  }
0x3f: {  	[sflag:s0] =	ssyncadd.tile.s32 @!p0 $0x1;
	_ =	shalt  }
.Lfunc_end1:
_tile_overlayer_lowered:
.L_overlay_start_2:
0x40: {  	(tag) =	ssettag $0x2  }
0x41: {  	s0 =	rddreg [dreg:$0x0];
	s2 =	stileid.u32  }
0x42: {  	s1 =	rddreg [dreg:$0x1];
	p0 =	sne.s32 s2, $0x0  }
0x43: {  	s3 =	rddreg [dreg:$0x2];
	[bflag:$0x3] =	sbarrier.arrive $0xFFFF;
	s2 =	simm.s32 @!p0 $0x1C01  }
0x44: {  	[timem:s3], [sflag:s2] =	dma.local @!p0 [hbm:s0], s1  }
0x45: {  	s0 =	simm.s32 @!p0 $0x1  }
0x46: {  	_ =	swait.ge @!p0 [sflag:s0], s1  }
0x47: {  	s1 =	ssub.s32 @!p0 $0x0, s1;
	[sflag:s0] =	ssyncset.done @!p0 $0x0  }
0x48: {  	[sflag:s0] =	ssyncadd.s32 @!p0 s1  }
0x49: {  	[bflag:$0x3] =	sbarrier.arrive $0xFFFF  }
0x4a: {  	_ =	shalt  }

</sc_bundles>
